<compile_context>
chip_gen: v7x
topology: tpu7x:2x2x1
jax: 0.10.2.dev20260603
libtpu: 0.0.44.dev20260713+nightly
codegen_flags: <defaults>
</compile_context>

<pallas_src>
import jax
import jax.numpy as jnp
from jax import lax
from jax.experimental import pallas as pl
from jax.experimental.pallas import tpu as pltpu
from jax.experimental.pallas import tpu_sc as plsc

E_NUM = 100000
R_NUM = 500
T_NUM = 365
D = 128
B = 4096

_S = 8
_L = 6656
_NBLK = _L // _S

_NC = 2
_NS = 16
_NW = _NC * _NS
_BPW = B // _NW



def _pipelined_gathers(seq, base, bufs, sems):
    handles = [None, None]
    handles[0] = pltpu.async_copy(seq[0][0].at[seq[0][2]], bufs[0], sems[0])
    for i in range(1, len(seq)):
        tbl, _, idxv = seq[i]
        handles[i % 2] = pltpu.async_copy(tbl.at[idxv], bufs[i % 2],
                                          sems[i % 2])
        handles[(i - 1) % 2].wait()
        pltpu.sync_copy(bufs[(i - 1) % 2],
                        seq[i - 1][1].at[pl.ds(base, _BPW)])
    handles[(len(seq) - 1) % 2].wait()
    pltpu.sync_copy(bufs[(len(seq) - 1) % 2],
                    seq[-1][1].at[pl.ds(base, _BPW)])


def _sc_gather_body(ex, ey, ez, co, rxt, ryt, rzt, head, target, rel,
                    g8, order, ts,
                    hx, hy, hz, ext, eyt, ezt, rx, ry, rz, ch, ct2, bts,
                    ordv, hsv, tsv2, rsv, g8v, btsv,
                    rows_a, rows_b,
                    s0, s1, s2, s6, sa, sb):
    wid = lax.axis_index("s") * _NC + lax.axis_index("c")
    base = wid * _BPW

    pltpu.sync_copy(order.at[pl.ds(base, _BPW)], ordv)
    h_hs = pltpu.async_copy(head.at[ordv], hsv, s0)
    h_ts = pltpu.async_copy(target.at[ordv], tsv2, s1)
    h_rs = pltpu.async_copy(rel.at[ordv], rsv, s2)
    h_hs.wait()
    h_ts.wait()
    h_rs.wait()
    seq = [(co, ch, hsv), (co, ct2, tsv2),
           (ex, hx, hsv), (ey, hy, hsv), (ez, hz, hsv),
           (ex, ext, tsv2), (ey, eyt, tsv2), (ez, ezt, tsv2),
           (rxt, rx, rsv), (ryt, ry, rsv), (rzt, rz, rsv)]
    _pipelined_gathers(seq, base, (rows_a, rows_b), (sa, sb))

    @pl.when(wid == 0)
    def _():
        pltpu.sync_copy(g8, g8v)
        pltpu.async_copy(ts.at[g8v], btsv, s6).wait()
        pltpu.sync_copy(btsv, bts)


def _sc_gather(E_x, E_y, E_z, cores, R_x, R_y, R_z, head, target, rel,
               g8, order, ts):
    f32 = jnp.float32
    i32 = jnp.int32
    out_type = (
        [jax.ShapeDtypeStruct((B, D), f32)] * 9
        + [jax.ShapeDtypeStruct((B + _S, D), f32)] * 2
        + [jax.ShapeDtypeStruct((_NBLK,), i32)]
    )
    mesh = plsc.VectorSubcoreMesh(core_axis_name="c", subcore_axis_name="s")
    fn = pl.kernel(
        _sc_gather_body,
        out_type=out_type,
        mesh=mesh,
        scratch_types=[
            pltpu.VMEM((_BPW,), i32),
            pltpu.VMEM((_BPW,), i32),
            pltpu.VMEM((_BPW,), i32),
            pltpu.VMEM((_BPW,), i32),
            pltpu.VMEM((_NBLK,), i32),
            pltpu.VMEM((_NBLK,), i32),
            pltpu.VMEM((_BPW, D), f32),
            pltpu.VMEM((_BPW, D), f32),
        ] + [pltpu.SemaphoreType.DMA] * 6,
    )
    return fn(E_x, E_y, E_z, cores, R_x, R_y, R_z, head, target, rel,
              g8, order, ts)



_UNROLL = 52


def _mv_body(bts_ref, jk_ref, time_ref, ch_ref, ct_ref, out1_ref, out2_ref):
    def body(i, carry):
        for u in range(_UNROLL):
            k = i * _UNROLL + u
            t = bts_ref[k]
            j = jk_ref[k]
            m = time_ref[t]
            h8 = ch_ref[pl.ds(j, _S), :]
            t8 = ct_ref[pl.ds(j, _S), :]
            v = jnp.concatenate([h8, t8], axis=0)
            o = lax.dot_general(v, m, (((1,), (1,)), ((), ())),
                                preferred_element_type=jnp.float32)
            out1_ref[pl.ds(j, _S), :] = o[0:_S]
            out2_ref[pl.ds(j, _S), :] = o[_S:2 * _S]
        return carry

    lax.fori_loop(0, _NBLK // _UNROLL, body, 0)


def _mv_call(bts, jk, time_mat, ch, ct2, interpret=False):
    f32 = jnp.float32
    return pl.pallas_call(
        _mv_body,
        out_shape=[jax.ShapeDtypeStruct((B + _S, D), f32)] * 2,
        in_specs=[
            pl.BlockSpec(memory_space=pltpu.SMEM),
            pl.BlockSpec(memory_space=pltpu.SMEM),
            pl.BlockSpec(memory_space=pltpu.VMEM),
            pl.BlockSpec(memory_space=pltpu.VMEM),
            pl.BlockSpec(memory_space=pltpu.VMEM),
        ],
        out_specs=[pl.BlockSpec(memory_space=pltpu.VMEM)] * 2,
        interpret=interpret,
    )(bts, jk, time_mat, ch, ct2)



def _fuse_body(hct_ref, ctm_ref, hx_ref, hy_ref, hz_ref,
               ext_ref, eyt_ref, ezt_ref, rx_ref, ry_ref, rz_ref,
               w_ref, b_ref, sx_ref, sy_ref, sz_ref, sct_ref):
    w = w_ref[:]
    b = b_ref[:]

    def bn(x):
        mean = jnp.mean(x, axis=0, keepdims=True)
        var = jnp.mean((x - mean) ** 2, axis=0, keepdims=True)
        return (x - mean) / jnp.sqrt(var + 1e-5) * w + b

    h_ct = bn(hct_ref[0:B, :])
    h_x = bn(hx_ref[:])
    h_y = bn(hy_ref[:])
    h_z = bn(hz_ref[:])

    r_x = rx_ref[:]
    r_y = ry_ref[:]
    r_z = rz_ref[:]
    length = jnp.sqrt(r_x * r_x + r_y * r_y + r_z * r_z)
    r_v_rate = jax.nn.sigmoid(length)
    inv_len = 1.0 / length
    r_x = r_x * inv_len
    r_y = r_y * inv_len
    r_z = r_z * inv_len
    gamma = 1.0 / jnp.sqrt(1.0 - r_v_rate * r_v_rate)
    gm1 = gamma - 1.0
    grv = gamma * r_v_rate

    t_ct = gamma * h_ct + grv * (r_x * h_x + r_y * h_y + r_z * h_z)
    t_x = (r_x * grv) * h_ct + (1.0 + r_x * r_x * gm1) * h_x \
        + (r_x * r_y * gm1) * h_y + (r_x * r_z * gm1) * h_z
    t_y = (r_y * grv) * h_ct + (r_x * r_y * gm1) * h_x \
        + (1.0 + r_y * r_y * gm1) * h_y + (r_z * r_y * gm1) * h_z
    t_z = (r_z * grv) * h_ct + (r_x * r_z * gm1) * h_x \
        + (r_y * r_z * gm1) * h_y + (1.0 + r_z * r_z * gm1) * h_z

    sx_ref[:] = jnp.sum(t_x * ext_ref[:], axis=1)
    sy_ref[:] = jnp.sum(t_y * eyt_ref[:], axis=1)
    sz_ref[:] = jnp.sum(t_z * ezt_ref[:], axis=1)
    sct_ref[:] = jnp.sum(t_ct * ctm_ref[0:B, :], axis=1)


def _fuse_call(hct, ctm, hx, hy, hz, ext, eyt, ezt, rx, ry, rz, bn_w, bn_b,
               interpret=False):
    f32 = jnp.float32
    return pl.pallas_call(
        _fuse_body,
        out_shape=[jax.ShapeDtypeStruct((B,), f32)] * 4,
        interpret=interpret,
    )(hct, ctm, hx, hy, hz, ext, eyt, ezt, rx, ry, rz, bn_w, bn_b)



def kernel(head, rel, timestamp, target, E_x, E_y, E_z, cores,
           R_x, R_y, R_z, time_mat, bn_w, bn_b):
    i32 = jnp.int32
    head = head.astype(i32)
    rel = rel.astype(i32)
    ts = timestamp.astype(i32)
    target = target.astype(i32)

    f32 = jnp.float32
    j = jnp.arange(B, dtype=i32)
    oh = (ts[:, None] == jnp.arange(T_NUM, dtype=i32)[None, :]).astype(f32)
    oh3 = oh.reshape(32, B // 32, T_NUM)
    ltri = jnp.tril(jnp.ones((B // 32, B // 32), f32), -1)
    hi = lax.Precision.HIGHEST
    within = jnp.einsum('ij,cjt->cit', ltri, oh3)
    chunk_tot = oh3.sum(axis=1)
    prefix = jnp.cumsum(chunk_tot, axis=0) - chunk_tot
    rank_within = jnp.round(jnp.sum((within + prefix[:, None, :]) * oh3,
                                    axis=-1).reshape(B))
    counts = chunk_tot.sum(axis=0)
    seg_start = jnp.cumsum(counts) - counts
    pad_counts = jnp.floor((counts + (_S - 1)) / _S) * _S
    pad_start = jnp.cumsum(pad_counts) - pad_counts
    rank = jnp.round(jnp.matmul(oh, seg_start, precision=hi)
                     + rank_within).astype(i32)
    slot = jnp.round(jnp.matmul(oh, pad_start, precision=hi)
                     + rank_within).astype(i32)
    order = jnp.zeros((B,), i32).at[rank].set(j)
    g = (jnp.arange(_L, dtype=i32) % B).at[slot].set(j)
    realmask = jnp.zeros((_L,), i32).at[slot].set(1)
    vb = realmask.reshape(_NBLK, _S).sum(axis=1)
    jk = (jnp.cumsum(vb) - vb).astype(i32)
    g8 = g.reshape(_NBLK, _S)[:, 0]

    (hx, hy, hz, ext, eyt, ezt, rx, ry, rz, ch, ct2, bts) = _sc_gather(
        E_x, E_y, E_z, cores, R_x, R_y, R_z, head, target, rel,
        g8, order, ts)

    hct_p, ctm_p = _mv_call(bts, jk, time_mat, ch, ct2)
    sx, sy, sz, sct = _fuse_call(hct_p, ctm_p, hx, hy, hz, ext, eyt, ezt,
                                 rx, ry, rz, bn_w, bn_b)
    s4 = jnp.stack([sx, sy, sz, sct], axis=1)[rank]
    return s4[:, 0], s4[:, 1], s4[:, 2], s4[:, 3]

# --- scband reference (transcript-rebuilt; emitter-appended) ---
"""Pipeline reference for scband-loren-tz-e-core-88313117540853 (READ-ONLY COPY).

The authoritative reference and input builder live on the scoring server;
editing this copy changes nothing except your own understanding.
"""

import jax, jax.numpy as jnp
import numpy as np

E_NUM = 100000
R_NUM = 500
T_NUM = 365
D = 128
B = 4096


def _bn(x, w, b):
    # torch BatchNorm1d in training mode: batch stats, biased variance, eps=1e-5
    mean = jnp.mean(x, axis=0, keepdims=True)
    var = jnp.var(x, axis=0, keepdims=True)
    return (x - mean) / jnp.sqrt(var + 1e-5) * w + b


def setup_inputs(seed: int = 0) -> dict:
    key = jax.random.key(seed)
    ks = jax.random.split(key, 12)
    head = jax.random.randint(ks[0], (B,), 0, E_NUM)
    rel = jax.random.randint(ks[1], (B,), 0, R_NUM)
    timestamp = jax.random.randint(ks[2], (B,), 0, T_NUM)
    target = jax.random.randint(ks[3], (B,), 0, E_NUM)
    # learned parameters (xavier-like small init)
    E_x = jax.random.normal(ks[4], (E_NUM, D), dtype=jnp.float32) * 0.05
    E_y = jax.random.normal(ks[5], (E_NUM, D), dtype=jnp.float32) * 0.05
    E_z = jax.random.normal(ks[6], (E_NUM, D), dtype=jnp.float32) * 0.05
    cores = jax.random.normal(ks[7], (E_NUM, D), dtype=jnp.float32) * 0.05
    R_x = jax.random.normal(ks[8], (R_NUM, D), dtype=jnp.float32) * 0.5
    R_y = jax.random.normal(ks[9], (R_NUM, D), dtype=jnp.float32) * 0.5
    R_z = jax.random.normal(ks[10], (R_NUM, D), dtype=jnp.float32) * 0.5
    time_mat = jax.random.normal(ks[11], (T_NUM, D, D), dtype=jnp.float32) * 0.02
    bn_w = jnp.ones((D,), dtype=jnp.float32)
    bn_b = jnp.zeros((D,), dtype=jnp.float32)
    return {
        'head': head, 'rel': rel, 'timestamp': timestamp, 'target': target,
        'E_x': E_x, 'E_y': E_y, 'E_z': E_z, 'cores': cores,
        'R_x': R_x, 'R_y': R_y, 'R_z': R_z, 'time_mat': time_mat,
        'bn_w': bn_w, 'bn_b': bn_b,
    }


def reference(head, rel, timestamp, target, E_x, E_y, E_z, cores, R_x, R_y, R_z, time_mat, bn_w, bn_b):
    h_x = E_x[head]
    h_y = E_y[head]
    h_z = E_z[head]
    time = time_mat[timestamp]                      # [B, D, D] gather
    core_time = cores[head]                          # [B, D]
    h_ct = jnp.einsum('bij,bj->bi', time, core_time)  # bmm(time, core.unsqueeze(2)).squeeze()
    h_ct = _bn(h_ct, bn_w, bn_b)
    h_x = _bn(h_x, bn_w, bn_b)
    h_y = _bn(h_y, bn_w, bn_b)
    h_z = _bn(h_z, bn_w, bn_b)
    r_x = R_x[rel]
    r_y = R_y[rel]
    r_z = R_z[rel]
    length = jax.lax.stop_gradient(jnp.sqrt(r_x ** 2 + r_y ** 2 + r_z ** 2))
    r_v_rate = jax.nn.sigmoid(length)
    r_x = r_x / length
    r_y = r_y / length
    r_z = r_z / length
    r_v_rate_2 = r_v_rate * r_v_rate
    gamma = 1.0 / jnp.sqrt(1.0 - r_v_rate_2)
    t_ct = gamma * h_ct + gamma * r_x * r_v_rate * h_x + gamma * r_y * r_v_rate * h_y + gamma * r_z * r_v_rate * h_z
    t_x = r_x * r_v_rate * gamma * h_ct + (1 + r_x * r_x * (gamma - 1)) * h_x + r_x * r_y * (gamma - 1) * h_y + r_x * r_z * (gamma - 1) * h_z
    t_y = r_y * r_v_rate * gamma * h_ct + r_x * r_y * (gamma - 1) * h_x + (1 + r_y * r_y * (gamma - 1)) * h_y + r_z * r_y * (gamma - 1) * h_z
    t_z = r_z * r_v_rate * gamma * h_ct + r_x * r_z * (gamma - 1) * h_x + r_y * r_z * (gamma - 1) * h_y + (1 + r_z * r_z * (gamma - 1)) * h_z
    # dropout p=0.0 -> identity
    score_x = jnp.sum(t_x * E_x[target], axis=1)
    score_y = jnp.sum(t_y * E_y[target], axis=1)
    score_z = jnp.sum(t_z * E_z[target], axis=1)
    ct_measure = jnp.einsum('bij,bj->bi', time, cores[target])
    score_ct = jnp.sum(t_ct * ct_measure, axis=1)
    return (score_x, score_y, score_z, score_ct)

if __name__ == "__main__":
    import jax
    _d = setup_inputs()
    print(jax.jit(kernel)(*tuple(_d.values())))

</pallas_src>

<mosaic_0001>
#map = affine_map<(d0, d1) -> (0, 0)>
#map1 = affine_map<(d0, d1) -> (0)>
module attributes {stable_mosaic.version = 14 : i64} {
  func.func @_sc_gather_body(%arg0: i32, %arg1: i32, %arg2: memref<100000x128xf32, #tpu.memory_space<hbm>>, %arg3: memref<100000x128xf32, #tpu.memory_space<hbm>>, %arg4: memref<100000x128xf32, #tpu.memory_space<hbm>>, %arg5: memref<100000x128xf32, #tpu.memory_space<hbm>>, %arg6: memref<500x128xf32, #tpu.memory_space<hbm>>, %arg7: memref<500x128xf32, #tpu.memory_space<hbm>>, %arg8: memref<500x128xf32, #tpu.memory_space<hbm>>, %arg9: memref<4096xi32, #tpu.memory_space<hbm>>, %arg10: memref<4096xi32, #tpu.memory_space<hbm>>, %arg11: memref<4096xi32, #tpu.memory_space<hbm>>, %arg12: memref<832xi32, #tpu.memory_space<hbm>>, %arg13: memref<4096xi32, #tpu.memory_space<hbm>>, %arg14: memref<4096xi32, #tpu.memory_space<hbm>>, %arg15: memref<4096x128xf32, #tpu.memory_space<hbm>>, %arg16: memref<4096x128xf32, #tpu.memory_space<hbm>>, %arg17: memref<4096x128xf32, #tpu.memory_space<hbm>>, %arg18: memref<4096x128xf32, #tpu.memory_space<hbm>>, %arg19: memref<4096x128xf32, #tpu.memory_space<hbm>>, %arg20: memref<4096x128xf32, #tpu.memory_space<hbm>>, %arg21: memref<4096x128xf32, #tpu.memory_space<hbm>>, %arg22: memref<4096x128xf32, #tpu.memory_space<hbm>>, %arg23: memref<4096x128xf32, #tpu.memory_space<hbm>>, %arg24: memref<4104x128xf32, #tpu.memory_space<hbm>>, %arg25: memref<4104x128xf32, #tpu.memory_space<hbm>>, %arg26: memref<832xi32, #tpu.memory_space<hbm>>, %arg27: memref<128xi32, #tpu.memory_space<vmem>>, %arg28: memref<128xi32, #tpu.memory_space<vmem>>, %arg29: memref<128xi32, #tpu.memory_space<vmem>>, %arg30: memref<128xi32, #tpu.memory_space<vmem>>, %arg31: memref<832xi32, #tpu.memory_space<vmem>>, %arg32: memref<832xi32, #tpu.memory_space<vmem>>, %arg33: memref<128x128xf32, #tpu.memory_space<vmem>>, %arg34: memref<128x128xf32, #tpu.memory_space<vmem>>, %arg35: memref<!tpu.dma_semaphore, #tpu.memory_space<semaphore_mem>>, %arg36: memref<!tpu.dma_semaphore, #tpu.memory_space<semaphore_mem>>, %arg37: memref<!tpu.dma_semaphore, #tpu.memory_space<semaphore_mem>>, %arg38: memref<!tpu.dma_semaphore, #tpu.memory_space<semaphore_mem>>, %arg39: memref<!tpu.dma_semaphore, #tpu.memory_space<semaphore_mem>>, %arg40: memref<!tpu.dma_semaphore, #tpu.memory_space<semaphore_mem>>) attributes {dimension_semantics = [#tpu.dimension_semantics<core_parallel>, #tpu.dimension_semantics<subcore_parallel>], iteration_bounds = array<i64: 2, 16>, scalar_prefetch = 0 : i64, scratch_operands = 14 : i64, tpu.core_type = #tpu.core_type<sc_vector_subcore>, window_params = [{transform_indices = #map}, {transform_indices = #map}, {transform_indices = #map}, {transform_indices = #map}, {transform_indices = #map}, {transform_indices = #map}, {transform_indices = #map}, {transform_indices = #map1}, {transform_indices = #map1}, {transform_indices = #map1}, {transform_indices = #map1}, {transform_indices = #map1}, {transform_indices = #map1}, {transform_indices = #map}, {transform_indices = #map}, {transform_indices = #map}, {transform_indices = #map}, {transform_indices = #map}, {transform_indices = #map}, {transform_indices = #map}, {transform_indices = #map}, {transform_indices = #map}, {transform_indices = #map}, {transform_indices = #map}, {transform_indices = #map1}]} {
    %mul3A = arith.constant 2 : i32
    %mul3A_0 = arith.muli %arg1, %mul3A : i32
    %add3A = arith.addi %mul3A_0, %arg0 : i32
    %mul3A_1 = arith.constant 128 : i32
    %mul3A_2 = arith.muli %add3A, %mul3A_1 : i32
    "tpu.region"() ({
      %run_scoped3A = tpu.sem_alloc : memref<!tpu.dma_semaphore, #tpu.memory_space<semaphore_mem>>
      %dma_start3A_81 = tpu.memref_slice %arg13[%mul3A_2] : memref<4096xi32, #tpu.memory_space<hbm>> -> memref<128xi32, #tpu.memory_space<hbm>>
      %dma_start3A_82 = tpu.memref_slice %arg13[%mul3A_2] : memref<4096xi32, #tpu.memory_space<hbm>> -> memref<128xi32, #tpu.memory_space<hbm>>
      tpu.enqueue_dma source(%dma_start3A_82 : memref<128xi32, #tpu.memory_space<hbm>>) target(%arg27 : memref<128xi32, #tpu.memory_space<vmem>>) target_semaphore(%run_scoped3A : memref<!tpu.dma_semaphore, #tpu.memory_space<semaphore_mem>>)
      %dma_wait3A_83 = tpu.memref_slice %arg13[%mul3A_2] : memref<4096xi32, #tpu.memory_space<hbm>> -> memref<128xi32, #tpu.memory_space<hbm>>
      %dma_wait3A_84 = tpu.memref_slice %arg13[%mul3A_2] : memref<4096xi32, #tpu.memory_space<hbm>> -> memref<128xi32, #tpu.memory_space<hbm>>
      tpu.wait_dma2 semaphore(%run_scoped3A : memref<!tpu.dma_semaphore, #tpu.memory_space<semaphore_mem>>) src(%dma_wait3A_84 : memref<128xi32, #tpu.memory_space<hbm>>) dst(%arg27 : memref<128xi32, #tpu.memory_space<vmem>>)
      tpu.yield
    }) : () -> ()
    %dma_start3A = arith.constant 0 : i32
    %dma_start3A_3 = tpu.memref_slice %arg9[%dma_start3A] : memref<4096xi32, #tpu.memory_space<hbm>> -> memref<4096xi32, #tpu.memory_space<hbm>>
    tpu.enqueue_indirect_dma source(%dma_start3A_3 : memref<4096xi32, #tpu.memory_space<hbm>>) target(%arg28 : memref<128xi32, #tpu.memory_space<vmem>>) offsets(%arg27 : memref<128xi32, #tpu.memory_space<vmem>>) semaphore(%arg35 : memref<!tpu.dma_semaphore, #tpu.memory_space<semaphore_mem>>)
    %dma_start3A_4 = arith.constant 0 : i32
    %dma_start3A_5 = tpu.memref_slice %arg10[%dma_start3A_4] : memref<4096xi32, #tpu.memory_space<hbm>> -> memref<4096xi32, #tpu.memory_space<hbm>>
    tpu.enqueue_indirect_dma source(%dma_start3A_5 : memref<4096xi32, #tpu.memory_space<hbm>>) target(%arg29 : memref<128xi32, #tpu.memory_space<vmem>>) offsets(%arg27 : memref<128xi32, #tpu.memory_space<vmem>>) semaphore(%arg36 : memref<!tpu.dma_semaphore, #tpu.memory_space<semaphore_mem>>)
    %dma_start3A_6 = arith.constant 0 : i32
    %dma_start3A_7 = tpu.memref_slice %arg11[%dma_start3A_6] : memref<4096xi32, #tpu.memory_space<hbm>> -> memref<4096xi32, #tpu.memory_space<hbm>>
    tpu.enqueue_indirect_dma source(%dma_start3A_7 : memref<4096xi32, #tpu.memory_space<hbm>>) target(%arg30 : memref<128xi32, #tpu.memory_space<vmem>>) offsets(%arg27 : memref<128xi32, #tpu.memory_space<vmem>>) semaphore(%arg37 : memref<!tpu.dma_semaphore, #tpu.memory_space<semaphore_mem>>)
    %dma_wait3A = arith.constant 0 : i32
    %dma_wait3A_8 = tpu.memref_slice %arg9[%dma_wait3A] : memref<4096xi32, #tpu.memory_space<hbm>> -> memref<4096xi32, #tpu.memory_space<hbm>>
    tpu.wait_indirect_dma semaphore(%arg35 : memref<!tpu.dma_semaphore, #tpu.memory_space<semaphore_mem>>) src(%dma_wait3A_8 : memref<4096xi32, #tpu.memory_space<hbm>>) dst(%arg28 : memref<128xi32, #tpu.memory_space<vmem>>)
    %dma_wait3A_9 = arith.constant 0 : i32
    %dma_wait3A_10 = tpu.memref_slice %arg10[%dma_wait3A_9] : memref<4096xi32, #tpu.memory_space<hbm>> -> memref<4096xi32, #tpu.memory_space<hbm>>
    tpu.wait_indirect_dma semaphore(%arg36 : memref<!tpu.dma_semaphore, #tpu.memory_space<semaphore_mem>>) src(%dma_wait3A_10 : memref<4096xi32, #tpu.memory_space<hbm>>) dst(%arg29 : memref<128xi32, #tpu.memory_space<vmem>>)
    %dma_wait3A_11 = arith.constant 0 : i32
    %dma_wait3A_12 = tpu.memref_slice %arg11[%dma_wait3A_11] : memref<4096xi32, #tpu.memory_space<hbm>> -> memref<4096xi32, #tpu.memory_space<hbm>>
    tpu.wait_indirect_dma semaphore(%arg37 : memref<!tpu.dma_semaphore, #tpu.memory_space<semaphore_mem>>) src(%dma_wait3A_12 : memref<4096xi32, #tpu.memory_space<hbm>>) dst(%arg30 : memref<128xi32, #tpu.memory_space<vmem>>)
    %dma_start3A_13 = arith.constant 0 : i32
    %dma_start3A_14 = arith.constant 0 : i32
    %dma_start3A_15 = tpu.memref_slice %arg5[%dma_start3A_13, %dma_start3A_14] : memref<100000x128xf32, #tpu.memory_space<hbm>> -> memref<100000x128xf32, #tpu.memory_space<hbm>>
    tpu.enqueue_indirect_dma source(%dma_start3A_15 : memref<100000x128xf32, #tpu.memory_space<hbm>>) target(%arg33 : memref<128x128xf32, #tpu.memory_space<vmem>>) offsets(%arg28 : memref<128xi32, #tpu.memory_space<vmem>>) semaphore(%arg39 : memref<!tpu.dma_semaphore, #tpu.memory_space<semaphore_mem>>)
    %dma_start3A_16 = arith.constant 0 : i32
    %dma_start3A_17 = arith.constant 0 : i32
    %dma_start3A_18 = tpu.memref_slice %arg5[%dma_start3A_16, %dma_start3A_17] : memref<100000x128xf32, #tpu.memory_space<hbm>> -> memref<100000x128xf32, #tpu.memory_space<hbm>>
    tpu.enqueue_indirect_dma source(%dma_start3A_18 : memref<100000x128xf32, #tpu.memory_space<hbm>>) target(%arg34 : memref<128x128xf32, #tpu.memory_space<vmem>>) offsets(%arg29 : memref<128xi32, #tpu.memory_space<vmem>>) semaphore(%arg40 : memref<!tpu.dma_semaphore, #tpu.memory_space<semaphore_mem>>)
    %dma_wait3A_19 = arith.constant 0 : i32
    %dma_wait3A_20 = arith.constant 0 : i32
    %dma_wait3A_21 = tpu.memref_slice %arg5[%dma_wait3A_19, %dma_wait3A_20] : memref<100000x128xf32, #tpu.memory_space<hbm>> -> memref<100000x128xf32, #tpu.memory_space<hbm>>
    tpu.wait_indirect_dma semaphore(%arg39 : memref<!tpu.dma_semaphore, #tpu.memory_space<semaphore_mem>>) src(%dma_wait3A_21 : memref<100000x128xf32, #tpu.memory_space<hbm>>) dst(%arg33 : memref<128x128xf32, #tpu.memory_space<vmem>>)
    "tpu.region"() ({
      %run_scoped3A = tpu.sem_alloc : memref<!tpu.dma_semaphore, #tpu.memory_space<semaphore_mem>>
      %dma_start3A_81 = arith.constant 0 : i32
      %dma_start3A_82 = tpu.memref_slice %arg24[%mul3A_2, %dma_start3A_81] : memref<4104x128xf32, #tpu.memory_space<hbm>> -> memref<128x128xf32, #tpu.memory_space<hbm>>
      %dma_start3A_83 = arith.constant 0 : i32
      %dma_start3A_84 = tpu.memref_slice %arg24[%mul3A_2, %dma_start3A_83] : memref<4104x128xf32, #tpu.memory_space<hbm>> -> memref<128x128xf32, #tpu.memory_space<hbm>>
      tpu.enqueue_dma source(%arg33 : memref<128x128xf32, #tpu.memory_space<vmem>>) target(%dma_start3A_84 : memref<128x128xf32, #tpu.memory_space<hbm>>) target_semaphore(%run_scoped3A : memref<!tpu.dma_semaphore, #tpu.memory_space<semaphore_mem>>)
      %dma_wait3A_85 = arith.constant 0 : i32
      %dma_wait3A_86 = tpu.memref_slice %arg24[%mul3A_2, %dma_wait3A_85] : memref<4104x128xf32, #tpu.memory_space<hbm>> -> memref<128x128xf32, #tpu.memory_space<hbm>>
      %dma_wait3A_87 = arith.constant 0 : i32
      %dma_wait3A_88 = tpu.memref_slice %arg24[%mul3A_2, %dma_wait3A_87] : memref<4104x128xf32, #tpu.memory_space<hbm>> -> memref<128x128xf32, #tpu.memory_space<hbm>>
      tpu.wait_dma2 semaphore(%run_scoped3A : memref<!tpu.dma_semaphore, #tpu.memory_space<semaphore_mem>>) src(%arg33 : memref<128x128xf32, #tpu.memory_space<vmem>>) dst(%dma_wait3A_88 : memref<128x128xf32, #tpu.memory_space<hbm>>)
      tpu.yield
    }) : () -> ()
    %dma_start3A_22 = arith.constant 0 : i32
    %dma_start3A_23 = arith.constant 0 : i32
    %dma_start3A_24 = tpu.memref_slice %arg2[%dma_start3A_22, %dma_start3A_23] : memref<100000x128xf32, #tpu.memory_space<hbm>> -> memref<100000x128xf32, #tpu.memory_space<hbm>>
    tpu.enqueue_indirect_dma source(%dma_start3A_24 : memref<100000x128xf32, #tpu.memory_space<hbm>>) target(%arg33 : memref<128x128xf32, #tpu.memory_space<vmem>>) offsets(%arg28 : memref<128xi32, #tpu.memory_space<vmem>>) semaphore(%arg39 : memref<!tpu.dma_semaphore, #tpu.memory_space<semaphore_mem>>)
    %dma_wait3A_25 = arith.constant 0 : i32
    %dma_wait3A_26 = arith.constant 0 : i32
    %dma_wait3A_27 = tpu.memref_slice %arg5[%dma_wait3A_25, %dma_wait3A_26] : memref<100000x128xf32, #tpu.memory_space<hbm>> -> memref<100000x128xf32, #tpu.memory_space<hbm>>
    tpu.wait_indirect_dma semaphore(%arg40 : memref<!tpu.dma_semaphore, #tpu.memory_space<semaphore_mem>>) src(%dma_wait3A_27 : memref<100000x128xf32, #tpu.memory_space<hbm>>) dst(%arg34 : memref<128x128xf32, #tpu.memory_space<vmem>>)
    "tpu.region"() ({
      %run_scoped3A = tpu.sem_alloc : memref<!tpu.dma_semaphore, #tpu.memory_space<semaphore_mem>>
      %dma_start3A_81 = arith.constant 0 : i32
      %dma_start3A_82 = tpu.memref_slice %arg25[%mul3A_2, %dma_start3A_81] : memref<4104x128xf32, #tpu.memory_space<hbm>> -> memref<128x128xf32, #tpu.memory_space<hbm>>
      %dma_start3A_83 = arith.constant 0 : i32
      %dma_start3A_84 = tpu.memref_slice %arg25[%mul3A_2, %dma_start3A_83] : memref<4104x128xf32, #tpu.memory_space<hbm>> -> memref<128x128xf32, #tpu.memory_space<hbm>>
      tpu.enqueue_dma source(%arg34 : memref<128x128xf32, #tpu.memory_space<vmem>>) target(%dma_start3A_84 : memref<128x128xf32, #tpu.memory_space<hbm>>) target_semaphore(%run_scoped3A : memref<!tpu.dma_semaphore, #tpu.memory_space<semaphore_mem>>)
      %dma_wait3A_85 = arith.constant 0 : i32
      %dma_wait3A_86 = tpu.memref_slice %arg25[%mul3A_2, %dma_wait3A_85] : memref<4104x128xf32, #tpu.memory_space<hbm>> -> memref<128x128xf32, #tpu.memory_space<hbm>>
      %dma_wait3A_87 = arith.constant 0 : i32
      %dma_wait3A_88 = tpu.memref_slice %arg25[%mul3A_2, %dma_wait3A_87] : memref<4104x128xf32, #tpu.memory_space<hbm>> -> memref<128x128xf32, #tpu.memory_space<hbm>>
      tpu.wait_dma2 semaphore(%run_scoped3A : memref<!tpu.dma_semaphore, #tpu.memory_space<semaphore_mem>>) src(%arg34 : memref<128x128xf32, #tpu.memory_space<vmem>>) dst(%dma_wait3A_88 : memref<128x128xf32, #tpu.memory_space<hbm>>)
      tpu.yield
    }) : () -> ()
    %dma_start3A_28 = arith.constant 0 : i32
    %dma_start3A_29 = arith.constant 0 : i32
    %dma_start3A_30 = tpu.memref_slice %arg3[%dma_start3A_28, %dma_start3A_29] : memref<100000x128xf32, #tpu.memory_space<hbm>> -> memref<100000x128xf32, #tpu.memory_space<hbm>>
    tpu.enqueue_indirect_dma source(%dma_start3A_30 : memref<100000x128xf32, #tpu.memory_space<hbm>>) target(%arg34 : memref<128x128xf32, #tpu.memory_space<vmem>>) offsets(%arg28 : memref<128xi32, #tpu.memory_space<vmem>>) semaphore(%arg40 : memref<!tpu.dma_semaphore, #tpu.memory_space<semaphore_mem>>)
    %dma_wait3A_31 = arith.constant 0 : i32
    %dma_wait3A_32 = arith.constant 0 : i32
    %dma_wait3A_33 = tpu.memref_slice %arg2[%dma_wait3A_31, %dma_wait3A_32] : memref<100000x128xf32, #tpu.memory_space<hbm>> -> memref<100000x128xf32, #tpu.memory_space<hbm>>
    tpu.wait_indirect_dma semaphore(%arg39 : memref<!tpu.dma_semaphore, #tpu.memory_space<semaphore_mem>>) src(%dma_wait3A_33 : memref<100000x128xf32, #tpu.memory_space<hbm>>) dst(%arg33 : memref<128x128xf32, #tpu.memory_space<vmem>>)
    "tpu.region"() ({
      %run_scoped3A = tpu.sem_alloc : memref<!tpu.dma_semaphore, #tpu.memory_space<semaphore_mem>>
      %dma_start3A_81 = arith.constant 0 : i32
      %dma_start3A_82 = tpu.memref_slice %arg15[%mul3A_2, %dma_start3A_81] : memref<4096x128xf32, #tpu.memory_space<hbm>> -> memref<128x128xf32, #tpu.memory_space<hbm>>
      %dma_start3A_83 = arith.constant 0 : i32
      %dma_start3A_84 = tpu.memref_slice %arg15[%mul3A_2, %dma_start3A_83] : memref<4096x128xf32, #tpu.memory_space<hbm>> -> memref<128x128xf32, #tpu.memory_space<hbm>>
      tpu.enqueue_dma source(%arg33 : memref<128x128xf32, #tpu.memory_space<vmem>>) target(%dma_start3A_84 : memref<128x128xf32, #tpu.memory_space<hbm>>) target_semaphore(%run_scoped3A : memref<!tpu.dma_semaphore, #tpu.memory_space<semaphore_mem>>)
      %dma_wait3A_85 = arith.constant 0 : i32
      %dma_wait3A_86 = tpu.memref_slice %arg15[%mul3A_2, %dma_wait3A_85] : memref<4096x128xf32, #tpu.memory_space<hbm>> -> memref<128x128xf32, #tpu.memory_space<hbm>>
      %dma_wait3A_87 = arith.constant 0 : i32
      %dma_wait3A_88 = tpu.memref_slice %arg15[%mul3A_2, %dma_wait3A_87] : memref<4096x128xf32, #tpu.memory_space<hbm>> -> memref<128x128xf32, #tpu.memory_space<hbm>>
      tpu.wait_dma2 semaphore(%run_scoped3A : memref<!tpu.dma_semaphore, #tpu.memory_space<semaphore_mem>>) src(%arg33 : memref<128x128xf32, #tpu.memory_space<vmem>>) dst(%dma_wait3A_88 : memref<128x128xf32, #tpu.memory_space<hbm>>)
      tpu.yield
    }) : () -> ()
    %dma_start3A_34 = arith.constant 0 : i32
    %dma_start3A_35 = arith.constant 0 : i32
    %dma_start3A_36 = tpu.memref_slice %arg4[%dma_start3A_34, %dma_start3A_35] : memref<100000x128xf32, #tpu.memory_space<hbm>> -> memref<100000x128xf32, #tpu.memory_space<hbm>>
    tpu.enqueue_indirect_dma source(%dma_start3A_36 : memref<100000x128xf32, #tpu.memory_space<hbm>>) target(%arg33 : memref<128x128xf32, #tpu.memory_space<vmem>>) offsets(%arg28 : memref<128xi32, #tpu.memory_space<vmem>>) semaphore(%arg39 : memref<!tpu.dma_semaphore, #tpu.memory_space<semaphore_mem>>)
    %dma_wait3A_37 = arith.constant 0 : i32
    %dma_wait3A_38 = arith.constant 0 : i32
    %dma_wait3A_39 = tpu.memref_slice %arg3[%dma_wait3A_37, %dma_wait3A_38] : memref<100000x128xf32, #tpu.memory_space<hbm>> -> memref<100000x128xf32, #tpu.memory_space<hbm>>
    tpu.wait_indirect_dma semaphore(%arg40 : memref<!tpu.dma_semaphore, #tpu.memory_space<semaphore_mem>>) src(%dma_wait3A_39 : memref<100000x128xf32, #tpu.memory_space<hbm>>) dst(%arg34 : memref<128x128xf32, #tpu.memory_space<vmem>>)
    "tpu.region"() ({
      %run_scoped3A = tpu.sem_alloc : memref<!tpu.dma_semaphore, #tpu.memory_space<semaphore_mem>>
      %dma_start3A_81 = arith.constant 0 : i32
      %dma_start3A_82 = tpu.memref_slice %arg16[%mul3A_2, %dma_start3A_81] : memref<4096x128xf32, #tpu.memory_space<hbm>> -> memref<128x128xf32, #tpu.memory_space<hbm>>
      %dma_start3A_83 = arith.constant 0 : i32
      %dma_start3A_84 = tpu.memref_slice %arg16[%mul3A_2, %dma_start3A_83] : memref<4096x128xf32, #tpu.memory_space<hbm>> -> memref<128x128xf32, #tpu.memory_space<hbm>>
      tpu.enqueue_dma source(%arg34 : memref<128x128xf32, #tpu.memory_space<vmem>>) target(%dma_start3A_84 : memref<128x128xf32, #tpu.memory_space<hbm>>) target_semaphore(%run_scoped3A : memref<!tpu.dma_semaphore, #tpu.memory_space<semaphore_mem>>)
      %dma_wait3A_85 = arith.constant 0 : i32
      %dma_wait3A_86 = tpu.memref_slice %arg16[%mul3A_2, %dma_wait3A_85] : memref<4096x128xf32, #tpu.memory_space<hbm>> -> memref<128x128xf32, #tpu.memory_space<hbm>>
      %dma_wait3A_87 = arith.constant 0 : i32
      %dma_wait3A_88 = tpu.memref_slice %arg16[%mul3A_2, %dma_wait3A_87] : memref<4096x128xf32, #tpu.memory_space<hbm>> -> memref<128x128xf32, #tpu.memory_space<hbm>>
      tpu.wait_dma2 semaphore(%run_scoped3A : memref<!tpu.dma_semaphore, #tpu.memory_space<semaphore_mem>>) src(%arg34 : memref<128x128xf32, #tpu.memory_space<vmem>>) dst(%dma_wait3A_88 : memref<128x128xf32, #tpu.memory_space<hbm>>)
      tpu.yield
    }) : () -> ()
    %dma_start3A_40 = arith.constant 0 : i32
    %dma_start3A_41 = arith.constant 0 : i32
    %dma_start3A_42 = tpu.memref_slice %arg2[%dma_start3A_40, %dma_start3A_41] : memref<100000x128xf32, #tpu.memory_space<hbm>> -> memref<100000x128xf32, #tpu.memory_space<hbm>>
    tpu.enqueue_indirect_dma source(%dma_start3A_42 : memref<100000x128xf32, #tpu.memory_space<hbm>>) target(%arg34 : memref<128x128xf32, #tpu.memory_space<vmem>>) offsets(%arg29 : memref<128xi32, #tpu.memory_space<vmem>>) semaphore(%arg40 : memref<!tpu.dma_semaphore, #tpu.memory_space<semaphore_mem>>)
    %dma_wait3A_43 = arith.constant 0 : i32
    %dma_wait3A_44 = arith.constant 0 : i32
    %dma_wait3A_45 = tpu.memref_slice %arg4[%dma_wait3A_43, %dma_wait3A_44] : memref<100000x128xf32, #tpu.memory_space<hbm>> -> memref<100000x128xf32, #tpu.memory_space<hbm>>
    tpu.wait_indirect_dma semaphore(%arg39 : memref<!tpu.dma_semaphore, #tpu.memory_space<semaphore_mem>>) src(%dma_wait3A_45 : memref<100000x128xf32, #tpu.memory_space<hbm>>) dst(%arg33 : memref<128x128xf32, #tpu.memory_space<vmem>>)
    "tpu.region"() ({
      %run_scoped3A = tpu.sem_alloc : memref<!tpu.dma_semaphore, #tpu.memory_space<semaphore_mem>>
      %dma_start3A_81 = arith.constant 0 : i32
      %dma_start3A_82 = tpu.memref_slice %arg17[%mul3A_2, %dma_start3A_81] : memref<4096x128xf32, #tpu.memory_space<hbm>> -> memref<128x128xf32, #tpu.memory_space<hbm>>
      %dma_start3A_83 = arith.constant 0 : i32
      %dma_start3A_84 = tpu.memref_slice %arg17[%mul3A_2, %dma_start3A_83] : memref<4096x128xf32, #tpu.memory_space<hbm>> -> memref<128x128xf32, #tpu.memory_space<hbm>>
      tpu.enqueue_dma source(%arg33 : memref<128x128xf32, #tpu.memory_space<vmem>>) target(%dma_start3A_84 : memref<128x128xf32, #tpu.memory_space<hbm>>) target_semaphore(%run_scoped3A : memref<!tpu.dma_semaphore, #tpu.memory_space<semaphore_mem>>)
      %dma_wait3A_85 = arith.constant 0 : i32
      %dma_wait3A_86 = tpu.memref_slice %arg17[%mul3A_2, %dma_wait3A_85] : memref<4096x128xf32, #tpu.memory_space<hbm>> -> memref<128x128xf32, #tpu.memory_space<hbm>>
      %dma_wait3A_87 = arith.constant 0 : i32
      %dma_wait3A_88 = tpu.memref_slice %arg17[%mul3A_2, %dma_wait3A_87] : memref<4096x128xf32, #tpu.memory_space<hbm>> -> memref<128x128xf32, #tpu.memory_space<hbm>>
      tpu.wait_dma2 semaphore(%run_scoped3A : memref<!tpu.dma_semaphore, #tpu.memory_space<semaphore_mem>>) src(%arg33 : memref<128x128xf32, #tpu.memory_space<vmem>>) dst(%dma_wait3A_88 : memref<128x128xf32, #tpu.memory_space<hbm>>)
      tpu.yield
    }) : () -> ()
    %dma_start3A_46 = arith.constant 0 : i32
    %dma_start3A_47 = arith.constant 0 : i32
    %dma_start3A_48 = tpu.memref_slice %arg3[%dma_start3A_46, %dma_start3A_47] : memref<100000x128xf32, #tpu.memory_space<hbm>> -> memref<100000x128xf32, #tpu.memory_space<hbm>>
    tpu.enqueue_indirect_dma source(%dma_start3A_48 : memref<100000x128xf32, #tpu.memory_space<hbm>>) target(%arg33 : memref<128x128xf32, #tpu.memory_space<vmem>>) offsets(%arg29 : memref<128xi32, #tpu.memory_space<vmem>>) semaphore(%arg39 : memref<!tpu.dma_semaphore, #tpu.memory_space<semaphore_mem>>)
    %dma_wait3A_49 = arith.constant 0 : i32
    %dma_wait3A_50 = arith.constant 0 : i32
    %dma_wait3A_51 = tpu.memref_slice %arg2[%dma_wait3A_49, %dma_wait3A_50] : memref<100000x128xf32, #tpu.memory_space<hbm>> -> memref<100000x128xf32, #tpu.memory_space<hbm>>
    tpu.wait_indirect_dma semaphore(%arg40 : memref<!tpu.dma_semaphore, #tpu.memory_space<semaphore_mem>>) src(%dma_wait3A_51 : memref<100000x128xf32, #tpu.memory_space<hbm>>) dst(%arg34 : memref<128x128xf32, #tpu.memory_space<vmem>>)
    "tpu.region"() ({
      %run_scoped3A = tpu.sem_alloc : memref<!tpu.dma_semaphore, #tpu.memory_space<semaphore_mem>>
      %dma_start3A_81 = arith.constant 0 : i32
      %dma_start3A_82 = tpu.memref_slice %arg18[%mul3A_2, %dma_start3A_81] : memref<4096x128xf32, #tpu.memory_space<hbm>> -> memref<128x128xf32, #tpu.memory_space<hbm>>
      %dma_start3A_83 = arith.constant 0 : i32
      %dma_start3A_84 = tpu.memref_slice %arg18[%mul3A_2, %dma_start3A_83] : memref<4096x128xf32, #tpu.memory_space<hbm>> -> memref<128x128xf32, #tpu.memory_space<hbm>>
      tpu.enqueue_dma source(%arg34 : memref<128x128xf32, #tpu.memory_space<vmem>>) target(%dma_start3A_84 : memref<128x128xf32, #tpu.memory_space<hbm>>) target_semaphore(%run_scoped3A : memref<!tpu.dma_semaphore, #tpu.memory_space<semaphore_mem>>)
      %dma_wait3A_85 = arith.constant 0 : i32
      %dma_wait3A_86 = tpu.memref_slice %arg18[%mul3A_2, %dma_wait3A_85] : memref<4096x128xf32, #tpu.memory_space<hbm>> -> memref<128x128xf32, #tpu.memory_space<hbm>>
      %dma_wait3A_87 = arith.constant 0 : i32
      %dma_wait3A_88 = tpu.memref_slice %arg18[%mul3A_2, %dma_wait3A_87] : memref<4096x128xf32, #tpu.memory_space<hbm>> -> memref<128x128xf32, #tpu.memory_space<hbm>>
      tpu.wait_dma2 semaphore(%run_scoped3A : memref<!tpu.dma_semaphore, #tpu.memory_space<semaphore_mem>>) src(%arg34 : memref<128x128xf32, #tpu.memory_space<vmem>>) dst(%dma_wait3A_88 : memref<128x128xf32, #tpu.memory_space<hbm>>)
      tpu.yield
    }) : () -> ()
    %dma_start3A_52 = arith.constant 0 : i32
    %dma_start3A_53 = arith.constant 0 : i32
    %dma_start3A_54 = tpu.memref_slice %arg4[%dma_start3A_52, %dma_start3A_53] : memref<100000x128xf32, #tpu.memory_space<hbm>> -> memref<100000x128xf32, #tpu.memory_space<hbm>>
    tpu.enqueue_indirect_dma source(%dma_start3A_54 : memref<100000x128xf32, #tpu.memory_space<hbm>>) target(%arg34 : memref<128x128xf32, #tpu.memory_space<vmem>>) offsets(%arg29 : memref<128xi32, #tpu.memory_space<vmem>>) semaphore(%arg40 : memref<!tpu.dma_semaphore, #tpu.memory_space<semaphore_mem>>)
    %dma_wait3A_55 = arith.constant 0 : i32
    %dma_wait3A_56 = arith.constant 0 : i32
    %dma_wait3A_57 = tpu.memref_slice %arg3[%dma_wait3A_55, %dma_wait3A_56] : memref<100000x128xf32, #tpu.memory_space<hbm>> -> memref<100000x128xf32, #tpu.memory_space<hbm>>
    tpu.wait_indirect_dma semaphore(%arg39 : memref<!tpu.dma_semaphore, #tpu.memory_space<semaphore_mem>>) src(%dma_wait3A_57 : memref<100000x128xf32, #tpu.memory_space<hbm>>) dst(%arg33 : memref<128x128xf32, #tpu.memory_space<vmem>>)
    "tpu.region"() ({
      %run_scoped3A = tpu.sem_alloc : memref<!tpu.dma_semaphore, #tpu.memory_space<semaphore_mem>>
      %dma_start3A_81 = arith.constant 0 : i32
      %dma_start3A_82 = tpu.memref_slice %arg19[%mul3A_2, %dma_start3A_81] : memref<4096x128xf32, #tpu.memory_space<hbm>> -> memref<128x128xf32, #tpu.memory_space<hbm>>
      %dma_start3A_83 = arith.constant 0 : i32
      %dma_start3A_84 = tpu.memref_slice %arg19[%mul3A_2, %dma_start3A_83] : memref<4096x128xf32, #tpu.memory_space<hbm>> -> memref<128x128xf32, #tpu.memory_space<hbm>>
      tpu.enqueue_dma source(%arg33 : memref<128x128xf32, #tpu.memory_space<vmem>>) target(%dma_start3A_84 : memref<128x128xf32, #tpu.memory_space<hbm>>) target_semaphore(%run_scoped3A : memref<!tpu.dma_semaphore, #tpu.memory_space<semaphore_mem>>)
      %dma_wait3A_85 = arith.constant 0 : i32
      %dma_wait3A_86 = tpu.memref_slice %arg19[%mul3A_2, %dma_wait3A_85] : memref<4096x128xf32, #tpu.memory_space<hbm>> -> memref<128x128xf32, #tpu.memory_space<hbm>>
      %dma_wait3A_87 = arith.constant 0 : i32
      %dma_wait3A_88 = tpu.memref_slice %arg19[%mul3A_2, %dma_wait3A_87] : memref<4096x128xf32, #tpu.memory_space<hbm>> -> memref<128x128xf32, #tpu.memory_space<hbm>>
      tpu.wait_dma2 semaphore(%run_scoped3A : memref<!tpu.dma_semaphore, #tpu.memory_space<semaphore_mem>>) src(%arg33 : memref<128x128xf32, #tpu.memory_space<vmem>>) dst(%dma_wait3A_88 : memref<128x128xf32, #tpu.memory_space<hbm>>)
      tpu.yield
    }) : () -> ()
    %dma_start3A_58 = arith.constant 0 : i32
    %dma_start3A_59 = arith.constant 0 : i32
    %dma_start3A_60 = tpu.memref_slice %arg6[%dma_start3A_58, %dma_start3A_59] : memref<500x128xf32, #tpu.memory_space<hbm>> -> memref<500x128xf32, #tpu.memory_space<hbm>>
    tpu.enqueue_indirect_dma source(%dma_start3A_60 : memref<500x128xf32, #tpu.memory_space<hbm>>) target(%arg33 : memref<128x128xf32, #tpu.memory_space<vmem>>) offsets(%arg30 : memref<128xi32, #tpu.memory_space<vmem>>) semaphore(%arg39 : memref<!tpu.dma_semaphore, #tpu.memory_space<semaphore_mem>>)
    %dma_wait3A_61 = arith.constant 0 : i32
    %dma_wait3A_62 = arith.constant 0 : i32
    %dma_wait3A_63 = tpu.memref_slice %arg4[%dma_wait3A_61, %dma_wait3A_62] : memref<100000x128xf32, #tpu.memory_space<hbm>> -> memref<100000x128xf32, #tpu.memory_space<hbm>>
    tpu.wait_indirect_dma semaphore(%arg40 : memref<!tpu.dma_semaphore, #tpu.memory_space<semaphore_mem>>) src(%dma_wait3A_63 : memref<100000x128xf32, #tpu.memory_space<hbm>>) dst(%arg34 : memref<128x128xf32, #tpu.memory_space<vmem>>)
    "tpu.region"() ({
      %run_scoped3A = tpu.sem_alloc : memref<!tpu.dma_semaphore, #tpu.memory_space<semaphore_mem>>
      %dma_start3A_81 = arith.constant 0 : i32
      %dma_start3A_82 = tpu.memref_slice %arg20[%mul3A_2, %dma_start3A_81] : memref<4096x128xf32, #tpu.memory_space<hbm>> -> memref<128x128xf32, #tpu.memory_space<hbm>>
      %dma_start3A_83 = arith.constant 0 : i32
      %dma_start3A_84 = tpu.memref_slice %arg20[%mul3A_2, %dma_start3A_83] : memref<4096x128xf32, #tpu.memory_space<hbm>> -> memref<128x128xf32, #tpu.memory_space<hbm>>
      tpu.enqueue_dma source(%arg34 : memref<128x128xf32, #tpu.memory_space<vmem>>) target(%dma_start3A_84 : memref<128x128xf32, #tpu.memory_space<hbm>>) target_semaphore(%run_scoped3A : memref<!tpu.dma_semaphore, #tpu.memory_space<semaphore_mem>>)
      %dma_wait3A_85 = arith.constant 0 : i32
      %dma_wait3A_86 = tpu.memref_slice %arg20[%mul3A_2, %dma_wait3A_85] : memref<4096x128xf32, #tpu.memory_space<hbm>> -> memref<128x128xf32, #tpu.memory_space<hbm>>
      %dma_wait3A_87 = arith.constant 0 : i32
      %dma_wait3A_88 = tpu.memref_slice %arg20[%mul3A_2, %dma_wait3A_87] : memref<4096x128xf32, #tpu.memory_space<hbm>> -> memref<128x128xf32, #tpu.memory_space<hbm>>
      tpu.wait_dma2 semaphore(%run_scoped3A : memref<!tpu.dma_semaphore, #tpu.memory_space<semaphore_mem>>) src(%arg34 : memref<128x128xf32, #tpu.memory_space<vmem>>) dst(%dma_wait3A_88 : memref<128x128xf32, #tpu.memory_space<hbm>>)
      tpu.yield
    }) : () -> ()
    %dma_start3A_64 = arith.constant 0 : i32
    %dma_start3A_65 = arith.constant 0 : i32
    %dma_start3A_66 = tpu.memref_slice %arg7[%dma_start3A_64, %dma_start3A_65] : memref<500x128xf32, #tpu.memory_space<hbm>> -> memref<500x128xf32, #tpu.memory_space<hbm>>
    tpu.enqueue_indirect_dma source(%dma_start3A_66 : memref<500x128xf32, #tpu.memory_space<hbm>>) target(%arg34 : memref<128x128xf32, #tpu.memory_space<vmem>>) offsets(%arg30 : memref<128xi32, #tpu.memory_space<vmem>>) semaphore(%arg40 : memref<!tpu.dma_semaphore, #tpu.memory_space<semaphore_mem>>)
    %dma_wait3A_67 = arith.constant 0 : i32
    %dma_wait3A_68 = arith.constant 0 : i32
    %dma_wait3A_69 = tpu.memref_slice %arg6[%dma_wait3A_67, %dma_wait3A_68] : memref<500x128xf32, #tpu.memory_space<hbm>> -> memref<500x128xf32, #tpu.memory_space<hbm>>
    tpu.wait_indirect_dma semaphore(%arg39 : memref<!tpu.dma_semaphore, #tpu.memory_space<semaphore_mem>>) src(%dma_wait3A_69 : memref<500x128xf32, #tpu.memory_space<hbm>>) dst(%arg33 : memref<128x128xf32, #tpu.memory_space<vmem>>)
    "tpu.region"() ({
      %run_scoped3A = tpu.sem_alloc : memref<!tpu.dma_semaphore, #tpu.memory_space<semaphore_mem>>
      %dma_start3A_81 = arith.constant 0 : i32
      %dma_start3A_82 = tpu.memref_slice %arg21[%mul3A_2, %dma_start3A_81] : memref<4096x128xf32, #tpu.memory_space<hbm>> -> memref<128x128xf32, #tpu.memory_space<hbm>>
      %dma_start3A_83 = arith.constant 0 : i32
      %dma_start3A_84 = tpu.memref_slice %arg21[%mul3A_2, %dma_start3A_83] : memref<4096x128xf32, #tpu.memory_space<hbm>> -> memref<128x128xf32, #tpu.memory_space<hbm>>
      tpu.enqueue_dma source(%arg33 : memref<128x128xf32, #tpu.memory_space<vmem>>) target(%dma_start3A_84 : memref<128x128xf32, #tpu.memory_space<hbm>>) target_semaphore(%run_scoped3A : memref<!tpu.dma_semaphore, #tpu.memory_space<semaphore_mem>>)
      %dma_wait3A_85 = arith.constant 0 : i32
      %dma_wait3A_86 = tpu.memref_slice %arg21[%mul3A_2, %dma_wait3A_85] : memref<4096x128xf32, #tpu.memory_space<hbm>> -> memref<128x128xf32, #tpu.memory_space<hbm>>
      %dma_wait3A_87 = arith.constant 0 : i32
      %dma_wait3A_88 = tpu.memref_slice %arg21[%mul3A_2, %dma_wait3A_87] : memref<4096x128xf32, #tpu.memory_space<hbm>> -> memref<128x128xf32, #tpu.memory_space<hbm>>
      tpu.wait_dma2 semaphore(%run_scoped3A : memref<!tpu.dma_semaphore, #tpu.memory_space<semaphore_mem>>) src(%arg33 : memref<128x128xf32, #tpu.memory_space<vmem>>) dst(%dma_wait3A_88 : memref<128x128xf32, #tpu.memory_space<hbm>>)
      tpu.yield
    }) : () -> ()
    %dma_start3A_70 = arith.constant 0 : i32
    %dma_start3A_71 = arith.constant 0 : i32
    %dma_start3A_72 = tpu.memref_slice %arg8[%dma_start3A_70, %dma_start3A_71] : memref<500x128xf32, #tpu.memory_space<hbm>> -> memref<500x128xf32, #tpu.memory_space<hbm>>
    tpu.enqueue_indirect_dma source(%dma_start3A_72 : memref<500x128xf32, #tpu.memory_space<hbm>>) target(%arg33 : memref<128x128xf32, #tpu.memory_space<vmem>>) offsets(%arg30 : memref<128xi32, #tpu.memory_space<vmem>>) semaphore(%arg39 : memref<!tpu.dma_semaphore, #tpu.memory_space<semaphore_mem>>)
    %dma_wait3A_73 = arith.constant 0 : i32
    %dma_wait3A_74 = arith.constant 0 : i32
    %dma_wait3A_75 = tpu.memref_slice %arg7[%dma_wait3A_73, %dma_wait3A_74] : memref<500x128xf32, #tpu.memory_space<hbm>> -> memref<500x128xf32, #tpu.memory_space<hbm>>
    tpu.wait_indirect_dma semaphore(%arg40 : memref<!tpu.dma_semaphore, #tpu.memory_space<semaphore_mem>>) src(%dma_wait3A_75 : memref<500x128xf32, #tpu.memory_space<hbm>>) dst(%arg34 : memref<128x128xf32, #tpu.memory_space<vmem>>)
    "tpu.region"() ({
      %run_scoped3A = tpu.sem_alloc : memref<!tpu.dma_semaphore, #tpu.memory_space<semaphore_mem>>
      %dma_start3A_81 = arith.constant 0 : i32
      %dma_start3A_82 = tpu.memref_slice %arg22[%mul3A_2, %dma_start3A_81] : memref<4096x128xf32, #tpu.memory_space<hbm>> -> memref<128x128xf32, #tpu.memory_space<hbm>>
      %dma_start3A_83 = arith.constant 0 : i32
      %dma_start3A_84 = tpu.memref_slice %arg22[%mul3A_2, %dma_start3A_83] : memref<4096x128xf32, #tpu.memory_space<hbm>> -> memref<128x128xf32, #tpu.memory_space<hbm>>
      tpu.enqueue_dma source(%arg34 : memref<128x128xf32, #tpu.memory_space<vmem>>) target(%dma_start3A_84 : memref<128x128xf32, #tpu.memory_space<hbm>>) target_semaphore(%run_scoped3A : memref<!tpu.dma_semaphore, #tpu.memory_space<semaphore_mem>>)
      %dma_wait3A_85 = arith.constant 0 : i32
      %dma_wait3A_86 = tpu.memref_slice %arg22[%mul3A_2, %dma_wait3A_85] : memref<4096x128xf32, #tpu.memory_space<hbm>> -> memref<128x128xf32, #tpu.memory_space<hbm>>
      %dma_wait3A_87 = arith.constant 0 : i32
      %dma_wait3A_88 = tpu.memref_slice %arg22[%mul3A_2, %dma_wait3A_87] : memref<4096x128xf32, #tpu.memory_space<hbm>> -> memref<128x128xf32, #tpu.memory_space<hbm>>
      tpu.wait_dma2 semaphore(%run_scoped3A : memref<!tpu.dma_semaphore, #tpu.memory_space<semaphore_mem>>) src(%arg34 : memref<128x128xf32, #tpu.memory_space<vmem>>) dst(%dma_wait3A_88 : memref<128x128xf32, #tpu.memory_space<hbm>>)
      tpu.yield
    }) : () -> ()
    %dma_wait3A_76 = arith.constant 0 : i32
    %dma_wait3A_77 = arith.constant 0 : i32
    %dma_wait3A_78 = tpu.memref_slice %arg8[%dma_wait3A_76, %dma_wait3A_77] : memref<500x128xf32, #tpu.memory_space<hbm>> -> memref<500x128xf32, #tpu.memory_space<hbm>>
    tpu.wait_indirect_dma semaphore(%arg39 : memref<!tpu.dma_semaphore, #tpu.memory_space<semaphore_mem>>) src(%dma_wait3A_78 : memref<500x128xf32, #tpu.memory_space<hbm>>) dst(%arg33 : memref<128x128xf32, #tpu.memory_space<vmem>>)
    "tpu.region"() ({
      %run_scoped3A = tpu.sem_alloc : memref<!tpu.dma_semaphore, #tpu.memory_space<semaphore_mem>>
      %dma_start3A_81 = arith.constant 0 : i32
      %dma_start3A_82 = tpu.memref_slice %arg23[%mul3A_2, %dma_start3A_81] : memref<4096x128xf32, #tpu.memory_space<hbm>> -> memref<128x128xf32, #tpu.memory_space<hbm>>
      %dma_start3A_83 = arith.constant 0 : i32
      %dma_start3A_84 = tpu.memref_slice %arg23[%mul3A_2, %dma_start3A_83] : memref<4096x128xf32, #tpu.memory_space<hbm>> -> memref<128x128xf32, #tpu.memory_space<hbm>>
      tpu.enqueue_dma source(%arg33 : memref<128x128xf32, #tpu.memory_space<vmem>>) target(%dma_start3A_84 : memref<128x128xf32, #tpu.memory_space<hbm>>) target_semaphore(%run_scoped3A : memref<!tpu.dma_semaphore, #tpu.memory_space<semaphore_mem>>)
      %dma_wait3A_85 = arith.constant 0 : i32
      %dma_wait3A_86 = tpu.memref_slice %arg23[%mul3A_2, %dma_wait3A_85] : memref<4096x128xf32, #tpu.memory_space<hbm>> -> memref<128x128xf32, #tpu.memory_space<hbm>>
      %dma_wait3A_87 = arith.constant 0 : i32
      %dma_wait3A_88 = tpu.memref_slice %arg23[%mul3A_2, %dma_wait3A_87] : memref<4096x128xf32, #tpu.memory_space<hbm>> -> memref<128x128xf32, #tpu.memory_space<hbm>>
      tpu.wait_dma2 semaphore(%run_scoped3A : memref<!tpu.dma_semaphore, #tpu.memory_space<semaphore_mem>>) src(%arg33 : memref<128x128xf32, #tpu.memory_space<vmem>>) dst(%dma_wait3A_88 : memref<128x128xf32, #tpu.memory_space<hbm>>)
      tpu.yield
    }) : () -> ()
    %eq3A = arith.constant 0 : i32
    %eq3A_79 = arith.cmpi eq, %add3A, %eq3A : i32
    %convert_element_type3A = arith.extui %eq3A_79 : i1 to i32
    %cond3A = arith.constant 0 : i32
    %cond3A_80 = arith.cmpi ne, %convert_element_type3A, %cond3A : i32
    scf.if %cond3A_80 {
      "tpu.region"() ({
        %run_scoped3A = tpu.sem_alloc : memref<!tpu.dma_semaphore, #tpu.memory_space<semaphore_mem>>
        tpu.enqueue_dma source(%arg12 : memref<832xi32, #tpu.memory_space<hbm>>) target(%arg31 : memref<832xi32, #tpu.memory_space<vmem>>) target_semaphore(%run_scoped3A : memref<!tpu.dma_semaphore, #tpu.memory_space<semaphore_mem>>)
        tpu.wait_dma2 semaphore(%run_scoped3A : memref<!tpu.dma_semaphore, #tpu.memory_space<semaphore_mem>>) src(%arg12 : memref<832xi32, #tpu.memory_space<hbm>>) dst(%arg31 : memref<832xi32, #tpu.memory_space<vmem>>)
        tpu.yield
      }) : () -> ()
      %dma_start3A_81 = arith.constant 0 : i32
      %dma_start3A_82 = tpu.memref_slice %arg14[%dma_start3A_81] : memref<4096xi32, #tpu.memory_space<hbm>> -> memref<4096xi32, #tpu.memory_space<hbm>>
      tpu.enqueue_indirect_dma source(%dma_start3A_82 : memref<4096xi32, #tpu.memory_space<hbm>>) target(%arg32 : memref<832xi32, #tpu.memory_space<vmem>>) offsets(%arg31 : memref<832xi32, #tpu.memory_space<vmem>>) semaphore(%arg38 : memref<!tpu.dma_semaphore, #tpu.memory_space<semaphore_mem>>)
      %dma_wait3A_83 = arith.constant 0 : i32
      %dma_wait3A_84 = tpu.memref_slice %arg14[%dma_wait3A_83] : memref<4096xi32, #tpu.memory_space<hbm>> -> memref<4096xi32, #tpu.memory_space<hbm>>
      tpu.wait_indirect_dma semaphore(%arg38 : memref<!tpu.dma_semaphore, #tpu.memory_space<semaphore_mem>>) src(%dma_wait3A_84 : memref<4096xi32, #tpu.memory_space<hbm>>) dst(%arg32 : memref<832xi32, #tpu.memory_space<vmem>>)
      "tpu.region"() ({
        %run_scoped3A = tpu.sem_alloc : memref<!tpu.dma_semaphore, #tpu.memory_space<semaphore_mem>>
        tpu.enqueue_dma source(%arg32 : memref<832xi32, #tpu.memory_space<vmem>>) target(%arg26 : memref<832xi32, #tpu.memory_space<hbm>>) target_semaphore(%run_scoped3A : memref<!tpu.dma_semaphore, #tpu.memory_space<semaphore_mem>>)
        tpu.wait_dma2 semaphore(%run_scoped3A : memref<!tpu.dma_semaphore, #tpu.memory_space<semaphore_mem>>) src(%arg32 : memref<832xi32, #tpu.memory_space<vmem>>) dst(%arg26 : memref<832xi32, #tpu.memory_space<hbm>>)
        tpu.yield
      }) : () -> ()
    } else {
    }
    return
  }
}

module attributes {stable_mosaic.version = 14 : i64} {
  func.func @_mv_body(%arg0: memref<832xi32, #tpu.memory_space<smem>>, %arg1: memref<832xi32, #tpu.memory_space<smem>>, %arg2: memref<365x128x128xf32, #tpu.memory_space<vmem>>, %arg3: memref<4104x128xf32, #tpu.memory_space<vmem>>, %arg4: memref<4104x128xf32, #tpu.memory_space<vmem>>, %arg5: memref<4104x128xf32, #tpu.memory_space<vmem>>, %arg6: memref<4104x128xf32, #tpu.memory_space<vmem>>) attributes {dimension_semantics = [], scalar_prefetch = 0 : i64, scratch_operands = 0 : i64, tpu.core_type = #tpu.core_type<tc>} {
    %scan3A = arith.constant 0 : i32
    %scan3A_0 = arith.constant 16 : i32
    %scan3A_1 = arith.addi %scan3A, %scan3A_0 : i32
    %scan3A_2 = arith.constant 1 : i32
    scf.for %scan3A_4 = %scan3A to %scan3A_1 step %scan3A_2  : i32 {
      %mul3A = arith.constant 52 : i32
      %mul3A_5 = arith.muli %scan3A_4, %mul3A : i32
      %add3A = arith.constant 0 : i32
      %add3A_6 = arith.addi %mul3A_5, %add3A : i32
      %get3A = arith.index_cast %add3A_6 : i32 to index
      %get3A_7 = memref.load %arg0[%get3A] : memref<832xi32, #tpu.memory_space<smem>>
      %get3A_8 = arith.index_cast %add3A_6 : i32 to index
      %get3A_9 = memref.load %arg1[%get3A_8] : memref<832xi32, #tpu.memory_space<smem>>
      %get3A_10 = arith.index_cast %get3A_7 : i32 to index
      %get3A_11 = arith.constant 0 : index
      %get3A_12 = arith.constant 0 : index
      %get3A_13 = vector.load %arg2[%get3A_10, %get3A_11, %get3A_12] : memref<365x128x128xf32, #tpu.memory_space<vmem>>, vector<1x128x128xf32>
      %get3A_14 = vector.shape_cast %get3A_13 : vector<1x128x128xf32> to vector<128x128xf32>
      %get3A_15 = arith.index_cast %get3A_9 : i32 to index
      %get3A_16 = arith.constant 0 : index
      %get3A_17 = vector.load %arg3[%get3A_15, %get3A_16] : memref<4104x128xf32, #tpu.memory_space<vmem>>, vector<8x128xf32>
      %get3A_18 = arith.index_cast %get3A_9 : i32 to index
      %get3A_19 = arith.constant 0 : index
      %get3A_20 = vector.load %arg4[%get3A_18, %get3A_19] : memref<4104x128xf32, #tpu.memory_space<vmem>>, vector<8x128xf32>
      %concatenate3A = tpu.concatenate %get3A_17, %get3A_20 in 0 : vector<8x128xf32>, vector<8x128xf32> -> vector<16x128xf32>
      %dot_general3A = arith.constant dense<0.000000e+00> : vector<16x128xf32>
      %dot_general3A_21 = tpu.matmul %concatenate3A, %get3A_14, %dot_general3A {dimension_numbers = #tpu.dot_dimension_numbers<[1], [1], [0], [0], [0, 0, 1, 0], [], []>, transpose_lhs_hint = false} : vector<16x128xf32>, vector<128x128xf32>, vector<16x128xf32> -> vector<16x128xf32>
      %slice3A = vector.extract_strided_slice %dot_general3A_21 {offsets = [0, 0], sizes = [8, 128], strides = [1, 1]} : vector<16x128xf32> to vector<8x128xf32>
      %swap3A = arith.index_cast %get3A_9 : i32 to index
      %swap3A_22 = arith.constant 0 : index
      %swap3A_23 = vector.load %arg5[%swap3A, %swap3A_22] : memref<4104x128xf32, #tpu.memory_space<vmem>>, vector<8x128xf32>
      tpu.vector_store %arg5[%swap3A, %swap3A_22], %slice3A {strides = array<i32>} : memref<4104x128xf32, #tpu.memory_space<vmem>>, vector<8x128xf32>,
      %slice3A_24 = vector.extract_strided_slice %dot_general3A_21 {offsets = [8, 0], sizes = [8, 128], strides = [1, 1]} : vector<16x128xf32> to vector<8x128xf32>
      %swap3A_25 = arith.index_cast %get3A_9 : i32 to index
      %swap3A_26 = arith.constant 0 : index
      %swap3A_27 = vector.load %arg6[%swap3A_25, %swap3A_26] : memref<4104x128xf32, #tpu.memory_space<vmem>>, vector<8x128xf32>
      tpu.vector_store %arg6[%swap3A_25, %swap3A_26], %slice3A_24 {strides = array<i32>} : memref<4104x128xf32, #tpu.memory_space<vmem>>, vector<8x128xf32>,
      %mul3A_28 = arith.constant 52 : i32
      %mul3A_29 = arith.muli %scan3A_4, %mul3A_28 : i32
      %add3A_30 = arith.constant 1 : i32
      %add3A_31 = arith.addi %mul3A_29, %add3A_30 : i32
      %get3A_32 = arith.index_cast %add3A_31 : i32 to index
      %get3A_33 = memref.load %arg0[%get3A_32] : memref<832xi32, #tpu.memory_space<smem>>
      %get3A_34 = arith.index_cast %add3A_31 : i32 to index
      %get3A_35 = memref.load %arg1[%get3A_34] : memref<832xi32, #tpu.memory_space<smem>>
      %get3A_36 = arith.index_cast %get3A_33 : i32 to index
      %get3A_37 = arith.constant 0 : index
      %get3A_38 = arith.constant 0 : index
      %get3A_39 = vector.load %arg2[%get3A_36, %get3A_37, %get3A_38] : memref<365x128x128xf32, #tpu.memory_space<vmem>>, vector<1x128x128xf32>
      %get3A_40 = vector.shape_cast %get3A_39 : vector<1x128x128xf32> to vector<128x128xf32>
      %get3A_41 = arith.index_cast %get3A_35 : i32 to index
      %get3A_42 = arith.constant 0 : index
      %get3A_43 = vector.load %arg3[%get3A_41, %get3A_42] : memref<4104x128xf32, #tpu.memory_space<vmem>>, vector<8x128xf32>
      %get3A_44 = arith.index_cast %get3A_35 : i32 to index
      %get3A_45 = arith.constant 0 : index
      %get3A_46 = vector.load %arg4[%get3A_44, %get3A_45] : memref<4104x128xf32, #tpu.memory_space<vmem>>, vector<8x128xf32>
      %concatenate3A_47 = tpu.concatenate %get3A_43, %get3A_46 in 0 : vector<8x128xf32>, vector<8x128xf32> -> vector<16x128xf32>
      %dot_general3A_48 = arith.constant dense<0.000000e+00> : vector<16x128xf32>
      %dot_general3A_49 = tpu.matmul %concatenate3A_47, %get3A_40, %dot_general3A_48 {dimension_numbers = #tpu.dot_dimension_numbers<[1], [1], [0], [0], [0, 0, 1, 0], [], []>, transpose_lhs_hint = false} : vector<16x128xf32>, vector<128x128xf32>, vector<16x128xf32> -> vector<16x128xf32>
      %slice3A_50 = vector.extract_strided_slice %dot_general3A_49 {offsets = [0, 0], sizes = [8, 128], strides = [1, 1]} : vector<16x128xf32> to vector<8x128xf32>
      %swap3A_51 = arith.index_cast %get3A_35 : i32 to index
      %swap3A_52 = arith.constant 0 : index
      %swap3A_53 = vector.load %arg5[%swap3A_51, %swap3A_52] : memref<4104x128xf32, #tpu.memory_space<vmem>>, vector<8x128xf32>
      tpu.vector_store %arg5[%swap3A_51, %swap3A_52], %slice3A_50 {strides = array<i32>} : memref<4104x128xf32, #tpu.memory_space<vmem>>, vector<8x128xf32>,
      %slice3A_54 = vector.extract_strided_slice %dot_general3A_49 {offsets = [8, 0], sizes = [8, 128], strides = [1, 1]} : vector<16x128xf32> to vector<8x128xf32>
      %swap3A_55 = arith.index_cast %get3A_35 : i32 to index
      %swap3A_56 = arith.constant 0 : index
      %swap3A_57 = vector.load %arg6[%swap3A_55, %swap3A_56] : memref<4104x128xf32, #tpu.memory_space<vmem>>, vector<8x128xf32>
      tpu.vector_store %arg6[%swap3A_55, %swap3A_56], %slice3A_54 {strides = array<i32>} : memref<4104x128xf32, #tpu.memory_space<vmem>>, vector<8x128xf32>,
      %mul3A_58 = arith.constant 52 : i32
      %mul3A_59 = arith.muli %scan3A_4, %mul3A_58 : i32
      %add3A_60 = arith.constant 2 : i32
      %add3A_61 = arith.addi %mul3A_59, %add3A_60 : i32
      %get3A_62 = arith.index_cast %add3A_61 : i32 to index
      %get3A_63 = memref.load %arg0[%get3A_62] : memref<832xi32, #tpu.memory_space<smem>>
      %get3A_64 = arith.index_cast %add3A_61 : i32 to index
      %get3A_65 = memref.load %arg1[%get3A_64] : memref<832xi32, #tpu.memory_space<smem>>
      %get3A_66 = arith.index_cast %get3A_63 : i32 to index
      %get3A_67 = arith.constant 0 : index
      %get3A_68 = arith.constant 0 : index
      %get3A_69 = vector.load %arg2[%get3A_66, %get3A_67, %get3A_68] : memref<365x128x128xf32, #tpu.memory_space<vmem>>, vector<1x128x128xf32>
      %get3A_70 = vector.shape_cast %get3A_69 : vector<1x128x128xf32> to vector<128x128xf32>
      %get3A_71 = arith.index_cast %get3A_65 : i32 to index
      %get3A_72 = arith.constant 0 : index
      %get3A_73 = vector.load %arg3[%get3A_71, %get3A_72] : memref<4104x128xf32, #tpu.memory_space<vmem>>, vector<8x128xf32>
      %get3A_74 = arith.index_cast %get3A_65 : i32 to index
      %get3A_75 = arith.constant 0 : index
      %get3A_76 = vector.load %arg4[%get3A_74, %get3A_75] : memref<4104x128xf32, #tpu.memory_space<vmem>>, vector<8x128xf32>
      %concatenate3A_77 = tpu.concatenate %get3A_73, %get3A_76 in 0 : vector<8x128xf32>, vector<8x128xf32> -> vector<16x128xf32>
      %dot_general3A_78 = arith.constant dense<0.000000e+00> : vector<16x128xf32>
      %dot_general3A_79 = tpu.matmul %concatenate3A_77, %get3A_70, %dot_general3A_78 {dimension_numbers = #tpu.dot_dimension_numbers<[1], [1], [0], [0], [0, 0, 1, 0], [], []>, transpose_lhs_hint = false} : vector<16x128xf32>, vector<128x128xf32>, vector<16x128xf32> -> vector<16x128xf32>
      %slice3A_80 = vector.extract_strided_slice %dot_general3A_79 {offsets = [0, 0], sizes = [8, 128], strides = [1, 1]} : vector<16x128xf32> to vector<8x128xf32>
      %swap3A_81 = arith.index_cast %get3A_65 : i32 to index
      %swap3A_82 = arith.constant 0 : index
      %swap3A_83 = vector.load %arg5[%swap3A_81, %swap3A_82] : memref<4104x128xf32, #tpu.memory_space<vmem>>, vector<8x128xf32>
      tpu.vector_store %arg5[%swap3A_81, %swap3A_82], %slice3A_80 {strides = array<i32>} : memref<4104x128xf32, #tpu.memory_space<vmem>>, vector<8x128xf32>,
      %slice3A_84 = vector.extract_strided_slice %dot_general3A_79 {offsets = [8, 0], sizes = [8, 128], strides = [1, 1]} : vector<16x128xf32> to vector<8x128xf32>
      %swap3A_85 = arith.index_cast %get3A_65 : i32 to index
      %swap3A_86 = arith.constant 0 : index
      %swap3A_87 = vector.load %arg6[%swap3A_85, %swap3A_86] : memref<4104x128xf32, #tpu.memory_space<vmem>>, vector<8x128xf32>
      tpu.vector_store %arg6[%swap3A_85, %swap3A_86], %slice3A_84 {strides = array<i32>} : memref<4104x128xf32, #tpu.memory_space<vmem>>, vector<8x128xf32>,
      %mul3A_88 = arith.constant 52 : i32
      %mul3A_89 = arith.muli %scan3A_4, %mul3A_88 : i32
      %add3A_90 = arith.constant 3 : i32
      %add3A_91 = arith.addi %mul3A_89, %add3A_90 : i32
      %get3A_92 = arith.index_cast %add3A_91 : i32 to index
      %get3A_93 = memref.load %arg0[%get3A_92] : memref<832xi32, #tpu.memory_space<smem>>
      %get3A_94 = arith.index_cast %add3A_91 : i32 to index
      %get3A_95 = memref.load %arg1[%get3A_94] : memref<832xi32, #tpu.memory_space<smem>>
      %get3A_96 = arith.index_cast %get3A_93 : i32 to index
      %get3A_97 = arith.constant 0 : index
      %get3A_98 = arith.constant 0 : index
      %get3A_99 = vector.load %arg2[%get3A_96, %get3A_97, %get3A_98] : memref<365x128x128xf32, #tpu.memory_space<vmem>>, vector<1x128x128xf32>
      %get3A_100 = vector.shape_cast %get3A_99 : vector<1x128x128xf32> to vector<128x128xf32>
      %get3A_101 = arith.index_cast %get3A_95 : i32 to index
      %get3A_102 = arith.constant 0 : index
      %get3A_103 = vector.load %arg3[%get3A_101, %get3A_102] : memref<4104x128xf32, #tpu.memory_space<vmem>>, vector<8x128xf32>
      %get3A_104 = arith.index_cast %get3A_95 : i32 to index
      %get3A_105 = arith.constant 0 : index
      %get3A_106 = vector.load %arg4[%get3A_104, %get3A_105] : memref<4104x128xf32, #tpu.memory_space<vmem>>, vector<8x128xf32>
      %concatenate3A_107 = tpu.concatenate %get3A_103, %get3A_106 in 0 : vector<8x128xf32>, vector<8x128xf32> -> vector<16x128xf32>
      %dot_general3A_108 = arith.constant dense<0.000000e+00> : vector<16x128xf32>
      %dot_general3A_109 = tpu.matmul %concatenate3A_107, %get3A_100, %dot_general3A_108 {dimension_numbers = #tpu.dot_dimension_numbers<[1], [1], [0], [0], [0, 0, 1, 0], [], []>, transpose_lhs_hint = false} : vector<16x128xf32>, vector<128x128xf32>, vector<16x128xf32> -> vector<16x128xf32>
      %slice3A_110 = vector.extract_strided_slice %dot_general3A_109 {offsets = [0, 0], sizes = [8, 128], strides = [1, 1]} : vector<16x128xf32> to vector<8x128xf32>
      %swap3A_111 = arith.index_cast %get3A_95 : i32 to index
      %swap3A_112 = arith.constant 0 : index
      %swap3A_113 = vector.load %arg5[%swap3A_111, %swap3A_112] : memref<4104x128xf32, #tpu.memory_space<vmem>>, vector<8x128xf32>
      tpu.vector_store %arg5[%swap3A_111, %swap3A_112], %slice3A_110 {strides = array<i32>} : memref<4104x128xf32, #tpu.memory_space<vmem>>, vector<8x128xf32>,
      %slice3A_114 = vector.extract_strided_slice %dot_general3A_109 {offsets = [8, 0], sizes = [8, 128], strides = [1, 1]} : vector<16x128xf32> to vector<8x128xf32>
      %swap3A_115 = arith.index_cast %get3A_95 : i32 to index
      %swap3A_116 = arith.constant 0 : index
      %swap3A_117 = vector.load %arg6[%swap3A_115, %swap3A_116] : memref<4104x128xf32, #tpu.memory_space<vmem>>, vector<8x128xf32>
      tpu.vector_store %arg6[%swap3A_115, %swap3A_116], %slice3A_114 {strides = array<i32>} : memref<4104x128xf32, #tpu.memory_space<vmem>>, vector<8x128xf32>,
      %mul3A_118 = arith.constant 52 : i32
      %mul3A_119 = arith.muli %scan3A_4, %mul3A_118 : i32
      %add3A_120 = arith.constant 4 : i32
      %add3A_121 = arith.addi %mul3A_119, %add3A_120 : i32
      %get3A_122 = arith.index_cast %add3A_121 : i32 to index
      %get3A_123 = memref.load %arg0[%get3A_122] : memref<832xi32, #tpu.memory_space<smem>>
      %get3A_124 = arith.index_cast %add3A_121 : i32 to index
      %get3A_125 = memref.load %arg1[%get3A_124] : memref<832xi32, #tpu.memory_space<smem>>
      %get3A_126 = arith.index_cast %get3A_123 : i32 to index
      %get3A_127 = arith.constant 0 : index
      %get3A_128 = arith.constant 0 : index
      %get3A_129 = vector.load %arg2[%get3A_126, %get3A_127, %get3A_128] : memref<365x128x128xf32, #tpu.memory_space<vmem>>, vector<1x128x128xf32>
      %get3A_130 = vector.shape_cast %get3A_129 : vector<1x128x128xf32> to vector<128x128xf32>
      %get3A_131 = arith.index_cast %get3A_125 : i32 to index
      %get3A_132 = arith.constant 0 : index
      %get3A_133 = vector.load %arg3[%get3A_131, %get3A_132] : memref<4104x128xf32, #tpu.memory_space<vmem>>, vector<8x128xf32>
      %get3A_134 = arith.index_cast %get3A_125 : i32 to index
      %get3A_135 = arith.constant 0 : index
      %get3A_136 = vector.load %arg4[%get3A_134, %get3A_135] : memref<4104x128xf32, #tpu.memory_space<vmem>>, vector<8x128xf32>
      %concatenate3A_137 = tpu.concatenate %get3A_133, %get3A_136 in 0 : vector<8x128xf32>, vector<8x128xf32> -> vector<16x128xf32>
      %dot_general3A_138 = arith.constant dense<0.000000e+00> : vector<16x128xf32>
      %dot_general3A_139 = tpu.matmul %concatenate3A_137, %get3A_130, %dot_general3A_138 {dimension_numbers = #tpu.dot_dimension_numbers<[1], [1], [0], [0], [0, 0, 1, 0], [], []>, transpose_lhs_hint = false} : vector<16x128xf32>, vector<128x128xf32>, vector<16x128xf32> -> vector<16x128xf32>
      %slice3A_140 = vector.extract_strided_slice %dot_general3A_139 {offsets = [0, 0], sizes = [8, 128], strides = [1, 1]} : vector<16x128xf32> to vector<8x128xf32>
      %swap3A_141 = arith.index_cast %get3A_125 : i32 to index
      %swap3A_142 = arith.constant 0 : index
      %swap3A_143 = vector.load %arg5[%swap3A_141, %swap3A_142] : memref<4104x128xf32, #tpu.memory_space<vmem>>, vector<8x128xf32>
      tpu.vector_store %arg5[%swap3A_141, %swap3A_142], %slice3A_140 {strides = array<i32>} : memref<4104x128xf32, #tpu.memory_space<vmem>>, vector<8x128xf32>,
      %slice3A_144 = vector.extract_strided_slice %dot_general3A_139 {offsets = [8, 0], sizes = [8, 128], strides = [1, 1]} : vector<16x128xf32> to vector<8x128xf32>
      %swap3A_145 = arith.index_cast %get3A_125 : i32 to index
      %swap3A_146 = arith.constant 0 : index
      %swap3A_147 = vector.load %arg6[%swap3A_145, %swap3A_146] : memref<4104x128xf32, #tpu.memory_space<vmem>>, vector<8x128xf32>
      tpu.vector_store %arg6[%swap3A_145, %swap3A_146], %slice3A_144 {strides = array<i32>} : memref<4104x128xf32, #tpu.memory_space<vmem>>, vector<8x128xf32>,
      %mul3A_148 = arith.constant 52 : i32
      %mul3A_149 = arith.muli %scan3A_4, %mul3A_148 : i32
      %add3A_150 = arith.constant 5 : i32
      %add3A_151 = arith.addi %mul3A_149, %add3A_150 : i32
      %get3A_152 = arith.index_cast %add3A_151 : i32 to index
      %get3A_153 = memref.load %arg0[%get3A_152] : memref<832xi32, #tpu.memory_space<smem>>
      %get3A_154 = arith.index_cast %add3A_151 : i32 to index
      %get3A_155 = memref.load %arg1[%get3A_154] : memref<832xi32, #tpu.memory_space<smem>>
      %get3A_156 = arith.index_cast %get3A_153 : i32 to index
      %get3A_157 = arith.constant 0 : index
      %get3A_158 = arith.constant 0 : index
      %get3A_159 = vector.load %arg2[%get3A_156, %get3A_157, %get3A_158] : memref<365x128x128xf32, #tpu.memory_space<vmem>>, vector<1x128x128xf32>
      %get3A_160 = vector.shape_cast %get3A_159 : vector<1x128x128xf32> to vector<128x128xf32>
      %get3A_161 = arith.index_cast %get3A_155 : i32 to index
      %get3A_162 = arith.constant 0 : index
      %get3A_163 = vector.load %arg3[%get3A_161, %get3A_162] : memref<4104x128xf32, #tpu.memory_space<vmem>>, vector<8x128xf32>
      %get3A_164 = arith.index_cast %get3A_155 : i32 to index
      %get3A_165 = arith.constant 0 : index
      %get3A_166 = vector.load %arg4[%get3A_164, %get3A_165] : memref<4104x128xf32, #tpu.memory_space<vmem>>, vector<8x128xf32>
      %concatenate3A_167 = tpu.concatenate %get3A_163, %get3A_166 in 0 : vector<8x128xf32>, vector<8x128xf32> -> vector<16x128xf32>
      %dot_general3A_168 = arith.constant dense<0.000000e+00> : vector<16x128xf32>
      %dot_general3A_169 = tpu.matmul %concatenate3A_167, %get3A_160, %dot_general3A_168 {dimension_numbers = #tpu.dot_dimension_numbers<[1], [1], [0], [0], [0, 0, 1, 0], [], []>, transpose_lhs_hint = false} : vector<16x128xf32>, vector<128x128xf32>, vector<16x128xf32> -> vector<16x128xf32>
      %slice3A_170 = vector.extract_strided_slice %dot_general3A_169 {offsets = [0, 0], sizes = [8, 128], strides = [1, 1]} : vector<16x128xf32> to vector<8x128xf32>
      %swap3A_171 = arith.index_cast %get3A_155 : i32 to index
      %swap3A_172 = arith.constant 0 : index
      %swap3A_173 = vector.load %arg5[%swap3A_171, %swap3A_172] : memref<4104x128xf32, #tpu.memory_space<vmem>>, vector<8x128xf32>
      tpu.vector_store %arg5[%swap3A_171, %swap3A_172], %slice3A_170 {strides = array<i32>} : memref<4104x128xf32, #tpu.memory_space<vmem>>, vector<8x128xf32>,
      %slice3A_174 = vector.extract_strided_slice %dot_general3A_169 {offsets = [8, 0], sizes = [8, 128], strides = [1, 1]} : vector<16x128xf32> to vector<8x128xf32>
      %swap3A_175 = arith.index_cast %get3A_155 : i32 to index
      %swap3A_176 = arith.constant 0 : index
      %swap3A_177 = vector.load %arg6[%swap3A_175, %swap3A_176] : memref<4104x128xf32, #tpu.memory_space<vmem>>, vector<8x128xf32>
      tpu.vector_store %arg6[%swap3A_175, %swap3A_176], %slice3A_174 {strides = array<i32>} : memref<4104x128xf32, #tpu.memory_space<vmem>>, vector<8x128xf32>,
      %mul3A_178 = arith.constant 52 : i32
      %mul3A_179 = arith.muli %scan3A_4, %mul3A_178 : i32
      %add3A_180 = arith.constant 6 : i32
      %add3A_181 = arith.addi %mul3A_179, %add3A_180 : i32
      %get3A_182 = arith.index_cast %add3A_181 : i32 to index
      %get3A_183 = memref.load %arg0[%get3A_182] : memref<832xi32, #tpu.memory_space<smem>>
      %get3A_184 = arith.index_cast %add3A_181 : i32 to index
      %get3A_185 = memref.load %arg1[%get3A_184] : memref<832xi32, #tpu.memory_space<smem>>
      %get3A_186 = arith.index_cast %get3A_183 : i32 to index
      %get3A_187 = arith.constant 0 : index
      %get3A_188 = arith.constant 0 : index
      %get3A_189 = vector.load %arg2[%get3A_186, %get3A_187, %get3A_188] : memref<365x128x128xf32, #tpu.memory_space<vmem>>, vector<1x128x128xf32>
      %get3A_190 = vector.shape_cast %get3A_189 : vector<1x128x128xf32> to vector<128x128xf32>
      %get3A_191 = arith.index_cast %get3A_185 : i32 to index
      %get3A_192 = arith.constant 0 : index
      %get3A_193 = vector.load %arg3[%get3A_191, %get3A_192] : memref<4104x128xf32, #tpu.memory_space<vmem>>, vector<8x128xf32>
      %get3A_194 = arith.index_cast %get3A_185 : i32 to index
      %get3A_195 = arith.constant 0 : index
      %get3A_196 = vector.load %arg4[%get3A_194, %get3A_195] : memref<4104x128xf32, #tpu.memory_space<vmem>>, vector<8x128xf32>
      %concatenate3A_197 = tpu.concatenate %get3A_193, %get3A_196 in 0 : vector<8x128xf32>, vector<8x128xf32> -> vector<16x128xf32>
      %dot_general3A_198 = arith.constant dense<0.000000e+00> : vector<16x128xf32>
      %dot_general3A_199 = tpu.matmul %concatenate3A_197, %get3A_190, %dot_general3A_198 {dimension_numbers = #tpu.dot_dimension_numbers<[1], [1], [0], [0], [0, 0, 1, 0], [], []>, transpose_lhs_hint = false} : vector<16x128xf32>, vector<128x128xf32>, vector<16x128xf32> -> vector<16x128xf32>
      %slice3A_200 = vector.extract_strided_slice %dot_general3A_199 {offsets = [0, 0], sizes = [8, 128], strides = [1, 1]} : vector<16x128xf32> to vector<8x128xf32>
      %swap3A_201 = arith.index_cast %get3A_185 : i32 to index
      %swap3A_202 = arith.constant 0 : index
      %swap3A_203 = vector.load %arg5[%swap3A_201, %swap3A_202] : memref<4104x128xf32, #tpu.memory_space<vmem>>, vector<8x128xf32>
      tpu.vector_store %arg5[%swap3A_201, %swap3A_202], %slice3A_200 {strides = array<i32>} : memref<4104x128xf32, #tpu.memory_space<vmem>>, vector<8x128xf32>,
      %slice3A_204 = vector.extract_strided_slice %dot_general3A_199 {offsets = [8, 0], sizes = [8, 128], strides = [1, 1]} : vector<16x128xf32> to vector<8x128xf32>
      %swap3A_205 = arith.index_cast %get3A_185 : i32 to index
      %swap3A_206 = arith.constant 0 : index
      %swap3A_207 = vector.load %arg6[%swap3A_205, %swap3A_206] : memref<4104x128xf32, #tpu.memory_space<vmem>>, vector<8x128xf32>
      tpu.vector_store %arg6[%swap3A_205, %swap3A_206], %slice3A_204 {strides = array<i32>} : memref<4104x128xf32, #tpu.memory_space<vmem>>, vector<8x128xf32>,
      %mul3A_208 = arith.constant 52 : i32
      %mul3A_209 = arith.muli %scan3A_4, %mul3A_208 : i32
      %add3A_210 = arith.constant 7 : i32
      %add3A_211 = arith.addi %mul3A_209, %add3A_210 : i32
      %get3A_212 = arith.index_cast %add3A_211 : i32 to index
      %get3A_213 = memref.load %arg0[%get3A_212] : memref<832xi32, #tpu.memory_space<smem>>
      %get3A_214 = arith.index_cast %add3A_211 : i32 to index
      %get3A_215 = memref.load %arg1[%get3A_214] : memref<832xi32, #tpu.memory_space<smem>>
      %get3A_216 = arith.index_cast %get3A_213 : i32 to index
      %get3A_217 = arith.constant 0 : index
      %get3A_218 = arith.constant 0 : index
      %get3A_219 = vector.load %arg2[%get3A_216, %get3A_217, %get3A_218] : memref<365x128x128xf32, #tpu.memory_space<vmem>>, vector<1x128x128xf32>
      %get3A_220 = vector.shape_cast %get3A_219 : vector<1x128x128xf32> to vector<128x128xf32>
      %get3A_221 = arith.index_cast %get3A_215 : i32 to index
      %get3A_222 = arith.constant 0 : index
      %get3A_223 = vector.load %arg3[%get3A_221, %get3A_222] : memref<4104x128xf32, #tpu.memory_space<vmem>>, vector<8x128xf32>
      %get3A_224 = arith.index_cast %get3A_215 : i32 to index
      %get3A_225 = arith.constant 0 : index
      %get3A_226 = vector.load %arg4[%get3A_224, %get3A_225] : memref<4104x128xf32, #tpu.memory_space<vmem>>, vector<8x128xf32>
      %concatenate3A_227 = tpu.concatenate %get3A_223, %get3A_226 in 0 : vector<8x128xf32>, vector<8x128xf32> -> vector<16x128xf32>
      %dot_general3A_228 = arith.constant dense<0.000000e+00> : vector<16x128xf32>
      %dot_general3A_229 = tpu.matmul %concatenate3A_227, %get3A_220, %dot_general3A_228 {dimension_numbers = #tpu.dot_dimension_numbers<[1], [1], [0], [0], [0, 0, 1, 0], [], []>, transpose_lhs_hint = false} : vector<16x128xf32>, vector<128x128xf32>, vector<16x128xf32> -> vector<16x128xf32>
      %slice3A_230 = vector.extract_strided_slice %dot_general3A_229 {offsets = [0, 0], sizes = [8, 128], strides = [1, 1]} : vector<16x128xf32> to vector<8x128xf32>
      %swap3A_231 = arith.index_cast %get3A_215 : i32 to index
      %swap3A_232 = arith.constant 0 : index
      %swap3A_233 = vector.load %arg5[%swap3A_231, %swap3A_232] : memref<4104x128xf32, #tpu.memory_space<vmem>>, vector<8x128xf32>
      tpu.vector_store %arg5[%swap3A_231, %swap3A_232], %slice3A_230 {strides = array<i32>} : memref<4104x128xf32, #tpu.memory_space<vmem>>, vector<8x128xf32>,
      %slice3A_234 = vector.extract_strided_slice %dot_general3A_229 {offsets = [8, 0], sizes = [8, 128], strides = [1, 1]} : vector<16x128xf32> to vector<8x128xf32>
      %swap3A_235 = arith.index_cast %get3A_215 : i32 to index
      %swap3A_236 = arith.constant 0 : index
      %swap3A_237 = vector.load %arg6[%swap3A_235, %swap3A_236] : memref<4104x128xf32, #tpu.memory_space<vmem>>, vector<8x128xf32>
      tpu.vector_store %arg6[%swap3A_235, %swap3A_236], %slice3A_234 {strides = array<i32>} : memref<4104x128xf32, #tpu.memory_space<vmem>>, vector<8x128xf32>,
      %mul3A_238 = arith.constant 52 : i32
      %mul3A_239 = arith.muli %scan3A_4, %mul3A_238 : i32
      %add3A_240 = arith.constant 8 : i32
      %add3A_241 = arith.addi %mul3A_239, %add3A_240 : i32
      %get3A_242 = arith.index_cast %add3A_241 : i32 to index
      %get3A_243 = memref.load %arg0[%get3A_242] : memref<832xi32, #tpu.memory_space<smem>>
      %get3A_244 = arith.index_cast %add3A_241 : i32 to index
      %get3A_245 = memref.load %arg1[%get3A_244] : memref<832xi32, #tpu.memory_space<smem>>
      %get3A_246 = arith.index_cast %get3A_243 : i32 to index
      %get3A_247 = arith.constant 0 : index
      %get3A_248 = arith.constant 0 : index
      %get3A_249 = vector.load %arg2[%get3A_246, %get3A_247, %get3A_248] : memref<365x128x128xf32, #tpu.memory_space<vmem>>, vector<1x128x128xf32>
      %get3A_250 = vector.shape_cast %get3A_249 : vector<1x128x128xf32> to vector<128x128xf32>
      %get3A_251 = arith.index_cast %get3A_245 : i32 to index
      %get3A_252 = arith.constant 0 : index
      %get3A_253 = vector.load %arg3[%get3A_251, %get3A_252] : memref<4104x128xf32, #tpu.memory_space<vmem>>, vector<8x128xf32>
      %get3A_254 = arith.index_cast %get3A_245 : i32 to index
      %get3A_255 = arith.constant 0 : index
      %get3A_256 = vector.load %arg4[%get3A_254, %get3A_255] : memref<4104x128xf32, #tpu.memory_space<vmem>>, vector<8x128xf32>
      %concatenate3A_257 = tpu.concatenate %get3A_253, %get3A_256 in 0 : vector<8x128xf32>, vector<8x128xf32> -> vector<16x128xf32>
      %dot_general3A_258 = arith.constant dense<0.000000e+00> : vector<16x128xf32>
      %dot_general3A_259 = tpu.matmul %concatenate3A_257, %get3A_250, %dot_general3A_258 {dimension_numbers = #tpu.dot_dimension_numbers<[1], [1], [0], [0], [0, 0, 1, 0], [], []>, transpose_lhs_hint = false} : vector<16x128xf32>, vector<128x128xf32>, vector<16x128xf32> -> vector<16x128xf32>
      %slice3A_260 = vector.extract_strided_slice %dot_general3A_259 {offsets = [0, 0], sizes = [8, 128], strides = [1, 1]} : vector<16x128xf32> to vector<8x128xf32>
      %swap3A_261 = arith.index_cast %get3A_245 : i32 to index
      %swap3A_262 = arith.constant 0 : index
      %swap3A_263 = vector.load %arg5[%swap3A_261, %swap3A_262] : memref<4104x128xf32, #tpu.memory_space<vmem>>, vector<8x128xf32>
      tpu.vector_store %arg5[%swap3A_261, %swap3A_262], %slice3A_260 {strides = array<i32>} : memref<4104x128xf32, #tpu.memory_space<vmem>>, vector<8x128xf32>,
      %slice3A_264 = vector.extract_strided_slice %dot_general3A_259 {offsets = [8, 0], sizes = [8, 128], strides = [1, 1]} : vector<16x128xf32> to vector<8x128xf32>
      %swap3A_265 = arith.index_cast %get3A_245 : i32 to index
      %swap3A_266 = arith.constant 0 : index
      %swap3A_267 = vector.load %arg6[%swap3A_265, %swap3A_266] : memref<4104x128xf32, #tpu.memory_space<vmem>>, vector<8x128xf32>
      tpu.vector_store %arg6[%swap3A_265, %swap3A_266], %slice3A_264 {strides = array<i32>} : memref<4104x128xf32, #tpu.memory_space<vmem>>, vector<8x128xf32>,
      %mul3A_268 = arith.constant 52 : i32
      %mul3A_269 = arith.muli %scan3A_4, %mul3A_268 : i32
      %add3A_270 = arith.constant 9 : i32
      %add3A_271 = arith.addi %mul3A_269, %add3A_270 : i32
      %get3A_272 = arith.index_cast %add3A_271 : i32 to index
      %get3A_273 = memref.load %arg0[%get3A_272] : memref<832xi32, #tpu.memory_space<smem>>
      %get3A_274 = arith.index_cast %add3A_271 : i32 to index
      %get3A_275 = memref.load %arg1[%get3A_274] : memref<832xi32, #tpu.memory_space<smem>>
      %get3A_276 = arith.index_cast %get3A_273 : i32 to index
      %get3A_277 = arith.constant 0 : index
      %get3A_278 = arith.constant 0 : index
      %get3A_279 = vector.load %arg2[%get3A_276, %get3A_277, %get3A_278] : memref<365x128x128xf32, #tpu.memory_space<vmem>>, vector<1x128x128xf32>
      %get3A_280 = vector.shape_cast %get3A_279 : vector<1x128x128xf32> to vector<128x128xf32>
      %get3A_281 = arith.index_cast %get3A_275 : i32 to index
      %get3A_282 = arith.constant 0 : index
      %get3A_283 = vector.load %arg3[%get3A_281, %get3A_282] : memref<4104x128xf32, #tpu.memory_space<vmem>>, vector<8x128xf32>
      %get3A_284 = arith.index_cast %get3A_275 : i32 to index
      %get3A_285 = arith.constant 0 : index
      %get3A_286 = vector.load %arg4[%get3A_284, %get3A_285] : memref<4104x128xf32, #tpu.memory_space<vmem>>, vector<8x128xf32>
      %concatenate3A_287 = tpu.concatenate %get3A_283, %get3A_286 in 0 : vector<8x128xf32>, vector<8x128xf32> -> vector<16x128xf32>
      %dot_general3A_288 = arith.constant dense<0.000000e+00> : vector<16x128xf32>
      %dot_general3A_289 = tpu.matmul %concatenate3A_287, %get3A_280, %dot_general3A_288 {dimension_numbers = #tpu.dot_dimension_numbers<[1], [1], [0], [0], [0, 0, 1, 0], [], []>, transpose_lhs_hint = false} : vector<16x128xf32>, vector<128x128xf32>, vector<16x128xf32> -> vector<16x128xf32>
      %slice3A_290 = vector.extract_strided_slice %dot_general3A_289 {offsets = [0, 0], sizes = [8, 128], strides = [1, 1]} : vector<16x128xf32> to vector<8x128xf32>
      %swap3A_291 = arith.index_cast %get3A_275 : i32 to index
      %swap3A_292 = arith.constant 0 : index
      %swap3A_293 = vector.load %arg5[%swap3A_291, %swap3A_292] : memref<4104x128xf32, #tpu.memory_space<vmem>>, vector<8x128xf32>
      tpu.vector_store %arg5[%swap3A_291, %swap3A_292], %slice3A_290 {strides = array<i32>} : memref<4104x128xf32, #tpu.memory_space<vmem>>, vector<8x128xf32>,
      %slice3A_294 = vector.extract_strided_slice %dot_general3A_289 {offsets = [8, 0], sizes = [8, 128], strides = [1, 1]} : vector<16x128xf32> to vector<8x128xf32>
      %swap3A_295 = arith.index_cast %get3A_275 : i32 to index
      %swap3A_296 = arith.constant 0 : index
      %swap3A_297 = vector.load %arg6[%swap3A_295, %swap3A_296] : memref<4104x128xf32, #tpu.memory_space<vmem>>, vector<8x128xf32>
      tpu.vector_store %arg6[%swap3A_295, %swap3A_296], %slice3A_294 {strides = array<i32>} : memref<4104x128xf32, #tpu.memory_space<vmem>>, vector<8x128xf32>,
      %mul3A_298 = arith.constant 52 : i32
      %mul3A_299 = arith.muli %scan3A_4, %mul3A_298 : i32
      %add3A_300 = arith.constant 10 : i32
      %add3A_301 = arith.addi %mul3A_299, %add3A_300 : i32
      %get3A_302 = arith.index_cast %add3A_301 : i32 to index
      %get3A_303 = memref.load %arg0[%get3A_302] : memref<832xi32, #tpu.memory_space<smem>>
      %get3A_304 = arith.index_cast %add3A_301 : i32 to index
      %get3A_305 = memref.load %arg1[%get3A_304] : memref<832xi32, #tpu.memory_space<smem>>
      %get3A_306 = arith.index_cast %get3A_303 : i32 to index
      %get3A_307 = arith.constant 0 : index
      %get3A_308 = arith.constant 0 : index
      %get3A_309 = vector.load %arg2[%get3A_306, %get3A_307, %get3A_308] : memref<365x128x128xf32, #tpu.memory_space<vmem>>, vector<1x128x128xf32>
      %get3A_310 = vector.shape_cast %get3A_309 : vector<1x128x128xf32> to vector<128x128xf32>
      %get3A_311 = arith.index_cast %get3A_305 : i32 to index
      %get3A_312 = arith.constant 0 : index
      %get3A_313 = vector.load %arg3[%get3A_311, %get3A_312] : memref<4104x128xf32, #tpu.memory_space<vmem>>, vector<8x128xf32>
      %get3A_314 = arith.index_cast %get3A_305 : i32 to index
      %get3A_315 = arith.constant 0 : index
      %get3A_316 = vector.load %arg4[%get3A_314, %get3A_315] : memref<4104x128xf32, #tpu.memory_space<vmem>>, vector<8x128xf32>
      %concatenate3A_317 = tpu.concatenate %get3A_313, %get3A_316 in 0 : vector<8x128xf32>, vector<8x128xf32> -> vector<16x128xf32>
      %dot_general3A_318 = arith.constant dense<0.000000e+00> : vector<16x128xf32>
      %dot_general3A_319 = tpu.matmul %concatenate3A_317, %get3A_310, %dot_general3A_318 {dimension_numbers = #tpu.dot_dimension_numbers<[1], [1], [0], [0], [0, 0, 1, 0], [], []>, transpose_lhs_hint = false} : vector<16x128xf32>, vector<128x128xf32>, vector<16x128xf32> -> vector<16x128xf32>
      %slice3A_320 = vector.extract_strided_slice %dot_general3A_319 {offsets = [0, 0], sizes = [8, 128], strides = [1, 1]} : vector<16x128xf32> to vector<8x128xf32>
      %swap3A_321 = arith.index_cast %get3A_305 : i32 to index
      %swap3A_322 = arith.constant 0 : index
      %swap3A_323 = vector.load %arg5[%swap3A_321, %swap3A_322] : memref<4104x128xf32, #tpu.memory_space<vmem>>, vector<8x128xf32>
      tpu.vector_store %arg5[%swap3A_321, %swap3A_322], %slice3A_320 {strides = array<i32>} : memref<4104x128xf32, #tpu.memory_space<vmem>>, vector<8x128xf32>,
      %slice3A_324 = vector.extract_strided_slice %dot_general3A_319 {offsets = [8, 0], sizes = [8, 128], strides = [1, 1]} : vector<16x128xf32> to vector<8x128xf32>
      %swap3A_325 = arith.index_cast %get3A_305 : i32 to index
      %swap3A_326 = arith.constant 0 : index
      %swap3A_327 = vector.load %arg6[%swap3A_325, %swap3A_326] : memref<4104x128xf32, #tpu.memory_space<vmem>>, vector<8x128xf32>
      tpu.vector_store %arg6[%swap3A_325, %swap3A_326], %slice3A_324 {strides = array<i32>} : memref<4104x128xf32, #tpu.memory_space<vmem>>, vector<8x128xf32>,
      %mul3A_328 = arith.constant 52 : i32
      %mul3A_329 = arith.muli %scan3A_4, %mul3A_328 : i32
      %add3A_330 = arith.constant 11 : i32
      %add3A_331 = arith.addi %mul3A_329, %add3A_330 : i32
      %get3A_332 = arith.index_cast %add3A_331 : i32 to index
      %get3A_333 = memref.load %arg0[%get3A_332] : memref<832xi32, #tpu.memory_space<smem>>
      %get3A_334 = arith.index_cast %add3A_331 : i32 to index
      %get3A_335 = memref.load %arg1[%get3A_334] : memref<832xi32, #tpu.memory_space<smem>>
      %get3A_336 = arith.index_cast %get3A_333 : i32 to index
      %get3A_337 = arith.constant 0 : index
      %get3A_338 = arith.constant 0 : index
      %get3A_339 = vector.load %arg2[%get3A_336, %get3A_337, %get3A_338] : memref<365x128x128xf32, #tpu.memory_space<vmem>>, vector<1x128x128xf32>
      %get3A_340 = vector.shape_cast %get3A_339 : vector<1x128x128xf32> to vector<128x128xf32>
      %get3A_341 = arith.index_cast %get3A_335 : i32 to index
      %get3A_342 = arith.constant 0 : index
      %get3A_343 = vector.load %arg3[%get3A_341, %get3A_342] : memref<4104x128xf32, #tpu.memory_space<vmem>>, vector<8x128xf32>
      %get3A_344 = arith.index_cast %get3A_335 : i32 to index
      %get3A_345 = arith.constant 0 : index
      %get3A_346 = vector.load %arg4[%get3A_344, %get3A_345] : memref<4104x128xf32, #tpu.memory_space<vmem>>, vector<8x128xf32>
      %concatenate3A_347 = tpu.concatenate %get3A_343, %get3A_346 in 0 : vector<8x128xf32>, vector<8x128xf32> -> vector<16x128xf32>
      %dot_general3A_348 = arith.constant dense<0.000000e+00> : vector<16x128xf32>
      %dot_general3A_349 = tpu.matmul %concatenate3A_347, %get3A_340, %dot_general3A_348 {dimension_numbers = #tpu.dot_dimension_numbers<[1], [1], [0], [0], [0, 0, 1, 0], [], []>, transpose_lhs_hint = false} : vector<16x128xf32>, vector<128x128xf32>, vector<16x128xf32> -> vector<16x128xf32>
      %slice3A_350 = vector.extract_strided_slice %dot_general3A_349 {offsets = [0, 0], sizes = [8, 128], strides = [1, 1]} : vector<16x128xf32> to vector<8x128xf32>
      %swap3A_351 = arith.index_cast %get3A_335 : i32 to index
      %swap3A_352 = arith.constant 0 : index
      %swap3A_353 = vector.load %arg5[%swap3A_351, %swap3A_352] : memref<4104x128xf32, #tpu.memory_space<vmem>>, vector<8x128xf32>
      tpu.vector_store %arg5[%swap3A_351, %swap3A_352], %slice3A_350 {strides = array<i32>} : memref<4104x128xf32, #tpu.memory_space<vmem>>, vector<8x128xf32>,
      %slice3A_354 = vector.extract_strided_slice %dot_general3A_349 {offsets = [8, 0], sizes = [8, 128], strides = [1, 1]} : vector<16x128xf32> to vector<8x128xf32>
      %swap3A_355 = arith.index_cast %get3A_335 : i32 to index
      %swap3A_356 = arith.constant 0 : index
      %swap3A_357 = vector.load %arg6[%swap3A_355, %swap3A_356] : memref<4104x128xf32, #tpu.memory_space<vmem>>, vector<8x128xf32>
      tpu.vector_store %arg6[%swap3A_355, %swap3A_356], %slice3A_354 {strides = array<i32>} : memref<4104x128xf32, #tpu.memory_space<vmem>>, vector<8x128xf32>,
      %mul3A_358 = arith.constant 52 : i32
      %mul3A_359 = arith.muli %scan3A_4, %mul3A_358 : i32
      %add3A_360 = arith.constant 12 : i32
      %add3A_361 = arith.addi %mul3A_359, %add3A_360 : i32
      %get3A_362 = arith.index_cast %add3A_361 : i32 to index
      %get3A_363 = memref.load %arg0[%get3A_362] : memref<832xi32, #tpu.memory_space<smem>>
      %get3A_364 = arith.index_cast %add3A_361 : i32 to index
      %get3A_365 = memref.load %arg1[%get3A_364] : memref<832xi32, #tpu.memory_space<smem>>
      %get3A_366 = arith.index_cast %get3A_363 : i32 to index
      %get3A_367 = arith.constant 0 : index
      %get3A_368 = arith.constant 0 : index
      %get3A_369 = vector.load %arg2[%get3A_366, %get3A_367, %get3A_368] : memref<365x128x128xf32, #tpu.memory_space<vmem>>, vector<1x128x128xf32>
      %get3A_370 = vector.shape_cast %get3A_369 : vector<1x128x128xf32> to vector<128x128xf32>
      %get3A_371 = arith.index_cast %get3A_365 : i32 to index
      %get3A_372 = arith.constant 0 : index
      %get3A_373 = vector.load %arg3[%get3A_371, %get3A_372] : memref<4104x128xf32, #tpu.memory_space<vmem>>, vector<8x128xf32>
      %get3A_374 = arith.index_cast %get3A_365 : i32 to index
      %get3A_375 = arith.constant 0 : index
      %get3A_376 = vector.load %arg4[%get3A_374, %get3A_375] : memref<4104x128xf32, #tpu.memory_space<vmem>>, vector<8x128xf32>
      %concatenate3A_377 = tpu.concatenate %get3A_373, %get3A_376 in 0 : vector<8x128xf32>, vector<8x128xf32> -> vector<16x128xf32>
      %dot_general3A_378 = arith.constant dense<0.000000e+00> : vector<16x128xf32>
      %dot_general3A_379 = tpu.matmul %concatenate3A_377, %get3A_370, %dot_general3A_378 {dimension_numbers = #tpu.dot_dimension_numbers<[1], [1], [0], [0], [0, 0, 1, 0], [], []>, transpose_lhs_hint = false} : vector<16x128xf32>, vector<128x128xf32>, vector<16x128xf32> -> vector<16x128xf32>
      %slice3A_380 = vector.extract_strided_slice %dot_general3A_379 {offsets = [0, 0], sizes = [8, 128], strides = [1, 1]} : vector<16x128xf32> to vector<8x128xf32>
      %swap3A_381 = arith.index_cast %get3A_365 : i32 to index
      %swap3A_382 = arith.constant 0 : index
      %swap3A_383 = vector.load %arg5[%swap3A_381, %swap3A_382] : memref<4104x128xf32, #tpu.memory_space<vmem>>, vector<8x128xf32>
      tpu.vector_store %arg5[%swap3A_381, %swap3A_382], %slice3A_380 {strides = array<i32>} : memref<4104x128xf32, #tpu.memory_space<vmem>>, vector<8x128xf32>,
      %slice3A_384 = vector.extract_strided_slice %dot_general3A_379 {offsets = [8, 0], sizes = [8, 128], strides = [1, 1]} : vector<16x128xf32> to vector<8x128xf32>
      %swap3A_385 = arith.index_cast %get3A_365 : i32 to index
      %swap3A_386 = arith.constant 0 : index
      %swap3A_387 = vector.load %arg6[%swap3A_385, %swap3A_386] : memref<4104x128xf32, #tpu.memory_space<vmem>>, vector<8x128xf32>
      tpu.vector_store %arg6[%swap3A_385, %swap3A_386], %slice3A_384 {strides = array<i32>} : memref<4104x128xf32, #tpu.memory_space<vmem>>, vector<8x128xf32>,
      %mul3A_388 = arith.constant 52 : i32
      %mul3A_389 = arith.muli %scan3A_4, %mul3A_388 : i32
      %add3A_390 = arith.constant 13 : i32
      %add3A_391 = arith.addi %mul3A_389, %add3A_390 : i32
      %get3A_392 = arith.index_cast %add3A_391 : i32 to index
      %get3A_393 = memref.load %arg0[%get3A_392] : memref<832xi32, #tpu.memory_space<smem>>
      %get3A_394 = arith.index_cast %add3A_391 : i32 to index
      %get3A_395 = memref.load %arg1[%get3A_394] : memref<832xi32, #tpu.memory_space<smem>>
      %get3A_396 = arith.index_cast %get3A_393 : i32 to index
      %get3A_397 = arith.constant 0 : index
      %get3A_398 = arith.constant 0 : index
      %get3A_399 = vector.load %arg2[%get3A_396, %get3A_397, %get3A_398] : memref<365x128x128xf32, #tpu.memory_space<vmem>>, vector<1x128x128xf32>
      %get3A_400 = vector.shape_cast %get3A_399 : vector<1x128x128xf32> to vector<128x128xf32>
      %get3A_401 = arith.index_cast %get3A_395 : i32 to index
      %get3A_402 = arith.constant 0 : index
      %get3A_403 = vector.load %arg3[%get3A_401, %get3A_402] : memref<4104x128xf32, #tpu.memory_space<vmem>>, vector<8x128xf32>
      %get3A_404 = arith.index_cast %get3A_395 : i32 to index
      %get3A_405 = arith.constant 0 : index
      %get3A_406 = vector.load %arg4[%get3A_404, %get3A_405] : memref<4104x128xf32, #tpu.memory_space<vmem>>, vector<8x128xf32>
      %concatenate3A_407 = tpu.concatenate %get3A_403, %get3A_406 in 0 : vector<8x128xf32>, vector<8x128xf32> -> vector<16x128xf32>
      %dot_general3A_408 = arith.constant dense<0.000000e+00> : vector<16x128xf32>
      %dot_general3A_409 = tpu.matmul %concatenate3A_407, %get3A_400, %dot_general3A_408 {dimension_numbers = #tpu.dot_dimension_numbers<[1], [1], [0], [0], [0, 0, 1, 0], [], []>, transpose_lhs_hint = false} : vector<16x128xf32>, vector<128x128xf32>, vector<16x128xf32> -> vector<16x128xf32>
      %slice3A_410 = vector.extract_strided_slice %dot_general3A_409 {offsets = [0, 0], sizes = [8, 128], strides = [1, 1]} : vector<16x128xf32> to vector<8x128xf32>
      %swap3A_411 = arith.index_cast %get3A_395 : i32 to index
      %swap3A_412 = arith.constant 0 : index
      %swap3A_413 = vector.load %arg5[%swap3A_411, %swap3A_412] : memref<4104x128xf32, #tpu.memory_space<vmem>>, vector<8x128xf32>
      tpu.vector_store %arg5[%swap3A_411, %swap3A_412], %slice3A_410 {strides = array<i32>} : memref<4104x128xf32, #tpu.memory_space<vmem>>, vector<8x128xf32>,
      %slice3A_414 = vector.extract_strided_slice %dot_general3A_409 {offsets = [8, 0], sizes = [8, 128], strides = [1, 1]} : vector<16x128xf32> to vector<8x128xf32>
      %swap3A_415 = arith.index_cast %get3A_395 : i32 to index
      %swap3A_416 = arith.constant 0 : index
      %swap3A_417 = vector.load %arg6[%swap3A_415, %swap3A_416] : memref<4104x128xf32, #tpu.memory_space<vmem>>, vector<8x128xf32>
      tpu.vector_store %arg6[%swap3A_415, %swap3A_416], %slice3A_414 {strides = array<i32>} : memref<4104x128xf32, #tpu.memory_space<vmem>>, vector<8x128xf32>,
      %mul3A_418 = arith.constant 52 : i32
      %mul3A_419 = arith.muli %scan3A_4, %mul3A_418 : i32
      %add3A_420 = arith.constant 14 : i32
      %add3A_421 = arith.addi %mul3A_419, %add3A_420 : i32
      %get3A_422 = arith.index_cast %add3A_421 : i32 to index
      %get3A_423 = memref.load %arg0[%get3A_422] : memref<832xi32, #tpu.memory_space<smem>>
      %get3A_424 = arith.index_cast %add3A_421 : i32 to index
      %get3A_425 = memref.load %arg1[%get3A_424] : memref<832xi32, #tpu.memory_space<smem>>
      %get3A_426 = arith.index_cast %get3A_423 : i32 to index
      %get3A_427 = arith.constant 0 : index
      %get3A_428 = arith.constant 0 : index
      %get3A_429 = vector.load %arg2[%get3A_426, %get3A_427, %get3A_428] : memref<365x128x128xf32, #tpu.memory_space<vmem>>, vector<1x128x128xf32>
      %get3A_430 = vector.shape_cast %get3A_429 : vector<1x128x128xf32> to vector<128x128xf32>
      %get3A_431 = arith.index_cast %get3A_425 : i32 to index
      %get3A_432 = arith.constant 0 : index
      %get3A_433 = vector.load %arg3[%get3A_431, %get3A_432] : memref<4104x128xf32, #tpu.memory_space<vmem>>, vector<8x128xf32>
      %get3A_434 = arith.index_cast %get3A_425 : i32 to index
      %get3A_435 = arith.constant 0 : index
      %get3A_436 = vector.load %arg4[%get3A_434, %get3A_435] : memref<4104x128xf32, #tpu.memory_space<vmem>>, vector<8x128xf32>
      %concatenate3A_437 = tpu.concatenate %get3A_433, %get3A_436 in 0 : vector<8x128xf32>, vector<8x128xf32> -> vector<16x128xf32>
      %dot_general3A_438 = arith.constant dense<0.000000e+00> : vector<16x128xf32>
      %dot_general3A_439 = tpu.matmul %concatenate3A_437, %get3A_430, %dot_general3A_438 {dimension_numbers = #tpu.dot_dimension_numbers<[1], [1], [0], [0], [0, 0, 1, 0], [], []>, transpose_lhs_hint = false} : vector<16x128xf32>, vector<128x128xf32>, vector<16x128xf32> -> vector<16x128xf32>
      %slice3A_440 = vector.extract_strided_slice %dot_general3A_439 {offsets = [0, 0], sizes = [8, 128], strides = [1, 1]} : vector<16x128xf32> to vector<8x128xf32>
      %swap3A_441 = arith.index_cast %get3A_425 : i32 to index
      %swap3A_442 = arith.constant 0 : index
      %swap3A_443 = vector.load %arg5[%swap3A_441, %swap3A_442] : memref<4104x128xf32, #tpu.memory_space<vmem>>, vector<8x128xf32>
      tpu.vector_store %arg5[%swap3A_441, %swap3A_442], %slice3A_440 {strides = array<i32>} : memref<4104x128xf32, #tpu.memory_space<vmem>>, vector<8x128xf32>,
      %slice3A_444 = vector.extract_strided_slice %dot_general3A_439 {offsets = [8, 0], sizes = [8, 128], strides = [1, 1]} : vector<16x128xf32> to vector<8x128xf32>
      %swap3A_445 = arith.index_cast %get3A_425 : i32 to index
      %swap3A_446 = arith.constant 0 : index
      %swap3A_447 = vector.load %arg6[%swap3A_445, %swap3A_446] : memref<4104x128xf32, #tpu.memory_space<vmem>>, vector<8x128xf32>
      tpu.vector_store %arg6[%swap3A_445, %swap3A_446], %slice3A_444 {strides = array<i32>} : memref<4104x128xf32, #tpu.memory_space<vmem>>, vector<8x128xf32>,
      %mul3A_448 = arith.constant 52 : i32
      %mul3A_449 = arith.muli %scan3A_4, %mul3A_448 : i32
      %add3A_450 = arith.constant 15 : i32
      %add3A_451 = arith.addi %mul3A_449, %add3A_450 : i32
      %get3A_452 = arith.index_cast %add3A_451 : i32 to index
      %get3A_453 = memref.load %arg0[%get3A_452] : memref<832xi32, #tpu.memory_space<smem>>
      %get3A_454 = arith.index_cast %add3A_451 : i32 to index
      %get3A_455 = memref.load %arg1[%get3A_454] : memref<832xi32, #tpu.memory_space<smem>>
      %get3A_456 = arith.index_cast %get3A_453 : i32 to index
      %get3A_457 = arith.constant 0 : index
      %get3A_458 = arith.constant 0 : index
      %get3A_459 = vector.load %arg2[%get3A_456, %get3A_457, %get3A_458] : memref<365x128x128xf32, #tpu.memory_space<vmem>>, vector<1x128x128xf32>
      %get3A_460 = vector.shape_cast %get3A_459 : vector<1x128x128xf32> to vector<128x128xf32>
      %get3A_461 = arith.index_cast %get3A_455 : i32 to index
      %get3A_462 = arith.constant 0 : index
      %get3A_463 = vector.load %arg3[%get3A_461, %get3A_462] : memref<4104x128xf32, #tpu.memory_space<vmem>>, vector<8x128xf32>
      %get3A_464 = arith.index_cast %get3A_455 : i32 to index
      %get3A_465 = arith.constant 0 : index
      %get3A_466 = vector.load %arg4[%get3A_464, %get3A_465] : memref<4104x128xf32, #tpu.memory_space<vmem>>, vector<8x128xf32>
      %concatenate3A_467 = tpu.concatenate %get3A_463, %get3A_466 in 0 : vector<8x128xf32>, vector<8x128xf32> -> vector<16x128xf32>
      %dot_general3A_468 = arith.constant dense<0.000000e+00> : vector<16x128xf32>
      %dot_general3A_469 = tpu.matmul %concatenate3A_467, %get3A_460, %dot_general3A_468 {dimension_numbers = #tpu.dot_dimension_numbers<[1], [1], [0], [0], [0, 0, 1, 0], [], []>, transpose_lhs_hint = false} : vector<16x128xf32>, vector<128x128xf32>, vector<16x128xf32> -> vector<16x128xf32>
      %slice3A_470 = vector.extract_strided_slice %dot_general3A_469 {offsets = [0, 0], sizes = [8, 128], strides = [1, 1]} : vector<16x128xf32> to vector<8x128xf32>
      %swap3A_471 = arith.index_cast %get3A_455 : i32 to index
      %swap3A_472 = arith.constant 0 : index
      %swap3A_473 = vector.load %arg5[%swap3A_471, %swap3A_472] : memref<4104x128xf32, #tpu.memory_space<vmem>>, vector<8x128xf32>
      tpu.vector_store %arg5[%swap3A_471, %swap3A_472], %slice3A_470 {strides = array<i32>} : memref<4104x128xf32, #tpu.memory_space<vmem>>, vector<8x128xf32>,
      %slice3A_474 = vector.extract_strided_slice %dot_general3A_469 {offsets = [8, 0], sizes = [8, 128], strides = [1, 1]} : vector<16x128xf32> to vector<8x128xf32>
      %swap3A_475 = arith.index_cast %get3A_455 : i32 to index
      %swap3A_476 = arith.constant 0 : index
      %swap3A_477 = vector.load %arg6[%swap3A_475, %swap3A_476] : memref<4104x128xf32, #tpu.memory_space<vmem>>, vector<8x128xf32>
      tpu.vector_store %arg6[%swap3A_475, %swap3A_476], %slice3A_474 {strides = array<i32>} : memref<4104x128xf32, #tpu.memory_space<vmem>>, vector<8x128xf32>,
      %mul3A_478 = arith.constant 52 : i32
      %mul3A_479 = arith.muli %scan3A_4, %mul3A_478 : i32
      %add3A_480 = arith.constant 16 : i32
      %add3A_481 = arith.addi %mul3A_479, %add3A_480 : i32
      %get3A_482 = arith.index_cast %add3A_481 : i32 to index
      %get3A_483 = memref.load %arg0[%get3A_482] : memref<832xi32, #tpu.memory_space<smem>>
      %get3A_484 = arith.index_cast %add3A_481 : i32 to index
      %get3A_485 = memref.load %arg1[%get3A_484] : memref<832xi32, #tpu.memory_space<smem>>
      %get3A_486 = arith.index_cast %get3A_483 : i32 to index
      %get3A_487 = arith.constant 0 : index
      %get3A_488 = arith.constant 0 : index
      %get3A_489 = vector.load %arg2[%get3A_486, %get3A_487, %get3A_488] : memref<365x128x128xf32, #tpu.memory_space<vmem>>, vector<1x128x128xf32>
      %get3A_490 = vector.shape_cast %get3A_489 : vector<1x128x128xf32> to vector<128x128xf32>
      %get3A_491 = arith.index_cast %get3A_485 : i32 to index
      %get3A_492 = arith.constant 0 : index
      %get3A_493 = vector.load %arg3[%get3A_491, %get3A_492] : memref<4104x128xf32, #tpu.memory_space<vmem>>, vector<8x128xf32>
      %get3A_494 = arith.index_cast %get3A_485 : i32 to index
      %get3A_495 = arith.constant 0 : index
      %get3A_496 = vector.load %arg4[%get3A_494, %get3A_495] : memref<4104x128xf32, #tpu.memory_space<vmem>>, vector<8x128xf32>
      %concatenate3A_497 = tpu.concatenate %get3A_493, %get3A_496 in 0 : vector<8x128xf32>, vector<8x128xf32> -> vector<16x128xf32>
      %dot_general3A_498 = arith.constant dense<0.000000e+00> : vector<16x128xf32>
      %dot_general3A_499 = tpu.matmul %concatenate3A_497, %get3A_490, %dot_general3A_498 {dimension_numbers = #tpu.dot_dimension_numbers<[1], [1], [0], [0], [0, 0, 1, 0], [], []>, transpose_lhs_hint = false} : vector<16x128xf32>, vector<128x128xf32>, vector<16x128xf32> -> vector<16x128xf32>
      %slice3A_500 = vector.extract_strided_slice %dot_general3A_499 {offsets = [0, 0], sizes = [8, 128], strides = [1, 1]} : vector<16x128xf32> to vector<8x128xf32>
      %swap3A_501 = arith.index_cast %get3A_485 : i32 to index
      %swap3A_502 = arith.constant 0 : index
      %swap3A_503 = vector.load %arg5[%swap3A_501, %swap3A_502] : memref<4104x128xf32, #tpu.memory_space<vmem>>, vector<8x128xf32>
      tpu.vector_store %arg5[%swap3A_501, %swap3A_502], %slice3A_500 {strides = array<i32>} : memref<4104x128xf32, #tpu.memory_space<vmem>>, vector<8x128xf32>,
      %slice3A_504 = vector.extract_strided_slice %dot_general3A_499 {offsets = [8, 0], sizes = [8, 128], strides = [1, 1]} : vector<16x128xf32> to vector<8x128xf32>
      %swap3A_505 = arith.index_cast %get3A_485 : i32 to index
      %swap3A_506 = arith.constant 0 : index
      %swap3A_507 = vector.load %arg6[%swap3A_505, %swap3A_506] : memref<4104x128xf32, #tpu.memory_space<vmem>>, vector<8x128xf32>
      tpu.vector_store %arg6[%swap3A_505, %swap3A_506], %slice3A_504 {strides = array<i32>} : memref<4104x128xf32, #tpu.memory_space<vmem>>, vector<8x128xf32>,
      %mul3A_508 = arith.constant 52 : i32
      %mul3A_509 = arith.muli %scan3A_4, %mul3A_508 : i32
      %add3A_510 = arith.constant 17 : i32
      %add3A_511 = arith.addi %mul3A_509, %add3A_510 : i32
      %get3A_512 = arith.index_cast %add3A_511 : i32 to index
      %get3A_513 = memref.load %arg0[%get3A_512] : memref<832xi32, #tpu.memory_space<smem>>
      %get3A_514 = arith.index_cast %add3A_511 : i32 to index
      %get3A_515 = memref.load %arg1[%get3A_514] : memref<832xi32, #tpu.memory_space<smem>>
      %get3A_516 = arith.index_cast %get3A_513 : i32 to index
      %get3A_517 = arith.constant 0 : index
      %get3A_518 = arith.constant 0 : index
      %get3A_519 = vector.load %arg2[%get3A_516, %get3A_517, %get3A_518] : memref<365x128x128xf32, #tpu.memory_space<vmem>>, vector<1x128x128xf32>
      %get3A_520 = vector.shape_cast %get3A_519 : vector<1x128x128xf32> to vector<128x128xf32>
      %get3A_521 = arith.index_cast %get3A_515 : i32 to index
      %get3A_522 = arith.constant 0 : index
      %get3A_523 = vector.load %arg3[%get3A_521, %get3A_522] : memref<4104x128xf32, #tpu.memory_space<vmem>>, vector<8x128xf32>
      %get3A_524 = arith.index_cast %get3A_515 : i32 to index
      %get3A_525 = arith.constant 0 : index
      %get3A_526 = vector.load %arg4[%get3A_524, %get3A_525] : memref<4104x128xf32, #tpu.memory_space<vmem>>, vector<8x128xf32>
      %concatenate3A_527 = tpu.concatenate %get3A_523, %get3A_526 in 0 : vector<8x128xf32>, vector<8x128xf32> -> vector<16x128xf32>
      %dot_general3A_528 = arith.constant dense<0.000000e+00> : vector<16x128xf32>
      %dot_general3A_529 = tpu.matmul %concatenate3A_527, %get3A_520, %dot_general3A_528 {dimension_numbers = #tpu.dot_dimension_numbers<[1], [1], [0], [0], [0, 0, 1, 0], [], []>, transpose_lhs_hint = false} : vector<16x128xf32>, vector<128x128xf32>, vector<16x128xf32> -> vector<16x128xf32>
      %slice3A_530 = vector.extract_strided_slice %dot_general3A_529 {offsets = [0, 0], sizes = [8, 128], strides = [1, 1]} : vector<16x128xf32> to vector<8x128xf32>
      %swap3A_531 = arith.index_cast %get3A_515 : i32 to index
      %swap3A_532 = arith.constant 0 : index
      %swap3A_533 = vector.load %arg5[%swap3A_531, %swap3A_532] : memref<4104x128xf32, #tpu.memory_space<vmem>>, vector<8x128xf32>
      tpu.vector_store %arg5[%swap3A_531, %swap3A_532], %slice3A_530 {strides = array<i32>} : memref<4104x128xf32, #tpu.memory_space<vmem>>, vector<8x128xf32>,
      %slice3A_534 = vector.extract_strided_slice %dot_general3A_529 {offsets = [8, 0], sizes = [8, 128], strides = [1, 1]} : vector<16x128xf32> to vector<8x128xf32>
      %swap3A_535 = arith.index_cast %get3A_515 : i32 to index
      %swap3A_536 = arith.constant 0 : index
      %swap3A_537 = vector.load %arg6[%swap3A_535, %swap3A_536] : memref<4104x128xf32, #tpu.memory_space<vmem>>, vector<8x128xf32>
      tpu.vector_store %arg6[%swap3A_535, %swap3A_536], %slice3A_534 {strides = array<i32>} : memref<4104x128xf32, #tpu.memory_space<vmem>>, vector<8x128xf32>,
      %mul3A_538 = arith.constant 52 : i32
      %mul3A_539 = arith.muli %scan3A_4, %mul3A_538 : i32
      %add3A_540 = arith.constant 18 : i32
      %add3A_541 = arith.addi %mul3A_539, %add3A_540 : i32
      %get3A_542 = arith.index_cast %add3A_541 : i32 to index
      %get3A_543 = memref.load %arg0[%get3A_542] : memref<832xi32, #tpu.memory_space<smem>>
      %get3A_544 = arith.index_cast %add3A_541 : i32 to index
      %get3A_545 = memref.load %arg1[%get3A_544] : memref<832xi32, #tpu.memory_space<smem>>
      %get3A_546 = arith.index_cast %get3A_543 : i32 to index
      %get3A_547 = arith.constant 0 : index
      %get3A_548 = arith.constant 0 : index
      %get3A_549 = vector.load %arg2[%get3A_546, %get3A_547, %get3A_548] : memref<365x128x128xf32, #tpu.memory_space<vmem>>, vector<1x128x128xf32>
      %get3A_550 = vector.shape_cast %get3A_549 : vector<1x128x128xf32> to vector<128x128xf32>
      %get3A_551 = arith.index_cast %get3A_545 : i32 to index
      %get3A_552 = arith.constant 0 : index
      %get3A_553 = vector.load %arg3[%get3A_551, %get3A_552] : memref<4104x128xf32, #tpu.memory_space<vmem>>, vector<8x128xf32>
      %get3A_554 = arith.index_cast %get3A_545 : i32 to index
      %get3A_555 = arith.constant 0 : index
      %get3A_556 = vector.load %arg4[%get3A_554, %get3A_555] : memref<4104x128xf32, #tpu.memory_space<vmem>>, vector<8x128xf32>
      %concatenate3A_557 = tpu.concatenate %get3A_553, %get3A_556 in 0 : vector<8x128xf32>, vector<8x128xf32> -> vector<16x128xf32>
      %dot_general3A_558 = arith.constant dense<0.000000e+00> : vector<16x128xf32>
      %dot_general3A_559 = tpu.matmul %concatenate3A_557, %get3A_550, %dot_general3A_558 {dimension_numbers = #tpu.dot_dimension_numbers<[1], [1], [0], [0], [0, 0, 1, 0], [], []>, transpose_lhs_hint = false} : vector<16x128xf32>, vector<128x128xf32>, vector<16x128xf32> -> vector<16x128xf32>
      %slice3A_560 = vector.extract_strided_slice %dot_general3A_559 {offsets = [0, 0], sizes = [8, 128], strides = [1, 1]} : vector<16x128xf32> to vector<8x128xf32>
      %swap3A_561 = arith.index_cast %get3A_545 : i32 to index
      %swap3A_562 = arith.constant 0 : index
      %swap3A_563 = vector.load %arg5[%swap3A_561, %swap3A_562] : memref<4104x128xf32, #tpu.memory_space<vmem>>, vector<8x128xf32>
      tpu.vector_store %arg5[%swap3A_561, %swap3A_562], %slice3A_560 {strides = array<i32>} : memref<4104x128xf32, #tpu.memory_space<vmem>>, vector<8x128xf32>,
      %slice3A_564 = vector.extract_strided_slice %dot_general3A_559 {offsets = [8, 0], sizes = [8, 128], strides = [1, 1]} : vector<16x128xf32> to vector<8x128xf32>
      %swap3A_565 = arith.index_cast %get3A_545 : i32 to index
      %swap3A_566 = arith.constant 0 : index
      %swap3A_567 = vector.load %arg6[%swap3A_565, %swap3A_566] : memref<4104x128xf32, #tpu.memory_space<vmem>>, vector<8x128xf32>
      tpu.vector_store %arg6[%swap3A_565, %swap3A_566], %slice3A_564 {strides = array<i32>} : memref<4104x128xf32, #tpu.memory_space<vmem>>, vector<8x128xf32>,
      %mul3A_568 = arith.constant 52 : i32
      %mul3A_569 = arith.muli %scan3A_4, %mul3A_568 : i32
      %add3A_570 = arith.constant 19 : i32
      %add3A_571 = arith.addi %mul3A_569, %add3A_570 : i32
      %get3A_572 = arith.index_cast %add3A_571 : i32 to index
      %get3A_573 = memref.load %arg0[%get3A_572] : memref<832xi32, #tpu.memory_space<smem>>
      %get3A_574 = arith.index_cast %add3A_571 : i32 to index
      %get3A_575 = memref.load %arg1[%get3A_574] : memref<832xi32, #tpu.memory_space<smem>>
      %get3A_576 = arith.index_cast %get3A_573 : i32 to index
      %get3A_577 = arith.constant 0 : index
      %get3A_578 = arith.constant 0 : index
      %get3A_579 = vector.load %arg2[%get3A_576, %get3A_577, %get3A_578] : memref<365x128x128xf32, #tpu.memory_space<vmem>>, vector<1x128x128xf32>
      %get3A_580 = vector.shape_cast %get3A_579 : vector<1x128x128xf32> to vector<128x128xf32>
      %get3A_581 = arith.index_cast %get3A_575 : i32 to index
      %get3A_582 = arith.constant 0 : index
      %get3A_583 = vector.load %arg3[%get3A_581, %get3A_582] : memref<4104x128xf32, #tpu.memory_space<vmem>>, vector<8x128xf32>
      %get3A_584 = arith.index_cast %get3A_575 : i32 to index
      %get3A_585 = arith.constant 0 : index
      %get3A_586 = vector.load %arg4[%get3A_584, %get3A_585] : memref<4104x128xf32, #tpu.memory_space<vmem>>, vector<8x128xf32>
      %concatenate3A_587 = tpu.concatenate %get3A_583, %get3A_586 in 0 : vector<8x128xf32>, vector<8x128xf32> -> vector<16x128xf32>
      %dot_general3A_588 = arith.constant dense<0.000000e+00> : vector<16x128xf32>
      %dot_general3A_589 = tpu.matmul %concatenate3A_587, %get3A_580, %dot_general3A_588 {dimension_numbers = #tpu.dot_dimension_numbers<[1], [1], [0], [0], [0, 0, 1, 0], [], []>, transpose_lhs_hint = false} : vector<16x128xf32>, vector<128x128xf32>, vector<16x128xf32> -> vector<16x128xf32>
      %slice3A_590 = vector.extract_strided_slice %dot_general3A_589 {offsets = [0, 0], sizes = [8, 128], strides = [1, 1]} : vector<16x128xf32> to vector<8x128xf32>
      %swap3A_591 = arith.index_cast %get3A_575 : i32 to index
      %swap3A_592 = arith.constant 0 : index
      %swap3A_593 = vector.load %arg5[%swap3A_591, %swap3A_592] : memref<4104x128xf32, #tpu.memory_space<vmem>>, vector<8x128xf32>
      tpu.vector_store %arg5[%swap3A_591, %swap3A_592], %slice3A_590 {strides = array<i32>} : memref<4104x128xf32, #tpu.memory_space<vmem>>, vector<8x128xf32>,
      %slice3A_594 = vector.extract_strided_slice %dot_general3A_589 {offsets = [8, 0], sizes = [8, 128], strides = [1, 1]} : vector<16x128xf32> to vector<8x128xf32>
      %swap3A_595 = arith.index_cast %get3A_575 : i32 to index
      %swap3A_596 = arith.constant 0 : index
      %swap3A_597 = vector.load %arg6[%swap3A_595, %swap3A_596] : memref<4104x128xf32, #tpu.memory_space<vmem>>, vector<8x128xf32>
      tpu.vector_store %arg6[%swap3A_595, %swap3A_596], %slice3A_594 {strides = array<i32>} : memref<4104x128xf32, #tpu.memory_space<vmem>>, vector<8x128xf32>,
      %mul3A_598 = arith.constant 52 : i32
      %mul3A_599 = arith.muli %scan3A_4, %mul3A_598 : i32
      %add3A_600 = arith.constant 20 : i32
      %add3A_601 = arith.addi %mul3A_599, %add3A_600 : i32
      %get3A_602 = arith.index_cast %add3A_601 : i32 to index
      %get3A_603 = memref.load %arg0[%get3A_602] : memref<832xi32, #tpu.memory_space<smem>>
      %get3A_604 = arith.index_cast %add3A_601 : i32 to index
      %get3A_605 = memref.load %arg1[%get3A_604] : memref<832xi32, #tpu.memory_space<smem>>
      %get3A_606 = arith.index_cast %get3A_603 : i32 to index
      %get3A_607 = arith.constant 0 : index
      %get3A_608 = arith.constant 0 : index
      %get3A_609 = vector.load %arg2[%get3A_606, %get3A_607, %get3A_608] : memref<365x128x128xf32, #tpu.memory_space<vmem>>, vector<1x128x128xf32>
      %get3A_610 = vector.shape_cast %get3A_609 : vector<1x128x128xf32> to vector<128x128xf32>
      %get3A_611 = arith.index_cast %get3A_605 : i32 to index
      %get3A_612 = arith.constant 0 : index
      %get3A_613 = vector.load %arg3[%get3A_611, %get3A_612] : memref<4104x128xf32, #tpu.memory_space<vmem>>, vector<8x128xf32>
      %get3A_614 = arith.index_cast %get3A_605 : i32 to index
      %get3A_615 = arith.constant 0 : index
      %get3A_616 = vector.load %arg4[%get3A_614, %get3A_615] : memref<4104x128xf32, #tpu.memory_space<vmem>>, vector<8x128xf32>
      %concatenate3A_617 = tpu.concatenate %get3A_613, %get3A_616 in 0 : vector<8x128xf32>, vector<8x128xf32> -> vector<16x128xf32>
      %dot_general3A_618 = arith.constant dense<0.000000e+00> : vector<16x128xf32>
      %dot_general3A_619 = tpu.matmul %concatenate3A_617, %get3A_610, %dot_general3A_618 {dimension_numbers = #tpu.dot_dimension_numbers<[1], [1], [0], [0], [0, 0, 1, 0], [], []>, transpose_lhs_hint = false} : vector<16x128xf32>, vector<128x128xf32>, vector<16x128xf32> -> vector<16x128xf32>
      %slice3A_620 = vector.extract_strided_slice %dot_general3A_619 {offsets = [0, 0], sizes = [8, 128], strides = [1, 1]} : vector<16x128xf32> to vector<8x128xf32>
      %swap3A_621 = arith.index_cast %get3A_605 : i32 to index
      %swap3A_622 = arith.constant 0 : index
      %swap3A_623 = vector.load %arg5[%swap3A_621, %swap3A_622] : memref<4104x128xf32, #tpu.memory_space<vmem>>, vector<8x128xf32>
      tpu.vector_store %arg5[%swap3A_621, %swap3A_622], %slice3A_620 {strides = array<i32>} : memref<4104x128xf32, #tpu.memory_space<vmem>>, vector<8x128xf32>,
      %slice3A_624 = vector.extract_strided_slice %dot_general3A_619 {offsets = [8, 0], sizes = [8, 128], strides = [1, 1]} : vector<16x128xf32> to vector<8x128xf32>
      %swap3A_625 = arith.index_cast %get3A_605 : i32 to index
      %swap3A_626 = arith.constant 0 : index
      %swap3A_627 = vector.load %arg6[%swap3A_625, %swap3A_626] : memref<4104x128xf32, #tpu.memory_space<vmem>>, vector<8x128xf32>
      tpu.vector_store %arg6[%swap3A_625, %swap3A_626], %slice3A_624 {strides = array<i32>} : memref<4104x128xf32, #tpu.memory_space<vmem>>, vector<8x128xf32>,
      %mul3A_628 = arith.constant 52 : i32
      %mul3A_629 = arith.muli %scan3A_4, %mul3A_628 : i32
      %add3A_630 = arith.constant 21 : i32
      %add3A_631 = arith.addi %mul3A_629, %add3A_630 : i32
      %get3A_632 = arith.index_cast %add3A_631 : i32 to index
      %get3A_633 = memref.load %arg0[%get3A_632] : memref<832xi32, #tpu.memory_space<smem>>
      %get3A_634 = arith.index_cast %add3A_631 : i32 to index
      %get3A_635 = memref.load %arg1[%get3A_634] : memref<832xi32, #tpu.memory_space<smem>>
      %get3A_636 = arith.index_cast %get3A_633 : i32 to index
      %get3A_637 = arith.constant 0 : index
      %get3A_638 = arith.constant 0 : index
      %get3A_639 = vector.load %arg2[%get3A_636, %get3A_637, %get3A_638] : memref<365x128x128xf32, #tpu.memory_space<vmem>>, vector<1x128x128xf32>
      %get3A_640 = vector.shape_cast %get3A_639 : vector<1x128x128xf32> to vector<128x128xf32>
      %get3A_641 = arith.index_cast %get3A_635 : i32 to index
      %get3A_642 = arith.constant 0 : index
      %get3A_643 = vector.load %arg3[%get3A_641, %get3A_642] : memref<4104x128xf32, #tpu.memory_space<vmem>>, vector<8x128xf32>
      %get3A_644 = arith.index_cast %get3A_635 : i32 to index
      %get3A_645 = arith.constant 0 : index
      %get3A_646 = vector.load %arg4[%get3A_644, %get3A_645] : memref<4104x128xf32, #tpu.memory_space<vmem>>, vector<8x128xf32>
      %concatenate3A_647 = tpu.concatenate %get3A_643, %get3A_646 in 0 : vector<8x128xf32>, vector<8x128xf32> -> vector<16x128xf32>
      %dot_general3A_648 = arith.constant dense<0.000000e+00> : vector<16x128xf32>
      %dot_general3A_649 = tpu.matmul %concatenate3A_647, %get3A_640, %dot_general3A_648 {dimension_numbers = #tpu.dot_dimension_numbers<[1], [1], [0], [0], [0, 0, 1, 0], [], []>, transpose_lhs_hint = false} : vector<16x128xf32>, vector<128x128xf32>, vector<16x128xf32> -> vector<16x128xf32>
      %slice3A_650 = vector.extract_strided_slice %dot_general3A_649 {offsets = [0, 0], sizes = [8, 128], strides = [1, 1]} : vector<16x128xf32> to vector<8x128xf32>
      %swap3A_651 = arith.index_cast %get3A_635 : i32 to index
      %swap3A_652 = arith.constant 0 : index
      %swap3A_653 = vector.load %arg5[%swap3A_651, %swap3A_652] : memref<4104x128xf32, #tpu.memory_space<vmem>>, vector<8x128xf32>
      tpu.vector_store %arg5[%swap3A_651, %swap3A_652], %slice3A_650 {strides = array<i32>} : memref<4104x128xf32, #tpu.memory_space<vmem>>, vector<8x128xf32>,
      %slice3A_654 = vector.extract_strided_slice %dot_general3A_649 {offsets = [8, 0], sizes = [8, 128], strides = [1, 1]} : vector<16x128xf32> to vector<8x128xf32>
      %swap3A_655 = arith.index_cast %get3A_635 : i32 to index
      %swap3A_656 = arith.constant 0 : index
      %swap3A_657 = vector.load %arg6[%swap3A_655, %swap3A_656] : memref<4104x128xf32, #tpu.memory_space<vmem>>, vector<8x128xf32>
      tpu.vector_store %arg6[%swap3A_655, %swap3A_656], %slice3A_654 {strides = array<i32>} : memref<4104x128xf32, #tpu.memory_space<vmem>>, vector<8x128xf32>,
      %mul3A_658 = arith.constant 52 : i32
      %mul3A_659 = arith.muli %scan3A_4, %mul3A_658 : i32
      %add3A_660 = arith.constant 22 : i32
      %add3A_661 = arith.addi %mul3A_659, %add3A_660 : i32
      %get3A_662 = arith.index_cast %add3A_661 : i32 to index
      %get3A_663 = memref.load %arg0[%get3A_662] : memref<832xi32, #tpu.memory_space<smem>>
      %get3A_664 = arith.index_cast %add3A_661 : i32 to index
      %get3A_665 = memref.load %arg1[%get3A_664] : memref<832xi32, #tpu.memory_space<smem>>
      %get3A_666 = arith.index_cast %get3A_663 : i32 to index
      %get3A_667 = arith.constant 0 : index
      %get3A_668 = arith.constant 0 : index
      %get3A_669 = vector.load %arg2[%get3A_666, %get3A_667, %get3A_668] : memref<365x128x128xf32, #tpu.memory_space<vmem>>, vector<1x128x128xf32>
      %get3A_670 = vector.shape_cast %get3A_669 : vector<1x128x128xf32> to vector<128x128xf32>
      %get3A_671 = arith.index_cast %get3A_665 : i32 to index
      %get3A_672 = arith.constant 0 : index
      %get3A_673 = vector.load %arg3[%get3A_671, %get3A_672] : memref<4104x128xf32, #tpu.memory_space<vmem>>, vector<8x128xf32>
      %get3A_674 = arith.index_cast %get3A_665 : i32 to index
      %get3A_675 = arith.constant 0 : index
      %get3A_676 = vector.load %arg4[%get3A_674, %get3A_675] : memref<4104x128xf32, #tpu.memory_space<vmem>>, vector<8x128xf32>
      %concatenate3A_677 = tpu.concatenate %get3A_673, %get3A_676 in 0 : vector<8x128xf32>, vector<8x128xf32> -> vector<16x128xf32>
      %dot_general3A_678 = arith.constant dense<0.000000e+00> : vector<16x128xf32>
      %dot_general3A_679 = tpu.matmul %concatenate3A_677, %get3A_670, %dot_general3A_678 {dimension_numbers = #tpu.dot_dimension_numbers<[1], [1], [0], [0], [0, 0, 1, 0], [], []>, transpose_lhs_hint = false} : vector<16x128xf32>, vector<128x128xf32>, vector<16x128xf32> -> vector<16x128xf32>
      %slice3A_680 = vector.extract_strided_slice %dot_general3A_679 {offsets = [0, 0], sizes = [8, 128], strides = [1, 1]} : vector<16x128xf32> to vector<8x128xf32>
      %swap3A_681 = arith.index_cast %get3A_665 : i32 to index
      %swap3A_682 = arith.constant 0 : index
      %swap3A_683 = vector.load %arg5[%swap3A_681, %swap3A_682] : memref<4104x128xf32, #tpu.memory_space<vmem>>, vector<8x128xf32>
      tpu.vector_store %arg5[%swap3A_681, %swap3A_682], %slice3A_680 {strides = array<i32>} : memref<4104x128xf32, #tpu.memory_space<vmem>>, vector<8x128xf32>,
      %slice3A_684 = vector.extract_strided_slice %dot_general3A_679 {offsets = [8, 0], sizes = [8, 128], strides = [1, 1]} : vector<16x128xf32> to vector<8x128xf32>
      %swap3A_685 = arith.index_cast %get3A_665 : i32 to index
      %swap3A_686 = arith.constant 0 : index
      %swap3A_687 = vector.load %arg6[%swap3A_685, %swap3A_686] : memref<4104x128xf32, #tpu.memory_space<vmem>>, vector<8x128xf32>
      tpu.vector_store %arg6[%swap3A_685, %swap3A_686], %slice3A_684 {strides = array<i32>} : memref<4104x128xf32, #tpu.memory_space<vmem>>, vector<8x128xf32>,
      %mul3A_688 = arith.constant 52 : i32
      %mul3A_689 = arith.muli %scan3A_4, %mul3A_688 : i32
      %add3A_690 = arith.constant 23 : i32
      %add3A_691 = arith.addi %mul3A_689, %add3A_690 : i32
      %get3A_692 = arith.index_cast %add3A_691 : i32 to index
      %get3A_693 = memref.load %arg0[%get3A_692] : memref<832xi32, #tpu.memory_space<smem>>
      %get3A_694 = arith.index_cast %add3A_691 : i32 to index
      %get3A_695 = memref.load %arg1[%get3A_694] : memref<832xi32, #tpu.memory_space<smem>>
      %get3A_696 = arith.index_cast %get3A_693 : i32 to index
      %get3A_697 = arith.constant 0 : index
      %get3A_698 = arith.constant 0 : index
      %get3A_699 = vector.load %arg2[%get3A_696, %get3A_697, %get3A_698] : memref<365x128x128xf32, #tpu.memory_space<vmem>>, vector<1x128x128xf32>
      %get3A_700 = vector.shape_cast %get3A_699 : vector<1x128x128xf32> to vector<128x128xf32>
      %get3A_701 = arith.index_cast %get3A_695 : i32 to index
      %get3A_702 = arith.constant 0 : index
      %get3A_703 = vector.load %arg3[%get3A_701, %get3A_702] : memref<4104x128xf32, #tpu.memory_space<vmem>>, vector<8x128xf32>
      %get3A_704 = arith.index_cast %get3A_695 : i32 to index
      %get3A_705 = arith.constant 0 : index
      %get3A_706 = vector.load %arg4[%get3A_704, %get3A_705] : memref<4104x128xf32, #tpu.memory_space<vmem>>, vector<8x128xf32>
      %concatenate3A_707 = tpu.concatenate %get3A_703, %get3A_706 in 0 : vector<8x128xf32>, vector<8x128xf32> -> vector<16x128xf32>
      %dot_general3A_708 = arith.constant dense<0.000000e+00> : vector<16x128xf32>
      %dot_general3A_709 = tpu.matmul %concatenate3A_707, %get3A_700, %dot_general3A_708 {dimension_numbers = #tpu.dot_dimension_numbers<[1], [1], [0], [0], [0, 0, 1, 0], [], []>, transpose_lhs_hint = false} : vector<16x128xf32>, vector<128x128xf32>, vector<16x128xf32> -> vector<16x128xf32>
      %slice3A_710 = vector.extract_strided_slice %dot_general3A_709 {offsets = [0, 0], sizes = [8, 128], strides = [1, 1]} : vector<16x128xf32> to vector<8x128xf32>
      %swap3A_711 = arith.index_cast %get3A_695 : i32 to index
      %swap3A_712 = arith.constant 0 : index
      %swap3A_713 = vector.load %arg5[%swap3A_711, %swap3A_712] : memref<4104x128xf32, #tpu.memory_space<vmem>>, vector<8x128xf32>
      tpu.vector_store %arg5[%swap3A_711, %swap3A_712], %slice3A_710 {strides = array<i32>} : memref<4104x128xf32, #tpu.memory_space<vmem>>, vector<8x128xf32>,
      %slice3A_714 = vector.extract_strided_slice %dot_general3A_709 {offsets = [8, 0], sizes = [8, 128], strides = [1, 1]} : vector<16x128xf32> to vector<8x128xf32>
      %swap3A_715 = arith.index_cast %get3A_695 : i32 to index
      %swap3A_716 = arith.constant 0 : index
      %swap3A_717 = vector.load %arg6[%swap3A_715, %swap3A_716] : memref<4104x128xf32, #tpu.memory_space<vmem>>, vector<8x128xf32>
      tpu.vector_store %arg6[%swap3A_715, %swap3A_716], %slice3A_714 {strides = array<i32>} : memref<4104x128xf32, #tpu.memory_space<vmem>>, vector<8x128xf32>,
      %mul3A_718 = arith.constant 52 : i32
      %mul3A_719 = arith.muli %scan3A_4, %mul3A_718 : i32
      %add3A_720 = arith.constant 24 : i32
      %add3A_721 = arith.addi %mul3A_719, %add3A_720 : i32
      %get3A_722 = arith.index_cast %add3A_721 : i32 to index
      %get3A_723 = memref.load %arg0[%get3A_722] : memref<832xi32, #tpu.memory_space<smem>>
      %get3A_724 = arith.index_cast %add3A_721 : i32 to index
      %get3A_725 = memref.load %arg1[%get3A_724] : memref<832xi32, #tpu.memory_space<smem>>
      %get3A_726 = arith.index_cast %get3A_723 : i32 to index
      %get3A_727 = arith.constant 0 : index
      %get3A_728 = arith.constant 0 : index
      %get3A_729 = vector.load %arg2[%get3A_726, %get3A_727, %get3A_728] : memref<365x128x128xf32, #tpu.memory_space<vmem>>, vector<1x128x128xf32>
      %get3A_730 = vector.shape_cast %get3A_729 : vector<1x128x128xf32> to vector<128x128xf32>
      %get3A_731 = arith.index_cast %get3A_725 : i32 to index
      %get3A_732 = arith.constant 0 : index
      %get3A_733 = vector.load %arg3[%get3A_731, %get3A_732] : memref<4104x128xf32, #tpu.memory_space<vmem>>, vector<8x128xf32>
      %get3A_734 = arith.index_cast %get3A_725 : i32 to index
      %get3A_735 = arith.constant 0 : index
      %get3A_736 = vector.load %arg4[%get3A_734, %get3A_735] : memref<4104x128xf32, #tpu.memory_space<vmem>>, vector<8x128xf32>
      %concatenate3A_737 = tpu.concatenate %get3A_733, %get3A_736 in 0 : vector<8x128xf32>, vector<8x128xf32> -> vector<16x128xf32>
      %dot_general3A_738 = arith.constant dense<0.000000e+00> : vector<16x128xf32>
      %dot_general3A_739 = tpu.matmul %concatenate3A_737, %get3A_730, %dot_general3A_738 {dimension_numbers = #tpu.dot_dimension_numbers<[1], [1], [0], [0], [0, 0, 1, 0], [], []>, transpose_lhs_hint = false} : vector<16x128xf32>, vector<128x128xf32>, vector<16x128xf32> -> vector<16x128xf32>
      %slice3A_740 = vector.extract_strided_slice %dot_general3A_739 {offsets = [0, 0], sizes = [8, 128], strides = [1, 1]} : vector<16x128xf32> to vector<8x128xf32>
      %swap3A_741 = arith.index_cast %get3A_725 : i32 to index
      %swap3A_742 = arith.constant 0 : index
      %swap3A_743 = vector.load %arg5[%swap3A_741, %swap3A_742] : memref<4104x128xf32, #tpu.memory_space<vmem>>, vector<8x128xf32>
      tpu.vector_store %arg5[%swap3A_741, %swap3A_742], %slice3A_740 {strides = array<i32>} : memref<4104x128xf32, #tpu.memory_space<vmem>>, vector<8x128xf32>,
      %slice3A_744 = vector.extract_strided_slice %dot_general3A_739 {offsets = [8, 0], sizes = [8, 128], strides = [1, 1]} : vector<16x128xf32> to vector<8x128xf32>
      %swap3A_745 = arith.index_cast %get3A_725 : i32 to index
      %swap3A_746 = arith.constant 0 : index
      %swap3A_747 = vector.load %arg6[%swap3A_745, %swap3A_746] : memref<4104x128xf32, #tpu.memory_space<vmem>>, vector<8x128xf32>
      tpu.vector_store %arg6[%swap3A_745, %swap3A_746], %slice3A_744 {strides = array<i32>} : memref<4104x128xf32, #tpu.memory_space<vmem>>, vector<8x128xf32>,
      %mul3A_748 = arith.constant 52 : i32
      %mul3A_749 = arith.muli %scan3A_4, %mul3A_748 : i32
      %add3A_750 = arith.constant 25 : i32
      %add3A_751 = arith.addi %mul3A_749, %add3A_750 : i32
      %get3A_752 = arith.index_cast %add3A_751 : i32 to index
      %get3A_753 = memref.load %arg0[%get3A_752] : memref<832xi32, #tpu.memory_space<smem>>
      %get3A_754 = arith.index_cast %add3A_751 : i32 to index
      %get3A_755 = memref.load %arg1[%get3A_754] : memref<832xi32, #tpu.memory_space<smem>>
      %get3A_756 = arith.index_cast %get3A_753 : i32 to index
      %get3A_757 = arith.constant 0 : index
      %get3A_758 = arith.constant 0 : index
      %get3A_759 = vector.load %arg2[%get3A_756, %get3A_757, %get3A_758] : memref<365x128x128xf32, #tpu.memory_space<vmem>>, vector<1x128x128xf32>
      %get3A_760 = vector.shape_cast %get3A_759 : vector<1x128x128xf32> to vector<128x128xf32>
      %get3A_761 = arith.index_cast %get3A_755 : i32 to index
      %get3A_762 = arith.constant 0 : index
      %get3A_763 = vector.load %arg3[%get3A_761, %get3A_762] : memref<4104x128xf32, #tpu.memory_space<vmem>>, vector<8x128xf32>
      %get3A_764 = arith.index_cast %get3A_755 : i32 to index
      %get3A_765 = arith.constant 0 : index
      %get3A_766 = vector.load %arg4[%get3A_764, %get3A_765] : memref<4104x128xf32, #tpu.memory_space<vmem>>, vector<8x128xf32>
      %concatenate3A_767 = tpu.concatenate %get3A_763, %get3A_766 in 0 : vector<8x128xf32>, vector<8x128xf32> -> vector<16x128xf32>
      %dot_general3A_768 = arith.constant dense<0.000000e+00> : vector<16x128xf32>
      %dot_general3A_769 = tpu.matmul %concatenate3A_767, %get3A_760, %dot_general3A_768 {dimension_numbers = #tpu.dot_dimension_numbers<[1], [1], [0], [0], [0, 0, 1, 0], [], []>, transpose_lhs_hint = false} : vector<16x128xf32>, vector<128x128xf32>, vector<16x128xf32> -> vector<16x128xf32>
      %slice3A_770 = vector.extract_strided_slice %dot_general3A_769 {offsets = [0, 0], sizes = [8, 128], strides = [1, 1]} : vector<16x128xf32> to vector<8x128xf32>
      %swap3A_771 = arith.index_cast %get3A_755 : i32 to index
      %swap3A_772 = arith.constant 0 : index
      %swap3A_773 = vector.load %arg5[%swap3A_771, %swap3A_772] : memref<4104x128xf32, #tpu.memory_space<vmem>>, vector<8x128xf32>
      tpu.vector_store %arg5[%swap3A_771, %swap3A_772], %slice3A_770 {strides = array<i32>} : memref<4104x128xf32, #tpu.memory_space<vmem>>, vector<8x128xf32>,
      %slice3A_774 = vector.extract_strided_slice %dot_general3A_769 {offsets = [8, 0], sizes = [8, 128], strides = [1, 1]} : vector<16x128xf32> to vector<8x128xf32>
      %swap3A_775 = arith.index_cast %get3A_755 : i32 to index
      %swap3A_776 = arith.constant 0 : index
      %swap3A_777 = vector.load %arg6[%swap3A_775, %swap3A_776] : memref<4104x128xf32, #tpu.memory_space<vmem>>, vector<8x128xf32>
      tpu.vector_store %arg6[%swap3A_775, %swap3A_776], %slice3A_774 {strides = array<i32>} : memref<4104x128xf32, #tpu.memory_space<vmem>>, vector<8x128xf32>,
      %mul3A_778 = arith.constant 52 : i32
      %mul3A_779 = arith.muli %scan3A_4, %mul3A_778 : i32
      %add3A_780 = arith.constant 26 : i32
      %add3A_781 = arith.addi %mul3A_779, %add3A_780 : i32
      %get3A_782 = arith.index_cast %add3A_781 : i32 to index
      %get3A_783 = memref.load %arg0[%get3A_782] : memref<832xi32, #tpu.memory_space<smem>>
      %get3A_784 = arith.index_cast %add3A_781 : i32 to index
      %get3A_785 = memref.load %arg1[%get3A_784] : memref<832xi32, #tpu.memory_space<smem>>
      %get3A_786 = arith.index_cast %get3A_783 : i32 to index
      %get3A_787 = arith.constant 0 : index
      %get3A_788 = arith.constant 0 : index
      %get3A_789 = vector.load %arg2[%get3A_786, %get3A_787, %get3A_788] : memref<365x128x128xf32, #tpu.memory_space<vmem>>, vector<1x128x128xf32>
      %get3A_790 = vector.shape_cast %get3A_789 : vector<1x128x128xf32> to vector<128x128xf32>
      %get3A_791 = arith.index_cast %get3A_785 : i32 to index
      %get3A_792 = arith.constant 0 : index
      %get3A_793 = vector.load %arg3[%get3A_791, %get3A_792] : memref<4104x128xf32, #tpu.memory_space<vmem>>, vector<8x128xf32>
      %get3A_794 = arith.index_cast %get3A_785 : i32 to index
      %get3A_795 = arith.constant 0 : index
      %get3A_796 = vector.load %arg4[%get3A_794, %get3A_795] : memref<4104x128xf32, #tpu.memory_space<vmem>>, vector<8x128xf32>
      %concatenate3A_797 = tpu.concatenate %get3A_793, %get3A_796 in 0 : vector<8x128xf32>, vector<8x128xf32> -> vector<16x128xf32>
      %dot_general3A_798 = arith.constant dense<0.000000e+00> : vector<16x128xf32>
      %dot_general3A_799 = tpu.matmul %concatenate3A_797, %get3A_790, %dot_general3A_798 {dimension_numbers = #tpu.dot_dimension_numbers<[1], [1], [0], [0], [0, 0, 1, 0], [], []>, transpose_lhs_hint = false} : vector<16x128xf32>, vector<128x128xf32>, vector<16x128xf32> -> vector<16x128xf32>
      %slice3A_800 = vector.extract_strided_slice %dot_general3A_799 {offsets = [0, 0], sizes = [8, 128], strides = [1, 1]} : vector<16x128xf32> to vector<8x128xf32>
      %swap3A_801 = arith.index_cast %get3A_785 : i32 to index
      %swap3A_802 = arith.constant 0 : index
      %swap3A_803 = vector.load %arg5[%swap3A_801, %swap3A_802] : memref<4104x128xf32, #tpu.memory_space<vmem>>, vector<8x128xf32>
      tpu.vector_store %arg5[%swap3A_801, %swap3A_802], %slice3A_800 {strides = array<i32>} : memref<4104x128xf32, #tpu.memory_space<vmem>>, vector<8x128xf32>,
      %slice3A_804 = vector.extract_strided_slice %dot_general3A_799 {offsets = [8, 0], sizes = [8, 128], strides = [1, 1]} : vector<16x128xf32> to vector<8x128xf32>
      %swap3A_805 = arith.index_cast %get3A_785 : i32 to index
      %swap3A_806 = arith.constant 0 : index
      %swap3A_807 = vector.load %arg6[%swap3A_805, %swap3A_806] : memref<4104x128xf32, #tpu.memory_space<vmem>>, vector<8x128xf32>
      tpu.vector_store %arg6[%swap3A_805, %swap3A_806], %slice3A_804 {strides = array<i32>} : memref<4104x128xf32, #tpu.memory_space<vmem>>, vector<8x128xf32>,
      %mul3A_808 = arith.constant 52 : i32
      %mul3A_809 = arith.muli %scan3A_4, %mul3A_808 : i32
      %add3A_810 = arith.constant 27 : i32
      %add3A_811 = arith.addi %mul3A_809, %add3A_810 : i32
      %get3A_812 = arith.index_cast %add3A_811 : i32 to index
      %get3A_813 = memref.load %arg0[%get3A_812] : memref<832xi32, #tpu.memory_space<smem>>
      %get3A_814 = arith.index_cast %add3A_811 : i32 to index
      %get3A_815 = memref.load %arg1[%get3A_814] : memref<832xi32, #tpu.memory_space<smem>>
      %get3A_816 = arith.index_cast %get3A_813 : i32 to index
      %get3A_817 = arith.constant 0 : index
      %get3A_818 = arith.constant 0 : index
      %get3A_819 = vector.load %arg2[%get3A_816, %get3A_817, %get3A_818] : memref<365x128x128xf32, #tpu.memory_space<vmem>>, vector<1x128x128xf32>
      %get3A_820 = vector.shape_cast %get3A_819 : vector<1x128x128xf32> to vector<128x128xf32>
      %get3A_821 = arith.index_cast %get3A_815 : i32 to index
      %get3A_822 = arith.constant 0 : index
      %get3A_823 = vector.load %arg3[%get3A_821, %get3A_822] : memref<4104x128xf32, #tpu.memory_space<vmem>>, vector<8x128xf32>
      %get3A_824 = arith.index_cast %get3A_815 : i32 to index
      %get3A_825 = arith.constant 0 : index
      %get3A_826 = vector.load %arg4[%get3A_824, %get3A_825] : memref<4104x128xf32, #tpu.memory_space<vmem>>, vector<8x128xf32>
      %concatenate3A_827 = tpu.concatenate %get3A_823, %get3A_826 in 0 : vector<8x128xf32>, vector<8x128xf32> -> vector<16x128xf32>
      %dot_general3A_828 = arith.constant dense<0.000000e+00> : vector<16x128xf32>
      %dot_general3A_829 = tpu.matmul %concatenate3A_827, %get3A_820, %dot_general3A_828 {dimension_numbers = #tpu.dot_dimension_numbers<[1], [1], [0], [0], [0, 0, 1, 0], [], []>, transpose_lhs_hint = false} : vector<16x128xf32>, vector<128x128xf32>, vector<16x128xf32> -> vector<16x128xf32>
      %slice3A_830 = vector.extract_strided_slice %dot_general3A_829 {offsets = [0, 0], sizes = [8, 128], strides = [1, 1]} : vector<16x128xf32> to vector<8x128xf32>
      %swap3A_831 = arith.index_cast %get3A_815 : i32 to index
      %swap3A_832 = arith.constant 0 : index
      %swap3A_833 = vector.load %arg5[%swap3A_831, %swap3A_832] : memref<4104x128xf32, #tpu.memory_space<vmem>>, vector<8x128xf32>
      tpu.vector_store %arg5[%swap3A_831, %swap3A_832], %slice3A_830 {strides = array<i32>} : memref<4104x128xf32, #tpu.memory_space<vmem>>, vector<8x128xf32>,
      %slice3A_834 = vector.extract_strided_slice %dot_general3A_829 {offsets = [8, 0], sizes = [8, 128], strides = [1, 1]} : vector<16x128xf32> to vector<8x128xf32>
      %swap3A_835 = arith.index_cast %get3A_815 : i32 to index
      %swap3A_836 = arith.constant 0 : index
      %swap3A_837 = vector.load %arg6[%swap3A_835, %swap3A_836] : memref<4104x128xf32, #tpu.memory_space<vmem>>, vector<8x128xf32>
      tpu.vector_store %arg6[%swap3A_835, %swap3A_836], %slice3A_834 {strides = array<i32>} : memref<4104x128xf32, #tpu.memory_space<vmem>>, vector<8x128xf32>,
      %mul3A_838 = arith.constant 52 : i32
      %mul3A_839 = arith.muli %scan3A_4, %mul3A_838 : i32
      %add3A_840 = arith.constant 28 : i32
      %add3A_841 = arith.addi %mul3A_839, %add3A_840 : i32
      %get3A_842 = arith.index_cast %add3A_841 : i32 to index
      %get3A_843 = memref.load %arg0[%get3A_842] : memref<832xi32, #tpu.memory_space<smem>>
      %get3A_844 = arith.index_cast %add3A_841 : i32 to index
      %get3A_845 = memref.load %arg1[%get3A_844] : memref<832xi32, #tpu.memory_space<smem>>
      %get3A_846 = arith.index_cast %get3A_843 : i32 to index
      %get3A_847 = arith.constant 0 : index
      %get3A_848 = arith.constant 0 : index
      %get3A_849 = vector.load %arg2[%get3A_846, %get3A_847, %get3A_848] : memref<365x128x128xf32, #tpu.memory_space<vmem>>, vector<1x128x128xf32>
      %get3A_850 = vector.shape_cast %get3A_849 : vector<1x128x128xf32> to vector<128x128xf32>
      %get3A_851 = arith.index_cast %get3A_845 : i32 to index
      %get3A_852 = arith.constant 0 : index
      %get3A_853 = vector.load %arg3[%get3A_851, %get3A_852] : memref<4104x128xf32, #tpu.memory_space<vmem>>, vector<8x128xf32>
      %get3A_854 = arith.index_cast %get3A_845 : i32 to index
      %get3A_855 = arith.constant 0 : index
      %get3A_856 = vector.load %arg4[%get3A_854, %get3A_855] : memref<4104x128xf32, #tpu.memory_space<vmem>>, vector<8x128xf32>
      %concatenate3A_857 = tpu.concatenate %get3A_853, %get3A_856 in 0 : vector<8x128xf32>, vector<8x128xf32> -> vector<16x128xf32>
      %dot_general3A_858 = arith.constant dense<0.000000e+00> : vector<16x128xf32>
      %dot_general3A_859 = tpu.matmul %concatenate3A_857, %get3A_850, %dot_general3A_858 {dimension_numbers = #tpu.dot_dimension_numbers<[1], [1], [0], [0], [0, 0, 1, 0], [], []>, transpose_lhs_hint = false} : vector<16x128xf32>, vector<128x128xf32>, vector<16x128xf32> -> vector<16x128xf32>
      %slice3A_860 = vector.extract_strided_slice %dot_general3A_859 {offsets = [0, 0], sizes = [8, 128], strides = [1, 1]} : vector<16x128xf32> to vector<8x128xf32>
      %swap3A_861 = arith.index_cast %get3A_845 : i32 to index
      %swap3A_862 = arith.constant 0 : index
      %swap3A_863 = vector.load %arg5[%swap3A_861, %swap3A_862] : memref<4104x128xf32, #tpu.memory_space<vmem>>, vector<8x128xf32>
      tpu.vector_store %arg5[%swap3A_861, %swap3A_862], %slice3A_860 {strides = array<i32>} : memref<4104x128xf32, #tpu.memory_space<vmem>>, vector<8x128xf32>,
      %slice3A_864 = vector.extract_strided_slice %dot_general3A_859 {offsets = [8, 0], sizes = [8, 128], strides = [1, 1]} : vector<16x128xf32> to vector<8x128xf32>
      %swap3A_865 = arith.index_cast %get3A_845 : i32 to index
      %swap3A_866 = arith.constant 0 : index
      %swap3A_867 = vector.load %arg6[%swap3A_865, %swap3A_866] : memref<4104x128xf32, #tpu.memory_space<vmem>>, vector<8x128xf32>
      tpu.vector_store %arg6[%swap3A_865, %swap3A_866], %slice3A_864 {strides = array<i32>} : memref<4104x128xf32, #tpu.memory_space<vmem>>, vector<8x128xf32>,
      %mul3A_868 = arith.constant 52 : i32
      %mul3A_869 = arith.muli %scan3A_4, %mul3A_868 : i32
      %add3A_870 = arith.constant 29 : i32
      %add3A_871 = arith.addi %mul3A_869, %add3A_870 : i32
      %get3A_872 = arith.index_cast %add3A_871 : i32 to index
      %get3A_873 = memref.load %arg0[%get3A_872] : memref<832xi32, #tpu.memory_space<smem>>
      %get3A_874 = arith.index_cast %add3A_871 : i32 to index
      %get3A_875 = memref.load %arg1[%get3A_874] : memref<832xi32, #tpu.memory_space<smem>>
      %get3A_876 = arith.index_cast %get3A_873 : i32 to index
      %get3A_877 = arith.constant 0 : index
      %get3A_878 = arith.constant 0 : index
      %get3A_879 = vector.load %arg2[%get3A_876, %get3A_877, %get3A_878] : memref<365x128x128xf32, #tpu.memory_space<vmem>>, vector<1x128x128xf32>
      %get3A_880 = vector.shape_cast %get3A_879 : vector<1x128x128xf32> to vector<128x128xf32>
      %get3A_881 = arith.index_cast %get3A_875 : i32 to index
      %get3A_882 = arith.constant 0 : index
      %get3A_883 = vector.load %arg3[%get3A_881, %get3A_882] : memref<4104x128xf32, #tpu.memory_space<vmem>>, vector<8x128xf32>
      %get3A_884 = arith.index_cast %get3A_875 : i32 to index
      %get3A_885 = arith.constant 0 : index
      %get3A_886 = vector.load %arg4[%get3A_884, %get3A_885] : memref<4104x128xf32, #tpu.memory_space<vmem>>, vector<8x128xf32>
      %concatenate3A_887 = tpu.concatenate %get3A_883, %get3A_886 in 0 : vector<8x128xf32>, vector<8x128xf32> -> vector<16x128xf32>
      %dot_general3A_888 = arith.constant dense<0.000000e+00> : vector<16x128xf32>
      %dot_general3A_889 = tpu.matmul %concatenate3A_887, %get3A_880, %dot_general3A_888 {dimension_numbers = #tpu.dot_dimension_numbers<[1], [1], [0], [0], [0, 0, 1, 0], [], []>, transpose_lhs_hint = false} : vector<16x128xf32>, vector<128x128xf32>, vector<16x128xf32> -> vector<16x128xf32>
      %slice3A_890 = vector.extract_strided_slice %dot_general3A_889 {offsets = [0, 0], sizes = [8, 128], strides = [1, 1]} : vector<16x128xf32> to vector<8x128xf32>
      %swap3A_891 = arith.index_cast %get3A_875 : i32 to index
      %swap3A_892 = arith.constant 0 : index
      %swap3A_893 = vector.load %arg5[%swap3A_891, %swap3A_892] : memref<4104x128xf32, #tpu.memory_space<vmem>>, vector<8x128xf32>
      tpu.vector_store %arg5[%swap3A_891, %swap3A_892], %slice3A_890 {strides = array<i32>} : memref<4104x128xf32, #tpu.memory_space<vmem>>, vector<8x128xf32>,
      %slice3A_894 = vector.extract_strided_slice %dot_general3A_889 {offsets = [8, 0], sizes = [8, 128], strides = [1, 1]} : vector<16x128xf32> to vector<8x128xf32>
      %swap3A_895 = arith.index_cast %get3A_875 : i32 to index
      %swap3A_896 = arith.constant 0 : index
      %swap3A_897 = vector.load %arg6[%swap3A_895, %swap3A_896] : memref<4104x128xf32, #tpu.memory_space<vmem>>, vector<8x128xf32>
      tpu.vector_store %arg6[%swap3A_895, %swap3A_896], %slice3A_894 {strides = array<i32>} : memref<4104x128xf32, #tpu.memory_space<vmem>>, vector<8x128xf32>,
      %mul3A_898 = arith.constant 52 : i32
      %mul3A_899 = arith.muli %scan3A_4, %mul3A_898 : i32
      %add3A_900 = arith.constant 30 : i32
      %add3A_901 = arith.addi %mul3A_899, %add3A_900 : i32
      %get3A_902 = arith.index_cast %add3A_901 : i32 to index
      %get3A_903 = memref.load %arg0[%get3A_902] : memref<832xi32, #tpu.memory_space<smem>>
      %get3A_904 = arith.index_cast %add3A_901 : i32 to index
      %get3A_905 = memref.load %arg1[%get3A_904] : memref<832xi32, #tpu.memory_space<smem>>
      %get3A_906 = arith.index_cast %get3A_903 : i32 to index
      %get3A_907 = arith.constant 0 : index
      %get3A_908 = arith.constant 0 : index
      %get3A_909 = vector.load %arg2[%get3A_906, %get3A_907, %get3A_908] : memref<365x128x128xf32, #tpu.memory_space<vmem>>, vector<1x128x128xf32>
      %get3A_910 = vector.shape_cast %get3A_909 : vector<1x128x128xf32> to vector<128x128xf32>
      %get3A_911 = arith.index_cast %get3A_905 : i32 to index
      %get3A_912 = arith.constant 0 : index
      %get3A_913 = vector.load %arg3[%get3A_911, %get3A_912] : memref<4104x128xf32, #tpu.memory_space<vmem>>, vector<8x128xf32>
      %get3A_914 = arith.index_cast %get3A_905 : i32 to index
      %get3A_915 = arith.constant 0 : index
      %get3A_916 = vector.load %arg4[%get3A_914, %get3A_915] : memref<4104x128xf32, #tpu.memory_space<vmem>>, vector<8x128xf32>
      %concatenate3A_917 = tpu.concatenate %get3A_913, %get3A_916 in 0 : vector<8x128xf32>, vector<8x128xf32> -> vector<16x128xf32>
      %dot_general3A_918 = arith.constant dense<0.000000e+00> : vector<16x128xf32>
      %dot_general3A_919 = tpu.matmul %concatenate3A_917, %get3A_910, %dot_general3A_918 {dimension_numbers = #tpu.dot_dimension_numbers<[1], [1], [0], [0], [0, 0, 1, 0], [], []>, transpose_lhs_hint = false} : vector<16x128xf32>, vector<128x128xf32>, vector<16x128xf32> -> vector<16x128xf32>
      %slice3A_920 = vector.extract_strided_slice %dot_general3A_919 {offsets = [0, 0], sizes = [8, 128], strides = [1, 1]} : vector<16x128xf32> to vector<8x128xf32>
      %swap3A_921 = arith.index_cast %get3A_905 : i32 to index
      %swap3A_922 = arith.constant 0 : index
      %swap3A_923 = vector.load %arg5[%swap3A_921, %swap3A_922] : memref<4104x128xf32, #tpu.memory_space<vmem>>, vector<8x128xf32>
      tpu.vector_store %arg5[%swap3A_921, %swap3A_922], %slice3A_920 {strides = array<i32>} : memref<4104x128xf32, #tpu.memory_space<vmem>>, vector<8x128xf32>,
      %slice3A_924 = vector.extract_strided_slice %dot_general3A_919 {offsets = [8, 0], sizes = [8, 128], strides = [1, 1]} : vector<16x128xf32> to vector<8x128xf32>
      %swap3A_925 = arith.index_cast %get3A_905 : i32 to index
      %swap3A_926 = arith.constant 0 : index
      %swap3A_927 = vector.load %arg6[%swap3A_925, %swap3A_926] : memref<4104x128xf32, #tpu.memory_space<vmem>>, vector<8x128xf32>
      tpu.vector_store %arg6[%swap3A_925, %swap3A_926], %slice3A_924 {strides = array<i32>} : memref<4104x128xf32, #tpu.memory_space<vmem>>, vector<8x128xf32>,
      %mul3A_928 = arith.constant 52 : i32
      %mul3A_929 = arith.muli %scan3A_4, %mul3A_928 : i32
      %add3A_930 = arith.constant 31 : i32
      %add3A_931 = arith.addi %mul3A_929, %add3A_930 : i32
      %get3A_932 = arith.index_cast %add3A_931 : i32 to index
      %get3A_933 = memref.load %arg0[%get3A_932] : memref<832xi32, #tpu.memory_space<smem>>
      %get3A_934 = arith.index_cast %add3A_931 : i32 to index
      %get3A_935 = memref.load %arg1[%get3A_934] : memref<832xi32, #tpu.memory_space<smem>>
      %get3A_936 = arith.index_cast %get3A_933 : i32 to index
      %get3A_937 = arith.constant 0 : index
      %get3A_938 = arith.constant 0 : index
      %get3A_939 = vector.load %arg2[%get3A_936, %get3A_937, %get3A_938] : memref<365x128x128xf32, #tpu.memory_space<vmem>>, vector<1x128x128xf32>
      %get3A_940 = vector.shape_cast %get3A_939 : vector<1x128x128xf32> to vector<128x128xf32>
      %get3A_941 = arith.index_cast %get3A_935 : i32 to index
      %get3A_942 = arith.constant 0 : index
      %get3A_943 = vector.load %arg3[%get3A_941, %get3A_942] : memref<4104x128xf32, #tpu.memory_space<vmem>>, vector<8x128xf32>
      %get3A_944 = arith.index_cast %get3A_935 : i32 to index
      %get3A_945 = arith.constant 0 : index
      %get3A_946 = vector.load %arg4[%get3A_944, %get3A_945] : memref<4104x128xf32, #tpu.memory_space<vmem>>, vector<8x128xf32>
      %concatenate3A_947 = tpu.concatenate %get3A_943, %get3A_946 in 0 : vector<8x128xf32>, vector<8x128xf32> -> vector<16x128xf32>
      %dot_general3A_948 = arith.constant dense<0.000000e+00> : vector<16x128xf32>
      %dot_general3A_949 = tpu.matmul %concatenate3A_947, %get3A_940, %dot_general3A_948 {dimension_numbers = #tpu.dot_dimension_numbers<[1], [1], [0], [0], [0, 0, 1, 0], [], []>, transpose_lhs_hint = false} : vector<16x128xf32>, vector<128x128xf32>, vector<16x128xf32> -> vector<16x128xf32>
      %slice3A_950 = vector.extract_strided_slice %dot_general3A_949 {offsets = [0, 0], sizes = [8, 128], strides = [1, 1]} : vector<16x128xf32> to vector<8x128xf32>
      %swap3A_951 = arith.index_cast %get3A_935 : i32 to index
      %swap3A_952 = arith.constant 0 : index
      %swap3A_953 = vector.load %arg5[%swap3A_951, %swap3A_952] : memref<4104x128xf32, #tpu.memory_space<vmem>>, vector<8x128xf32>
      tpu.vector_store %arg5[%swap3A_951, %swap3A_952], %slice3A_950 {strides = array<i32>} : memref<4104x128xf32, #tpu.memory_space<vmem>>, vector<8x128xf32>,
      %slice3A_954 = vector.extract_strided_slice %dot_general3A_949 {offsets = [8, 0], sizes = [8, 128], strides = [1, 1]} : vector<16x128xf32> to vector<8x128xf32>
      %swap3A_955 = arith.index_cast %get3A_935 : i32 to index
      %swap3A_956 = arith.constant 0 : index
      %swap3A_957 = vector.load %arg6[%swap3A_955, %swap3A_956] : memref<4104x128xf32, #tpu.memory_space<vmem>>, vector<8x128xf32>
      tpu.vector_store %arg6[%swap3A_955, %swap3A_956], %slice3A_954 {strides = array<i32>} : memref<4104x128xf32, #tpu.memory_space<vmem>>, vector<8x128xf32>,
      %mul3A_958 = arith.constant 52 : i32
      %mul3A_959 = arith.muli %scan3A_4, %mul3A_958 : i32
      %add3A_960 = arith.constant 32 : i32
      %add3A_961 = arith.addi %mul3A_959, %add3A_960 : i32
      %get3A_962 = arith.index_cast %add3A_961 : i32 to index
      %get3A_963 = memref.load %arg0[%get3A_962] : memref<832xi32, #tpu.memory_space<smem>>
      %get3A_964 = arith.index_cast %add3A_961 : i32 to index
      %get3A_965 = memref.load %arg1[%get3A_964] : memref<832xi32, #tpu.memory_space<smem>>
      %get3A_966 = arith.index_cast %get3A_963 : i32 to index
      %get3A_967 = arith.constant 0 : index
      %get3A_968 = arith.constant 0 : index
      %get3A_969 = vector.load %arg2[%get3A_966, %get3A_967, %get3A_968] : memref<365x128x128xf32, #tpu.memory_space<vmem>>, vector<1x128x128xf32>
      %get3A_970 = vector.shape_cast %get3A_969 : vector<1x128x128xf32> to vector<128x128xf32>
      %get3A_971 = arith.index_cast %get3A_965 : i32 to index
      %get3A_972 = arith.constant 0 : index
      %get3A_973 = vector.load %arg3[%get3A_971, %get3A_972] : memref<4104x128xf32, #tpu.memory_space<vmem>>, vector<8x128xf32>
      %get3A_974 = arith.index_cast %get3A_965 : i32 to index
      %get3A_975 = arith.constant 0 : index
      %get3A_976 = vector.load %arg4[%get3A_974, %get3A_975] : memref<4104x128xf32, #tpu.memory_space<vmem>>, vector<8x128xf32>
      %concatenate3A_977 = tpu.concatenate %get3A_973, %get3A_976 in 0 : vector<8x128xf32>, vector<8x128xf32> -> vector<16x128xf32>
      %dot_general3A_978 = arith.constant dense<0.000000e+00> : vector<16x128xf32>
      %dot_general3A_979 = tpu.matmul %concatenate3A_977, %get3A_970, %dot_general3A_978 {dimension_numbers = #tpu.dot_dimension_numbers<[1], [1], [0], [0], [0, 0, 1, 0], [], []>, transpose_lhs_hint = false} : vector<16x128xf32>, vector<128x128xf32>, vector<16x128xf32> -> vector<16x128xf32>
      %slice3A_980 = vector.extract_strided_slice %dot_general3A_979 {offsets = [0, 0], sizes = [8, 128], strides = [1, 1]} : vector<16x128xf32> to vector<8x128xf32>
      %swap3A_981 = arith.index_cast %get3A_965 : i32 to index
      %swap3A_982 = arith.constant 0 : index
      %swap3A_983 = vector.load %arg5[%swap3A_981, %swap3A_982] : memref<4104x128xf32, #tpu.memory_space<vmem>>, vector<8x128xf32>
      tpu.vector_store %arg5[%swap3A_981, %swap3A_982], %slice3A_980 {strides = array<i32>} : memref<4104x128xf32, #tpu.memory_space<vmem>>, vector<8x128xf32>,
      %slice3A_984 = vector.extract_strided_slice %dot_general3A_979 {offsets = [8, 0], sizes = [8, 128], strides = [1, 1]} : vector<16x128xf32> to vector<8x128xf32>
      %swap3A_985 = arith.index_cast %get3A_965 : i32 to index
      %swap3A_986 = arith.constant 0 : index
      %swap3A_987 = vector.load %arg6[%swap3A_985, %swap3A_986] : memref<4104x128xf32, #tpu.memory_space<vmem>>, vector<8x128xf32>
      tpu.vector_store %arg6[%swap3A_985, %swap3A_986], %slice3A_984 {strides = array<i32>} : memref<4104x128xf32, #tpu.memory_space<vmem>>, vector<8x128xf32>,
      %mul3A_988 = arith.constant 52 : i32
      %mul3A_989 = arith.muli %scan3A_4, %mul3A_988 : i32
      %add3A_990 = arith.constant 33 : i32
      %add3A_991 = arith.addi %mul3A_989, %add3A_990 : i32
      %get3A_992 = arith.index_cast %add3A_991 : i32 to index
      %get3A_993 = memref.load %arg0[%get3A_992] : memref<832xi32, #tpu.memory_space<smem>>
      %get3A_994 = arith.index_cast %add3A_991 : i32 to index
      %get3A_995 = memref.load %arg1[%get3A_994] : memref<832xi32, #tpu.memory_space<smem>>
      %get3A_996 = arith.index_cast %get3A_993 : i32 to index
      %get3A_997 = arith.constant 0 : index
      %get3A_998 = arith.constant 0 : index
      %get3A_999 = vector.load %arg2[%get3A_996, %get3A_997, %get3A_998] : memref<365x128x128xf32, #tpu.memory_space<vmem>>, vector<1x128x128xf32>
      %get3A_1000 = vector.shape_cast %get3A_999 : vector<1x128x128xf32> to vector<128x128xf32>
      %get3A_1001 = arith.index_cast %get3A_995 : i32 to index
      %get3A_1002 = arith.constant 0 : index
      %get3A_1003 = vector.load %arg3[%get3A_1001, %get3A_1002] : memref<4104x128xf32, #tpu.memory_space<vmem>>, vector<8x128xf32>
      %get3A_1004 = arith.index_cast %get3A_995 : i32 to index
      %get3A_1005 = arith.constant 0 : index
      %get3A_1006 = vector.load %arg4[%get3A_1004, %get3A_1005] : memref<4104x128xf32, #tpu.memory_space<vmem>>, vector<8x128xf32>
      %concatenate3A_1007 = tpu.concatenate %get3A_1003, %get3A_1006 in 0 : vector<8x128xf32>, vector<8x128xf32> -> vector<16x128xf32>
      %dot_general3A_1008 = arith.constant dense<0.000000e+00> : vector<16x128xf32>
      %dot_general3A_1009 = tpu.matmul %concatenate3A_1007, %get3A_1000, %dot_general3A_1008 {dimension_numbers = #tpu.dot_dimension_numbers<[1], [1], [0], [0], [0, 0, 1, 0], [], []>, transpose_lhs_hint = false} : vector<16x128xf32>, vector<128x128xf32>, vector<16x128xf32> -> vector<16x128xf32>
      %slice3A_1010 = vector.extract_strided_slice %dot_general3A_1009 {offsets = [0, 0], sizes = [8, 128], strides = [1, 1]} : vector<16x128xf32> to vector<8x128xf32>
      %swap3A_1011 = arith.index_cast %get3A_995 : i32 to index
      %swap3A_1012 = arith.constant 0 : index
      %swap3A_1013 = vector.load %arg5[%swap3A_1011, %swap3A_1012] : memref<4104x128xf32, #tpu.memory_space<vmem>>, vector<8x128xf32>
      tpu.vector_store %arg5[%swap3A_1011, %swap3A_1012], %slice3A_1010 {strides = array<i32>} : memref<4104x128xf32, #tpu.memory_space<vmem>>, vector<8x128xf32>,
      %slice3A_1014 = vector.extract_strided_slice %dot_general3A_1009 {offsets = [8, 0], sizes = [8, 128], strides = [1, 1]} : vector<16x128xf32> to vector<8x128xf32>
      %swap3A_1015 = arith.index_cast %get3A_995 : i32 to index
      %swap3A_1016 = arith.constant 0 : index
      %swap3A_1017 = vector.load %arg6[%swap3A_1015, %swap3A_1016] : memref<4104x128xf32, #tpu.memory_space<vmem>>, vector<8x128xf32>
      tpu.vector_store %arg6[%swap3A_1015, %swap3A_1016], %slice3A_1014 {strides = array<i32>} : memref<4104x128xf32, #tpu.memory_space<vmem>>, vector<8x128xf32>,
      %mul3A_1018 = arith.constant 52 : i32
      %mul3A_1019 = arith.muli %scan3A_4, %mul3A_1018 : i32
      %add3A_1020 = arith.constant 34 : i32
      %add3A_1021 = arith.addi %mul3A_1019, %add3A_1020 : i32
      %get3A_1022 = arith.index_cast %add3A_1021 : i32 to index
      %get3A_1023 = memref.load %arg0[%get3A_1022] : memref<832xi32, #tpu.memory_space<smem>>
      %get3A_1024 = arith.index_cast %add3A_1021 : i32 to index
      %get3A_1025 = memref.load %arg1[%get3A_1024] : memref<832xi32, #tpu.memory_space<smem>>
      %get3A_1026 = arith.index_cast %get3A_1023 : i32 to index
      %get3A_1027 = arith.constant 0 : index
      %get3A_1028 = arith.constant 0 : index
      %get3A_1029 = vector.load %arg2[%get3A_1026, %get3A_1027, %get3A_1028] : memref<365x128x128xf32, #tpu.memory_space<vmem>>, vector<1x128x128xf32>
      %get3A_1030 = vector.shape_cast %get3A_1029 : vector<1x128x128xf32> to vector<128x128xf32>
      %get3A_1031 = arith.index_cast %get3A_1025 : i32 to index
      %get3A_1032 = arith.constant 0 : index
      %get3A_1033 = vector.load %arg3[%get3A_1031, %get3A_1032] : memref<4104x128xf32, #tpu.memory_space<vmem>>, vector<8x128xf32>
      %get3A_1034 = arith.index_cast %get3A_1025 : i32 to index
      %get3A_1035 = arith.constant 0 : index
      %get3A_1036 = vector.load %arg4[%get3A_1034, %get3A_1035] : memref<4104x128xf32, #tpu.memory_space<vmem>>, vector<8x128xf32>
      %concatenate3A_1037 = tpu.concatenate %get3A_1033, %get3A_1036 in 0 : vector<8x128xf32>, vector<8x128xf32> -> vector<16x128xf32>
      %dot_general3A_1038 = arith.constant dense<0.000000e+00> : vector<16x128xf32>
      %dot_general3A_1039 = tpu.matmul %concatenate3A_1037, %get3A_1030, %dot_general3A_1038 {dimension_numbers = #tpu.dot_dimension_numbers<[1], [1], [0], [0], [0, 0, 1, 0], [], []>, transpose_lhs_hint = false} : vector<16x128xf32>, vector<128x128xf32>, vector<16x128xf32> -> vector<16x128xf32>
      %slice3A_1040 = vector.extract_strided_slice %dot_general3A_1039 {offsets = [0, 0], sizes = [8, 128], strides = [1, 1]} : vector<16x128xf32> to vector<8x128xf32>
      %swap3A_1041 = arith.index_cast %get3A_1025 : i32 to index
      %swap3A_1042 = arith.constant 0 : index
      %swap3A_1043 = vector.load %arg5[%swap3A_1041, %swap3A_1042] : memref<4104x128xf32, #tpu.memory_space<vmem>>, vector<8x128xf32>
      tpu.vector_store %arg5[%swap3A_1041, %swap3A_1042], %slice3A_1040 {strides = array<i32>} : memref<4104x128xf32, #tpu.memory_space<vmem>>, vector<8x128xf32>,
      %slice3A_1044 = vector.extract_strided_slice %dot_general3A_1039 {offsets = [8, 0], sizes = [8, 128], strides = [1, 1]} : vector<16x128xf32> to vector<8x128xf32>
      %swap3A_1045 = arith.index_cast %get3A_1025 : i32 to index
      %swap3A_1046 = arith.constant 0 : index
      %swap3A_1047 = vector.load %arg6[%swap3A_1045, %swap3A_1046] : memref<4104x128xf32, #tpu.memory_space<vmem>>, vector<8x128xf32>
      tpu.vector_store %arg6[%swap3A_1045, %swap3A_1046], %slice3A_1044 {strides = array<i32>} : memref<4104x128xf32, #tpu.memory_space<vmem>>, vector<8x128xf32>,
      %mul3A_1048 = arith.constant 52 : i32
      %mul3A_1049 = arith.muli %scan3A_4, %mul3A_1048 : i32
      %add3A_1050 = arith.constant 35 : i32
      %add3A_1051 = arith.addi %mul3A_1049, %add3A_1050 : i32
      %get3A_1052 = arith.index_cast %add3A_1051 : i32 to index
      %get3A_1053 = memref.load %arg0[%get3A_1052] : memref<832xi32, #tpu.memory_space<smem>>
      %get3A_1054 = arith.index_cast %add3A_1051 : i32 to index
      %get3A_1055 = memref.load %arg1[%get3A_1054] : memref<832xi32, #tpu.memory_space<smem>>
      %get3A_1056 = arith.index_cast %get3A_1053 : i32 to index
      %get3A_1057 = arith.constant 0 : index
      %get3A_1058 = arith.constant 0 : index
      %get3A_1059 = vector.load %arg2[%get3A_1056, %get3A_1057, %get3A_1058] : memref<365x128x128xf32, #tpu.memory_space<vmem>>, vector<1x128x128xf32>
      %get3A_1060 = vector.shape_cast %get3A_1059 : vector<1x128x128xf32> to vector<128x128xf32>
      %get3A_1061 = arith.index_cast %get3A_1055 : i32 to index
      %get3A_1062 = arith.constant 0 : index
      %get3A_1063 = vector.load %arg3[%get3A_1061, %get3A_1062] : memref<4104x128xf32, #tpu.memory_space<vmem>>, vector<8x128xf32>
      %get3A_1064 = arith.index_cast %get3A_1055 : i32 to index
      %get3A_1065 = arith.constant 0 : index
      %get3A_1066 = vector.load %arg4[%get3A_1064, %get3A_1065] : memref<4104x128xf32, #tpu.memory_space<vmem>>, vector<8x128xf32>
      %concatenate3A_1067 = tpu.concatenate %get3A_1063, %get3A_1066 in 0 : vector<8x128xf32>, vector<8x128xf32> -> vector<16x128xf32>
      %dot_general3A_1068 = arith.constant dense<0.000000e+00> : vector<16x128xf32>
      %dot_general3A_1069 = tpu.matmul %concatenate3A_1067, %get3A_1060, %dot_general3A_1068 {dimension_numbers = #tpu.dot_dimension_numbers<[1], [1], [0], [0], [0, 0, 1, 0], [], []>, transpose_lhs_hint = false} : vector<16x128xf32>, vector<128x128xf32>, vector<16x128xf32> -> vector<16x128xf32>
      %slice3A_1070 = vector.extract_strided_slice %dot_general3A_1069 {offsets = [0, 0], sizes = [8, 128], strides = [1, 1]} : vector<16x128xf32> to vector<8x128xf32>
      %swap3A_1071 = arith.index_cast %get3A_1055 : i32 to index
      %swap3A_1072 = arith.constant 0 : index
      %swap3A_1073 = vector.load %arg5[%swap3A_1071, %swap3A_1072] : memref<4104x128xf32, #tpu.memory_space<vmem>>, vector<8x128xf32>
      tpu.vector_store %arg5[%swap3A_1071, %swap3A_1072], %slice3A_1070 {strides = array<i32>} : memref<4104x128xf32, #tpu.memory_space<vmem>>, vector<8x128xf32>,
      %slice3A_1074 = vector.extract_strided_slice %dot_general3A_1069 {offsets = [8, 0], sizes = [8, 128], strides = [1, 1]} : vector<16x128xf32> to vector<8x128xf32>
      %swap3A_1075 = arith.index_cast %get3A_1055 : i32 to index
      %swap3A_1076 = arith.constant 0 : index
      %swap3A_1077 = vector.load %arg6[%swap3A_1075, %swap3A_1076] : memref<4104x128xf32, #tpu.memory_space<vmem>>, vector<8x128xf32>
      tpu.vector_store %arg6[%swap3A_1075, %swap3A_1076], %slice3A_1074 {strides = array<i32>} : memref<4104x128xf32, #tpu.memory_space<vmem>>, vector<8x128xf32>,
      %mul3A_1078 = arith.constant 52 : i32
      %mul3A_1079 = arith.muli %scan3A_4, %mul3A_1078 : i32
      %add3A_1080 = arith.constant 36 : i32
      %add3A_1081 = arith.addi %mul3A_1079, %add3A_1080 : i32
      %get3A_1082 = arith.index_cast %add3A_1081 : i32 to index
      %get3A_1083 = memref.load %arg0[%get3A_1082] : memref<832xi32, #tpu.memory_space<smem>>
      %get3A_1084 = arith.index_cast %add3A_1081 : i32 to index
      %get3A_1085 = memref.load %arg1[%get3A_1084] : memref<832xi32, #tpu.memory_space<smem>>
      %get3A_1086 = arith.index_cast %get3A_1083 : i32 to index
      %get3A_1087 = arith.constant 0 : index
      %get3A_1088 = arith.constant 0 : index
      %get3A_1089 = vector.load %arg2[%get3A_1086, %get3A_1087, %get3A_1088] : memref<365x128x128xf32, #tpu.memory_space<vmem>>, vector<1x128x128xf32>
      %get3A_1090 = vector.shape_cast %get3A_1089 : vector<1x128x128xf32> to vector<128x128xf32>
      %get3A_1091 = arith.index_cast %get3A_1085 : i32 to index
      %get3A_1092 = arith.constant 0 : index
      %get3A_1093 = vector.load %arg3[%get3A_1091, %get3A_1092] : memref<4104x128xf32, #tpu.memory_space<vmem>>, vector<8x128xf32>
      %get3A_1094 = arith.index_cast %get3A_1085 : i32 to index
      %get3A_1095 = arith.constant 0 : index
      %get3A_1096 = vector.load %arg4[%get3A_1094, %get3A_1095] : memref<4104x128xf32, #tpu.memory_space<vmem>>, vector<8x128xf32>
      %concatenate3A_1097 = tpu.concatenate %get3A_1093, %get3A_1096 in 0 : vector<8x128xf32>, vector<8x128xf32> -> vector<16x128xf32>
      %dot_general3A_1098 = arith.constant dense<0.000000e+00> : vector<16x128xf32>
      %dot_general3A_1099 = tpu.matmul %concatenate3A_1097, %get3A_1090, %dot_general3A_1098 {dimension_numbers = #tpu.dot_dimension_numbers<[1], [1], [0], [0], [0, 0, 1, 0], [], []>, transpose_lhs_hint = false} : vector<16x128xf32>, vector<128x128xf32>, vector<16x128xf32> -> vector<16x128xf32>
      %slice3A_1100 = vector.extract_strided_slice %dot_general3A_1099 {offsets = [0, 0], sizes = [8, 128], strides = [1, 1]} : vector<16x128xf32> to vector<8x128xf32>
      %swap3A_1101 = arith.index_cast %get3A_1085 : i32 to index
      %swap3A_1102 = arith.constant 0 : index
      %swap3A_1103 = vector.load %arg5[%swap3A_1101, %swap3A_1102] : memref<4104x128xf32, #tpu.memory_space<vmem>>, vector<8x128xf32>
      tpu.vector_store %arg5[%swap3A_1101, %swap3A_1102], %slice3A_1100 {strides = array<i32>} : memref<4104x128xf32, #tpu.memory_space<vmem>>, vector<8x128xf32>,
      %slice3A_1104 = vector.extract_strided_slice %dot_general3A_1099 {offsets = [8, 0], sizes = [8, 128], strides = [1, 1]} : vector<16x128xf32> to vector<8x128xf32>
      %swap3A_1105 = arith.index_cast %get3A_1085 : i32 to index
      %swap3A_1106 = arith.constant 0 : index
      %swap3A_1107 = vector.load %arg6[%swap3A_1105, %swap3A_1106] : memref<4104x128xf32, #tpu.memory_space<vmem>>, vector<8x128xf32>
      tpu.vector_store %arg6[%swap3A_1105, %swap3A_1106], %slice3A_1104 {strides = array<i32>} : memref<4104x128xf32, #tpu.memory_space<vmem>>, vector<8x128xf32>,
      %mul3A_1108 = arith.constant 52 : i32
      %mul3A_1109 = arith.muli %scan3A_4, %mul3A_1108 : i32
      %add3A_1110 = arith.constant 37 : i32
      %add3A_1111 = arith.addi %mul3A_1109, %add3A_1110 : i32
      %get3A_1112 = arith.index_cast %add3A_1111 : i32 to index
      %get3A_1113 = memref.load %arg0[%get3A_1112] : memref<832xi32, #tpu.memory_space<smem>>
      %get3A_1114 = arith.index_cast %add3A_1111 : i32 to index
      %get3A_1115 = memref.load %arg1[%get3A_1114] : memref<832xi32, #tpu.memory_space<smem>>
      %get3A_1116 = arith.index_cast %get3A_1113 : i32 to index
      %get3A_1117 = arith.constant 0 : index
      %get3A_1118 = arith.constant 0 : index
      %get3A_1119 = vector.load %arg2[%get3A_1116, %get3A_1117, %get3A_1118] : memref<365x128x128xf32, #tpu.memory_space<vmem>>, vector<1x128x128xf32>
      %get3A_1120 = vector.shape_cast %get3A_1119 : vector<1x128x128xf32> to vector<128x128xf32>
      %get3A_1121 = arith.index_cast %get3A_1115 : i32 to index
      %get3A_1122 = arith.constant 0 : index
      %get3A_1123 = vector.load %arg3[%get3A_1121, %get3A_1122] : memref<4104x128xf32, #tpu.memory_space<vmem>>, vector<8x128xf32>
      %get3A_1124 = arith.index_cast %get3A_1115 : i32 to index
      %get3A_1125 = arith.constant 0 : index
      %get3A_1126 = vector.load %arg4[%get3A_1124, %get3A_1125] : memref<4104x128xf32, #tpu.memory_space<vmem>>, vector<8x128xf32>
      %concatenate3A_1127 = tpu.concatenate %get3A_1123, %get3A_1126 in 0 : vector<8x128xf32>, vector<8x128xf32> -> vector<16x128xf32>
      %dot_general3A_1128 = arith.constant dense<0.000000e+00> : vector<16x128xf32>
      %dot_general3A_1129 = tpu.matmul %concatenate3A_1127, %get3A_1120, %dot_general3A_1128 {dimension_numbers = #tpu.dot_dimension_numbers<[1], [1], [0], [0], [0, 0, 1, 0], [], []>, transpose_lhs_hint = false} : vector<16x128xf32>, vector<128x128xf32>, vector<16x128xf32> -> vector<16x128xf32>
      %slice3A_1130 = vector.extract_strided_slice %dot_general3A_1129 {offsets = [0, 0], sizes = [8, 128], strides = [1, 1]} : vector<16x128xf32> to vector<8x128xf32>
      %swap3A_1131 = arith.index_cast %get3A_1115 : i32 to index
      %swap3A_1132 = arith.constant 0 : index
      %swap3A_1133 = vector.load %arg5[%swap3A_1131, %swap3A_1132] : memref<4104x128xf32, #tpu.memory_space<vmem>>, vector<8x128xf32>
      tpu.vector_store %arg5[%swap3A_1131, %swap3A_1132], %slice3A_1130 {strides = array<i32>} : memref<4104x128xf32, #tpu.memory_space<vmem>>, vector<8x128xf32>,
      %slice3A_1134 = vector.extract_strided_slice %dot_general3A_1129 {offsets = [8, 0], sizes = [8, 128], strides = [1, 1]} : vector<16x128xf32> to vector<8x128xf32>
      %swap3A_1135 = arith.index_cast %get3A_1115 : i32 to index
      %swap3A_1136 = arith.constant 0 : index
      %swap3A_1137 = vector.load %arg6[%swap3A_1135, %swap3A_1136] : memref<4104x128xf32, #tpu.memory_space<vmem>>, vector<8x128xf32>
      tpu.vector_store %arg6[%swap3A_1135, %swap3A_1136], %slice3A_1134 {strides = array<i32>} : memref<4104x128xf32, #tpu.memory_space<vmem>>, vector<8x128xf32>,
      %mul3A_1138 = arith.constant 52 : i32
      %mul3A_1139 = arith.muli %scan3A_4, %mul3A_1138 : i32
      %add3A_1140 = arith.constant 38 : i32
      %add3A_1141 = arith.addi %mul3A_1139, %add3A_1140 : i32
      %get3A_1142 = arith.index_cast %add3A_1141 : i32 to index
      %get3A_1143 = memref.load %arg0[%get3A_1142] : memref<832xi32, #tpu.memory_space<smem>>
      %get3A_1144 = arith.index_cast %add3A_1141 : i32 to index
      %get3A_1145 = memref.load %arg1[%get3A_1144] : memref<832xi32, #tpu.memory_space<smem>>
      %get3A_1146 = arith.index_cast %get3A_1143 : i32 to index
      %get3A_1147 = arith.constant 0 : index
      %get3A_1148 = arith.constant 0 : index
      %get3A_1149 = vector.load %arg2[%get3A_1146, %get3A_1147, %get3A_1148] : memref<365x128x128xf32, #tpu.memory_space<vmem>>, vector<1x128x128xf32>
      %get3A_1150 = vector.shape_cast %get3A_1149 : vector<1x128x128xf32> to vector<128x128xf32>
      %get3A_1151 = arith.index_cast %get3A_1145 : i32 to index
      %get3A_1152 = arith.constant 0 : index
      %get3A_1153 = vector.load %arg3[%get3A_1151, %get3A_1152] : memref<4104x128xf32, #tpu.memory_space<vmem>>, vector<8x128xf32>
      %get3A_1154 = arith.index_cast %get3A_1145 : i32 to index
      %get3A_1155 = arith.constant 0 : index
      %get3A_1156 = vector.load %arg4[%get3A_1154, %get3A_1155] : memref<4104x128xf32, #tpu.memory_space<vmem>>, vector<8x128xf32>
      %concatenate3A_1157 = tpu.concatenate %get3A_1153, %get3A_1156 in 0 : vector<8x128xf32>, vector<8x128xf32> -> vector<16x128xf32>
      %dot_general3A_1158 = arith.constant dense<0.000000e+00> : vector<16x128xf32>
      %dot_general3A_1159 = tpu.matmul %concatenate3A_1157, %get3A_1150, %dot_general3A_1158 {dimension_numbers = #tpu.dot_dimension_numbers<[1], [1], [0], [0], [0, 0, 1, 0], [], []>, transpose_lhs_hint = false} : vector<16x128xf32>, vector<128x128xf32>, vector<16x128xf32> -> vector<16x128xf32>
      %slice3A_1160 = vector.extract_strided_slice %dot_general3A_1159 {offsets = [0, 0], sizes = [8, 128], strides = [1, 1]} : vector<16x128xf32> to vector<8x128xf32>
      %swap3A_1161 = arith.index_cast %get3A_1145 : i32 to index
      %swap3A_1162 = arith.constant 0 : index
      %swap3A_1163 = vector.load %arg5[%swap3A_1161, %swap3A_1162] : memref<4104x128xf32, #tpu.memory_space<vmem>>, vector<8x128xf32>
      tpu.vector_store %arg5[%swap3A_1161, %swap3A_1162], %slice3A_1160 {strides = array<i32>} : memref<4104x128xf32, #tpu.memory_space<vmem>>, vector<8x128xf32>,
      %slice3A_1164 = vector.extract_strided_slice %dot_general3A_1159 {offsets = [8, 0], sizes = [8, 128], strides = [1, 1]} : vector<16x128xf32> to vector<8x128xf32>
      %swap3A_1165 = arith.index_cast %get3A_1145 : i32 to index
      %swap3A_1166 = arith.constant 0 : index
      %swap3A_1167 = vector.load %arg6[%swap3A_1165, %swap3A_1166] : memref<4104x128xf32, #tpu.memory_space<vmem>>, vector<8x128xf32>
      tpu.vector_store %arg6[%swap3A_1165, %swap3A_1166], %slice3A_1164 {strides = array<i32>} : memref<4104x128xf32, #tpu.memory_space<vmem>>, vector<8x128xf32>,
      %mul3A_1168 = arith.constant 52 : i32
      %mul3A_1169 = arith.muli %scan3A_4, %mul3A_1168 : i32
      %add3A_1170 = arith.constant 39 : i32
      %add3A_1171 = arith.addi %mul3A_1169, %add3A_1170 : i32
      %get3A_1172 = arith.index_cast %add3A_1171 : i32 to index
      %get3A_1173 = memref.load %arg0[%get3A_1172] : memref<832xi32, #tpu.memory_space<smem>>
      %get3A_1174 = arith.index_cast %add3A_1171 : i32 to index
      %get3A_1175 = memref.load %arg1[%get3A_1174] : memref<832xi32, #tpu.memory_space<smem>>
      %get3A_1176 = arith.index_cast %get3A_1173 : i32 to index
      %get3A_1177 = arith.constant 0 : index
      %get3A_1178 = arith.constant 0 : index
      %get3A_1179 = vector.load %arg2[%get3A_1176, %get3A_1177, %get3A_1178] : memref<365x128x128xf32, #tpu.memory_space<vmem>>, vector<1x128x128xf32>
      %get3A_1180 = vector.shape_cast %get3A_1179 : vector<1x128x128xf32> to vector<128x128xf32>
      %get3A_1181 = arith.index_cast %get3A_1175 : i32 to index
      %get3A_1182 = arith.constant 0 : index
      %get3A_1183 = vector.load %arg3[%get3A_1181, %get3A_1182] : memref<4104x128xf32, #tpu.memory_space<vmem>>, vector<8x128xf32>
      %get3A_1184 = arith.index_cast %get3A_1175 : i32 to index
      %get3A_1185 = arith.constant 0 : index
      %get3A_1186 = vector.load %arg4[%get3A_1184, %get3A_1185] : memref<4104x128xf32, #tpu.memory_space<vmem>>, vector<8x128xf32>
      %concatenate3A_1187 = tpu.concatenate %get3A_1183, %get3A_1186 in 0 : vector<8x128xf32>, vector<8x128xf32> -> vector<16x128xf32>
      %dot_general3A_1188 = arith.constant dense<0.000000e+00> : vector<16x128xf32>
      %dot_general3A_1189 = tpu.matmul %concatenate3A_1187, %get3A_1180, %dot_general3A_1188 {dimension_numbers = #tpu.dot_dimension_numbers<[1], [1], [0], [0], [0, 0, 1, 0], [], []>, transpose_lhs_hint = false} : vector<16x128xf32>, vector<128x128xf32>, vector<16x128xf32> -> vector<16x128xf32>
      %slice3A_1190 = vector.extract_strided_slice %dot_general3A_1189 {offsets = [0, 0], sizes = [8, 128], strides = [1, 1]} : vector<16x128xf32> to vector<8x128xf32>
      %swap3A_1191 = arith.index_cast %get3A_1175 : i32 to index
      %swap3A_1192 = arith.constant 0 : index
      %swap3A_1193 = vector.load %arg5[%swap3A_1191, %swap3A_1192] : memref<4104x128xf32, #tpu.memory_space<vmem>>, vector<8x128xf32>
      tpu.vector_store %arg5[%swap3A_1191, %swap3A_1192], %slice3A_1190 {strides = array<i32>} : memref<4104x128xf32, #tpu.memory_space<vmem>>, vector<8x128xf32>,
      %slice3A_1194 = vector.extract_strided_slice %dot_general3A_1189 {offsets = [8, 0], sizes = [8, 128], strides = [1, 1]} : vector<16x128xf32> to vector<8x128xf32>
      %swap3A_1195 = arith.index_cast %get3A_1175 : i32 to index
      %swap3A_1196 = arith.constant 0 : index
      %swap3A_1197 = vector.load %arg6[%swap3A_1195, %swap3A_1196] : memref<4104x128xf32, #tpu.memory_space<vmem>>, vector<8x128xf32>
      tpu.vector_store %arg6[%swap3A_1195, %swap3A_1196], %slice3A_1194 {strides = array<i32>} : memref<4104x128xf32, #tpu.memory_space<vmem>>, vector<8x128xf32>,
      %mul3A_1198 = arith.constant 52 : i32
      %mul3A_1199 = arith.muli %scan3A_4, %mul3A_1198 : i32
      %add3A_1200 = arith.constant 40 : i32
      %add3A_1201 = arith.addi %mul3A_1199, %add3A_1200 : i32
      %get3A_1202 = arith.index_cast %add3A_1201 : i32 to index
      %get3A_1203 = memref.load %arg0[%get3A_1202] : memref<832xi32, #tpu.memory_space<smem>>
      %get3A_1204 = arith.index_cast %add3A_1201 : i32 to index
      %get3A_1205 = memref.load %arg1[%get3A_1204] : memref<832xi32, #tpu.memory_space<smem>>
      %get3A_1206 = arith.index_cast %get3A_1203 : i32 to index
      %get3A_1207 = arith.constant 0 : index
      %get3A_1208 = arith.constant 0 : index
      %get3A_1209 = vector.load %arg2[%get3A_1206, %get3A_1207, %get3A_1208] : memref<365x128x128xf32, #tpu.memory_space<vmem>>, vector<1x128x128xf32>
      %get3A_1210 = vector.shape_cast %get3A_1209 : vector<1x128x128xf32> to vector<128x128xf32>
      %get3A_1211 = arith.index_cast %get3A_1205 : i32 to index
      %get3A_1212 = arith.constant 0 : index
      %get3A_1213 = vector.load %arg3[%get3A_1211, %get3A_1212] : memref<4104x128xf32, #tpu.memory_space<vmem>>, vector<8x128xf32>
      %get3A_1214 = arith.index_cast %get3A_1205 : i32 to index
      %get3A_1215 = arith.constant 0 : index
      %get3A_1216 = vector.load %arg4[%get3A_1214, %get3A_1215] : memref<4104x128xf32, #tpu.memory_space<vmem>>, vector<8x128xf32>
      %concatenate3A_1217 = tpu.concatenate %get3A_1213, %get3A_1216 in 0 : vector<8x128xf32>, vector<8x128xf32> -> vector<16x128xf32>
      %dot_general3A_1218 = arith.constant dense<0.000000e+00> : vector<16x128xf32>
      %dot_general3A_1219 = tpu.matmul %concatenate3A_1217, %get3A_1210, %dot_general3A_1218 {dimension_numbers = #tpu.dot_dimension_numbers<[1], [1], [0], [0], [0, 0, 1, 0], [], []>, transpose_lhs_hint = false} : vector<16x128xf32>, vector<128x128xf32>, vector<16x128xf32> -> vector<16x128xf32>
      %slice3A_1220 = vector.extract_strided_slice %dot_general3A_1219 {offsets = [0, 0], sizes = [8, 128], strides = [1, 1]} : vector<16x128xf32> to vector<8x128xf32>
      %swap3A_1221 = arith.index_cast %get3A_1205 : i32 to index
      %swap3A_1222 = arith.constant 0 : index
      %swap3A_1223 = vector.load %arg5[%swap3A_1221, %swap3A_1222] : memref<4104x128xf32, #tpu.memory_space<vmem>>, vector<8x128xf32>
      tpu.vector_store %arg5[%swap3A_1221, %swap3A_1222], %slice3A_1220 {strides = array<i32>} : memref<4104x128xf32, #tpu.memory_space<vmem>>, vector<8x128xf32>,
      %slice3A_1224 = vector.extract_strided_slice %dot_general3A_1219 {offsets = [8, 0], sizes = [8, 128], strides = [1, 1]} : vector<16x128xf32> to vector<8x128xf32>
      %swap3A_1225 = arith.index_cast %get3A_1205 : i32 to index
      %swap3A_1226 = arith.constant 0 : index
      %swap3A_1227 = vector.load %arg6[%swap3A_1225, %swap3A_1226] : memref<4104x128xf32, #tpu.memory_space<vmem>>, vector<8x128xf32>
      tpu.vector_store %arg6[%swap3A_1225, %swap3A_1226], %slice3A_1224 {strides = array<i32>} : memref<4104x128xf32, #tpu.memory_space<vmem>>, vector<8x128xf32>,
      %mul3A_1228 = arith.constant 52 : i32
      %mul3A_1229 = arith.muli %scan3A_4, %mul3A_1228 : i32
      %add3A_1230 = arith.constant 41 : i32
      %add3A_1231 = arith.addi %mul3A_1229, %add3A_1230 : i32
      %get3A_1232 = arith.index_cast %add3A_1231 : i32 to index
      %get3A_1233 = memref.load %arg0[%get3A_1232] : memref<832xi32, #tpu.memory_space<smem>>
      %get3A_1234 = arith.index_cast %add3A_1231 : i32 to index
      %get3A_1235 = memref.load %arg1[%get3A_1234] : memref<832xi32, #tpu.memory_space<smem>>
      %get3A_1236 = arith.index_cast %get3A_1233 : i32 to index
      %get3A_1237 = arith.constant 0 : index
      %get3A_1238 = arith.constant 0 : index
      %get3A_1239 = vector.load %arg2[%get3A_1236, %get3A_1237, %get3A_1238] : memref<365x128x128xf32, #tpu.memory_space<vmem>>, vector<1x128x128xf32>
      %get3A_1240 = vector.shape_cast %get3A_1239 : vector<1x128x128xf32> to vector<128x128xf32>
      %get3A_1241 = arith.index_cast %get3A_1235 : i32 to index
      %get3A_1242 = arith.constant 0 : index
      %get3A_1243 = vector.load %arg3[%get3A_1241, %get3A_1242] : memref<4104x128xf32, #tpu.memory_space<vmem>>, vector<8x128xf32>
      %get3A_1244 = arith.index_cast %get3A_1235 : i32 to index
      %get3A_1245 = arith.constant 0 : index
      %get3A_1246 = vector.load %arg4[%get3A_1244, %get3A_1245] : memref<4104x128xf32, #tpu.memory_space<vmem>>, vector<8x128xf32>
      %concatenate3A_1247 = tpu.concatenate %get3A_1243, %get3A_1246 in 0 : vector<8x128xf32>, vector<8x128xf32> -> vector<16x128xf32>
      %dot_general3A_1248 = arith.constant dense<0.000000e+00> : vector<16x128xf32>
      %dot_general3A_1249 = tpu.matmul %concatenate3A_1247, %get3A_1240, %dot_general3A_1248 {dimension_numbers = #tpu.dot_dimension_numbers<[1], [1], [0], [0], [0, 0, 1, 0], [], []>, transpose_lhs_hint = false} : vector<16x128xf32>, vector<128x128xf32>, vector<16x128xf32> -> vector<16x128xf32>
      %slice3A_1250 = vector.extract_strided_slice %dot_general3A_1249 {offsets = [0, 0], sizes = [8, 128], strides = [1, 1]} : vector<16x128xf32> to vector<8x128xf32>
      %swap3A_1251 = arith.index_cast %get3A_1235 : i32 to index
      %swap3A_1252 = arith.constant 0 : index
      %swap3A_1253 = vector.load %arg5[%swap3A_1251, %swap3A_1252] : memref<4104x128xf32, #tpu.memory_space<vmem>>, vector<8x128xf32>
      tpu.vector_store %arg5[%swap3A_1251, %swap3A_1252], %slice3A_1250 {strides = array<i32>} : memref<4104x128xf32, #tpu.memory_space<vmem>>, vector<8x128xf32>,
      %slice3A_1254 = vector.extract_strided_slice %dot_general3A_1249 {offsets = [8, 0], sizes = [8, 128], strides = [1, 1]} : vector<16x128xf32> to vector<8x128xf32>
      %swap3A_1255 = arith.index_cast %get3A_1235 : i32 to index
      %swap3A_1256 = arith.constant 0 : index
      %swap3A_1257 = vector.load %arg6[%swap3A_1255, %swap3A_1256] : memref<4104x128xf32, #tpu.memory_space<vmem>>, vector<8x128xf32>
      tpu.vector_store %arg6[%swap3A_1255, %swap3A_1256], %slice3A_1254 {strides = array<i32>} : memref<4104x128xf32, #tpu.memory_space<vmem>>, vector<8x128xf32>,
      %mul3A_1258 = arith.constant 52 : i32
      %mul3A_1259 = arith.muli %scan3A_4, %mul3A_1258 : i32
      %add3A_1260 = arith.constant 42 : i32
      %add3A_1261 = arith.addi %mul3A_1259, %add3A_1260 : i32
      %get3A_1262 = arith.index_cast %add3A_1261 : i32 to index
      %get3A_1263 = memref.load %arg0[%get3A_1262] : memref<832xi32, #tpu.memory_space<smem>>
      %get3A_1264 = arith.index_cast %add3A_1261 : i32 to index
      %get3A_1265 = memref.load %arg1[%get3A_1264] : memref<832xi32, #tpu.memory_space<smem>>
      %get3A_1266 = arith.index_cast %get3A_1263 : i32 to index
      %get3A_1267 = arith.constant 0 : index
      %get3A_1268 = arith.constant 0 : index
      %get3A_1269 = vector.load %arg2[%get3A_1266, %get3A_1267, %get3A_1268] : memref<365x128x128xf32, #tpu.memory_space<vmem>>, vector<1x128x128xf32>
      %get3A_1270 = vector.shape_cast %get3A_1269 : vector<1x128x128xf32> to vector<128x128xf32>
      %get3A_1271 = arith.index_cast %get3A_1265 : i32 to index
      %get3A_1272 = arith.constant 0 : index
      %get3A_1273 = vector.load %arg3[%get3A_1271, %get3A_1272] : memref<4104x128xf32, #tpu.memory_space<vmem>>, vector<8x128xf32>
      %get3A_1274 = arith.index_cast %get3A_1265 : i32 to index
      %get3A_1275 = arith.constant 0 : index
      %get3A_1276 = vector.load %arg4[%get3A_1274, %get3A_1275] : memref<4104x128xf32, #tpu.memory_space<vmem>>, vector<8x128xf32>
      %concatenate3A_1277 = tpu.concatenate %get3A_1273, %get3A_1276 in 0 : vector<8x128xf32>, vector<8x128xf32> -> vector<16x128xf32>
      %dot_general3A_1278 = arith.constant dense<0.000000e+00> : vector<16x128xf32>
      %dot_general3A_1279 = tpu.matmul %concatenate3A_1277, %get3A_1270, %dot_general3A_1278 {dimension_numbers = #tpu.dot_dimension_numbers<[1], [1], [0], [0], [0, 0, 1, 0], [], []>, transpose_lhs_hint = false} : vector<16x128xf32>, vector<128x128xf32>, vector<16x128xf32> -> vector<16x128xf32>
      %slice3A_1280 = vector.extract_strided_slice %dot_general3A_1279 {offsets = [0, 0], sizes = [8, 128], strides = [1, 1]} : vector<16x128xf32> to vector<8x128xf32>
      %swap3A_1281 = arith.index_cast %get3A_1265 : i32 to index
      %swap3A_1282 = arith.constant 0 : index
      %swap3A_1283 = vector.load %arg5[%swap3A_1281, %swap3A_1282] : memref<4104x128xf32, #tpu.memory_space<vmem>>, vector<8x128xf32>
      tpu.vector_store %arg5[%swap3A_1281, %swap3A_1282], %slice3A_1280 {strides = array<i32>} : memref<4104x128xf32, #tpu.memory_space<vmem>>, vector<8x128xf32>,
      %slice3A_1284 = vector.extract_strided_slice %dot_general3A_1279 {offsets = [8, 0], sizes = [8, 128], strides = [1, 1]} : vector<16x128xf32> to vector<8x128xf32>
      %swap3A_1285 = arith.index_cast %get3A_1265 : i32 to index
      %swap3A_1286 = arith.constant 0 : index
      %swap3A_1287 = vector.load %arg6[%swap3A_1285, %swap3A_1286] : memref<4104x128xf32, #tpu.memory_space<vmem>>, vector<8x128xf32>
      tpu.vector_store %arg6[%swap3A_1285, %swap3A_1286], %slice3A_1284 {strides = array<i32>} : memref<4104x128xf32, #tpu.memory_space<vmem>>, vector<8x128xf32>,
      %mul3A_1288 = arith.constant 52 : i32
      %mul3A_1289 = arith.muli %scan3A_4, %mul3A_1288 : i32
      %add3A_1290 = arith.constant 43 : i32
      %add3A_1291 = arith.addi %mul3A_1289, %add3A_1290 : i32
      %get3A_1292 = arith.index_cast %add3A_1291 : i32 to index
      %get3A_1293 = memref.load %arg0[%get3A_1292] : memref<832xi32, #tpu.memory_space<smem>>
      %get3A_1294 = arith.index_cast %add3A_1291 : i32 to index
      %get3A_1295 = memref.load %arg1[%get3A_1294] : memref<832xi32, #tpu.memory_space<smem>>
      %get3A_1296 = arith.index_cast %get3A_1293 : i32 to index
      %get3A_1297 = arith.constant 0 : index
      %get3A_1298 = arith.constant 0 : index
      %get3A_1299 = vector.load %arg2[%get3A_1296, %get3A_1297, %get3A_1298] : memref<365x128x128xf32, #tpu.memory_space<vmem>>, vector<1x128x128xf32>
      %get3A_1300 = vector.shape_cast %get3A_1299 : vector<1x128x128xf32> to vector<128x128xf32>
      %get3A_1301 = arith.index_cast %get3A_1295 : i32 to index
      %get3A_1302 = arith.constant 0 : index
      %get3A_1303 = vector.load %arg3[%get3A_1301, %get3A_1302] : memref<4104x128xf32, #tpu.memory_space<vmem>>, vector<8x128xf32>
      %get3A_1304 = arith.index_cast %get3A_1295 : i32 to index
      %get3A_1305 = arith.constant 0 : index
      %get3A_1306 = vector.load %arg4[%get3A_1304, %get3A_1305] : memref<4104x128xf32, #tpu.memory_space<vmem>>, vector<8x128xf32>
      %concatenate3A_1307 = tpu.concatenate %get3A_1303, %get3A_1306 in 0 : vector<8x128xf32>, vector<8x128xf32> -> vector<16x128xf32>
      %dot_general3A_1308 = arith.constant dense<0.000000e+00> : vector<16x128xf32>
      %dot_general3A_1309 = tpu.matmul %concatenate3A_1307, %get3A_1300, %dot_general3A_1308 {dimension_numbers = #tpu.dot_dimension_numbers<[1], [1], [0], [0], [0, 0, 1, 0], [], []>, transpose_lhs_hint = false} : vector<16x128xf32>, vector<128x128xf32>, vector<16x128xf32> -> vector<16x128xf32>
      %slice3A_1310 = vector.extract_strided_slice %dot_general3A_1309 {offsets = [0, 0], sizes = [8, 128], strides = [1, 1]} : vector<16x128xf32> to vector<8x128xf32>
      %swap3A_1311 = arith.index_cast %get3A_1295 : i32 to index
      %swap3A_1312 = arith.constant 0 : index
      %swap3A_1313 = vector.load %arg5[%swap3A_1311, %swap3A_1312] : memref<4104x128xf32, #tpu.memory_space<vmem>>, vector<8x128xf32>
      tpu.vector_store %arg5[%swap3A_1311, %swap3A_1312], %slice3A_1310 {strides = array<i32>} : memref<4104x128xf32, #tpu.memory_space<vmem>>, vector<8x128xf32>,
      %slice3A_1314 = vector.extract_strided_slice %dot_general3A_1309 {offsets = [8, 0], sizes = [8, 128], strides = [1, 1]} : vector<16x128xf32> to vector<8x128xf32>
      %swap3A_1315 = arith.index_cast %get3A_1295 : i32 to index
      %swap3A_1316 = arith.constant 0 : index
      %swap3A_1317 = vector.load %arg6[%swap3A_1315, %swap3A_1316] : memref<4104x128xf32, #tpu.memory_space<vmem>>, vector<8x128xf32>
      tpu.vector_store %arg6[%swap3A_1315, %swap3A_1316], %slice3A_1314 {strides = array<i32>} : memref<4104x128xf32, #tpu.memory_space<vmem>>, vector<8x128xf32>,
      %mul3A_1318 = arith.constant 52 : i32
      %mul3A_1319 = arith.muli %scan3A_4, %mul3A_1318 : i32
      %add3A_1320 = arith.constant 44 : i32
      %add3A_1321 = arith.addi %mul3A_1319, %add3A_1320 : i32
      %get3A_1322 = arith.index_cast %add3A_1321 : i32 to index
      %get3A_1323 = memref.load %arg0[%get3A_1322] : memref<832xi32, #tpu.memory_space<smem>>
      %get3A_1324 = arith.index_cast %add3A_1321 : i32 to index
      %get3A_1325 = memref.load %arg1[%get3A_1324] : memref<832xi32, #tpu.memory_space<smem>>
      %get3A_1326 = arith.index_cast %get3A_1323 : i32 to index
      %get3A_1327 = arith.constant 0 : index
      %get3A_1328 = arith.constant 0 : index
      %get3A_1329 = vector.load %arg2[%get3A_1326, %get3A_1327, %get3A_1328] : memref<365x128x128xf32, #tpu.memory_space<vmem>>, vector<1x128x128xf32>
      %get3A_1330 = vector.shape_cast %get3A_1329 : vector<1x128x128xf32> to vector<128x128xf32>
      %get3A_1331 = arith.index_cast %get3A_1325 : i32 to index
      %get3A_1332 = arith.constant 0 : index
      %get3A_1333 = vector.load %arg3[%get3A_1331, %get3A_1332] : memref<4104x128xf32, #tpu.memory_space<vmem>>, vector<8x128xf32>
      %get3A_1334 = arith.index_cast %get3A_1325 : i32 to index
      %get3A_1335 = arith.constant 0 : index
      %get3A_1336 = vector.load %arg4[%get3A_1334, %get3A_1335] : memref<4104x128xf32, #tpu.memory_space<vmem>>, vector<8x128xf32>
      %concatenate3A_1337 = tpu.concatenate %get3A_1333, %get3A_1336 in 0 : vector<8x128xf32>, vector<8x128xf32> -> vector<16x128xf32>
      %dot_general3A_1338 = arith.constant dense<0.000000e+00> : vector<16x128xf32>
      %dot_general3A_1339 = tpu.matmul %concatenate3A_1337, %get3A_1330, %dot_general3A_1338 {dimension_numbers = #tpu.dot_dimension_numbers<[1], [1], [0], [0], [0, 0, 1, 0], [], []>, transpose_lhs_hint = false} : vector<16x128xf32>, vector<128x128xf32>, vector<16x128xf32> -> vector<16x128xf32>
      %slice3A_1340 = vector.extract_strided_slice %dot_general3A_1339 {offsets = [0, 0], sizes = [8, 128], strides = [1, 1]} : vector<16x128xf32> to vector<8x128xf32>
      %swap3A_1341 = arith.index_cast %get3A_1325 : i32 to index
      %swap3A_1342 = arith.constant 0 : index
      %swap3A_1343 = vector.load %arg5[%swap3A_1341, %swap3A_1342] : memref<4104x128xf32, #tpu.memory_space<vmem>>, vector<8x128xf32>
      tpu.vector_store %arg5[%swap3A_1341, %swap3A_1342], %slice3A_1340 {strides = array<i32>} : memref<4104x128xf32, #tpu.memory_space<vmem>>, vector<8x128xf32>,
      %slice3A_1344 = vector.extract_strided_slice %dot_general3A_1339 {offsets = [8, 0], sizes = [8, 128], strides = [1, 1]} : vector<16x128xf32> to vector<8x128xf32>
      %swap3A_1345 = arith.index_cast %get3A_1325 : i32 to index
      %swap3A_1346 = arith.constant 0 : index
      %swap3A_1347 = vector.load %arg6[%swap3A_1345, %swap3A_1346] : memref<4104x128xf32, #tpu.memory_space<vmem>>, vector<8x128xf32>
      tpu.vector_store %arg6[%swap3A_1345, %swap3A_1346], %slice3A_1344 {strides = array<i32>} : memref<4104x128xf32, #tpu.memory_space<vmem>>, vector<8x128xf32>,
      %mul3A_1348 = arith.constant 52 : i32
      %mul3A_1349 = arith.muli %scan3A_4, %mul3A_1348 : i32
      %add3A_1350 = arith.constant 45 : i32
      %add3A_1351 = arith.addi %mul3A_1349, %add3A_1350 : i32
      %get3A_1352 = arith.index_cast %add3A_1351 : i32 to index
      %get3A_1353 = memref.load %arg0[%get3A_1352] : memref<832xi32, #tpu.memory_space<smem>>
      %get3A_1354 = arith.index_cast %add3A_1351 : i32 to index
      %get3A_1355 = memref.load %arg1[%get3A_1354] : memref<832xi32, #tpu.memory_space<smem>>
      %get3A_1356 = arith.index_cast %get3A_1353 : i32 to index
      %get3A_1357 = arith.constant 0 : index
      %get3A_1358 = arith.constant 0 : index
      %get3A_1359 = vector.load %arg2[%get3A_1356, %get3A_1357, %get3A_1358] : memref<365x128x128xf32, #tpu.memory_space<vmem>>, vector<1x128x128xf32>
      %get3A_1360 = vector.shape_cast %get3A_1359 : vector<1x128x128xf32> to vector<128x128xf32>
      %get3A_1361 = arith.index_cast %get3A_1355 : i32 to index
      %get3A_1362 = arith.constant 0 : index
      %get3A_1363 = vector.load %arg3[%get3A_1361, %get3A_1362] : memref<4104x128xf32, #tpu.memory_space<vmem>>, vector<8x128xf32>
      %get3A_1364 = arith.index_cast %get3A_1355 : i32 to index
      %get3A_1365 = arith.constant 0 : index
      %get3A_1366 = vector.load %arg4[%get3A_1364, %get3A_1365] : memref<4104x128xf32, #tpu.memory_space<vmem>>, vector<8x128xf32>
      %concatenate3A_1367 = tpu.concatenate %get3A_1363, %get3A_1366 in 0 : vector<8x128xf32>, vector<8x128xf32> -> vector<16x128xf32>
      %dot_general3A_1368 = arith.constant dense<0.000000e+00> : vector<16x128xf32>
      %dot_general3A_1369 = tpu.matmul %concatenate3A_1367, %get3A_1360, %dot_general3A_1368 {dimension_numbers = #tpu.dot_dimension_numbers<[1], [1], [0], [0], [0, 0, 1, 0], [], []>, transpose_lhs_hint = false} : vector<16x128xf32>, vector<128x128xf32>, vector<16x128xf32> -> vector<16x128xf32>
      %slice3A_1370 = vector.extract_strided_slice %dot_general3A_1369 {offsets = [0, 0], sizes = [8, 128], strides = [1, 1]} : vector<16x128xf32> to vector<8x128xf32>
      %swap3A_1371 = arith.index_cast %get3A_1355 : i32 to index
      %swap3A_1372 = arith.constant 0 : index
      %swap3A_1373 = vector.load %arg5[%swap3A_1371, %swap3A_1372] : memref<4104x128xf32, #tpu.memory_space<vmem>>, vector<8x128xf32>
      tpu.vector_store %arg5[%swap3A_1371, %swap3A_1372], %slice3A_1370 {strides = array<i32>} : memref<4104x128xf32, #tpu.memory_space<vmem>>, vector<8x128xf32>,
      %slice3A_1374 = vector.extract_strided_slice %dot_general3A_1369 {offsets = [8, 0], sizes = [8, 128], strides = [1, 1]} : vector<16x128xf32> to vector<8x128xf32>
      %swap3A_1375 = arith.index_cast %get3A_1355 : i32 to index
      %swap3A_1376 = arith.constant 0 : index
      %swap3A_1377 = vector.load %arg6[%swap3A_1375, %swap3A_1376] : memref<4104x128xf32, #tpu.memory_space<vmem>>, vector<8x128xf32>
      tpu.vector_store %arg6[%swap3A_1375, %swap3A_1376], %slice3A_1374 {strides = array<i32>} : memref<4104x128xf32, #tpu.memory_space<vmem>>, vector<8x128xf32>,
      %mul3A_1378 = arith.constant 52 : i32
      %mul3A_1379 = arith.muli %scan3A_4, %mul3A_1378 : i32
      %add3A_1380 = arith.constant 46 : i32
      %add3A_1381 = arith.addi %mul3A_1379, %add3A_1380 : i32
      %get3A_1382 = arith.index_cast %add3A_1381 : i32 to index
      %get3A_1383 = memref.load %arg0[%get3A_1382] : memref<832xi32, #tpu.memory_space<smem>>
      %get3A_1384 = arith.index_cast %add3A_1381 : i32 to index
      %get3A_1385 = memref.load %arg1[%get3A_1384] : memref<832xi32, #tpu.memory_space<smem>>
      %get3A_1386 = arith.index_cast %get3A_1383 : i32 to index
      %get3A_1387 = arith.constant 0 : index
      %get3A_1388 = arith.constant 0 : index
      %get3A_1389 = vector.load %arg2[%get3A_1386, %get3A_1387, %get3A_1388] : memref<365x128x128xf32, #tpu.memory_space<vmem>>, vector<1x128x128xf32>
      %get3A_1390 = vector.shape_cast %get3A_1389 : vector<1x128x128xf32> to vector<128x128xf32>
      %get3A_1391 = arith.index_cast %get3A_1385 : i32 to index
      %get3A_1392 = arith.constant 0 : index
      %get3A_1393 = vector.load %arg3[%get3A_1391, %get3A_1392] : memref<4104x128xf32, #tpu.memory_space<vmem>>, vector<8x128xf32>
      %get3A_1394 = arith.index_cast %get3A_1385 : i32 to index
      %get3A_1395 = arith.constant 0 : index
      %get3A_1396 = vector.load %arg4[%get3A_1394, %get3A_1395] : memref<4104x128xf32, #tpu.memory_space<vmem>>, vector<8x128xf32>
      %concatenate3A_1397 = tpu.concatenate %get3A_1393, %get3A_1396 in 0 : vector<8x128xf32>, vector<8x128xf32> -> vector<16x128xf32>
      %dot_general3A_1398 = arith.constant dense<0.000000e+00> : vector<16x128xf32>
      %dot_general3A_1399 = tpu.matmul %concatenate3A_1397, %get3A_1390, %dot_general3A_1398 {dimension_numbers = #tpu.dot_dimension_numbers<[1], [1], [0], [0], [0, 0, 1, 0], [], []>, transpose_lhs_hint = false} : vector<16x128xf32>, vector<128x128xf32>, vector<16x128xf32> -> vector<16x128xf32>
      %slice3A_1400 = vector.extract_strided_slice %dot_general3A_1399 {offsets = [0, 0], sizes = [8, 128], strides = [1, 1]} : vector<16x128xf32> to vector<8x128xf32>
      %swap3A_1401 = arith.index_cast %get3A_1385 : i32 to index
      %swap3A_1402 = arith.constant 0 : index
      %swap3A_1403 = vector.load %arg5[%swap3A_1401, %swap3A_1402] : memref<4104x128xf32, #tpu.memory_space<vmem>>, vector<8x128xf32>
      tpu.vector_store %arg5[%swap3A_1401, %swap3A_1402], %slice3A_1400 {strides = array<i32>} : memref<4104x128xf32, #tpu.memory_space<vmem>>, vector<8x128xf32>,
      %slice3A_1404 = vector.extract_strided_slice %dot_general3A_1399 {offsets = [8, 0], sizes = [8, 128], strides = [1, 1]} : vector<16x128xf32> to vector<8x128xf32>
      %swap3A_1405 = arith.index_cast %get3A_1385 : i32 to index
      %swap3A_1406 = arith.constant 0 : index
      %swap3A_1407 = vector.load %arg6[%swap3A_1405, %swap3A_1406] : memref<4104x128xf32, #tpu.memory_space<vmem>>, vector<8x128xf32>
      tpu.vector_store %arg6[%swap3A_1405, %swap3A_1406], %slice3A_1404 {strides = array<i32>} : memref<4104x128xf32, #tpu.memory_space<vmem>>, vector<8x128xf32>,
      %mul3A_1408 = arith.constant 52 : i32
      %mul3A_1409 = arith.muli %scan3A_4, %mul3A_1408 : i32
      %add3A_1410 = arith.constant 47 : i32
      %add3A_1411 = arith.addi %mul3A_1409, %add3A_1410 : i32
      %get3A_1412 = arith.index_cast %add3A_1411 : i32 to index
      %get3A_1413 = memref.load %arg0[%get3A_1412] : memref<832xi32, #tpu.memory_space<smem>>
      %get3A_1414 = arith.index_cast %add3A_1411 : i32 to index
      %get3A_1415 = memref.load %arg1[%get3A_1414] : memref<832xi32, #tpu.memory_space<smem>>
      %get3A_1416 = arith.index_cast %get3A_1413 : i32 to index
      %get3A_1417 = arith.constant 0 : index
      %get3A_1418 = arith.constant 0 : index
      %get3A_1419 = vector.load %arg2[%get3A_1416, %get3A_1417, %get3A_1418] : memref<365x128x128xf32, #tpu.memory_space<vmem>>, vector<1x128x128xf32>
      %get3A_1420 = vector.shape_cast %get3A_1419 : vector<1x128x128xf32> to vector<128x128xf32>
      %get3A_1421 = arith.index_cast %get3A_1415 : i32 to index
      %get3A_1422 = arith.constant 0 : index
      %get3A_1423 = vector.load %arg3[%get3A_1421, %get3A_1422] : memref<4104x128xf32, #tpu.memory_space<vmem>>, vector<8x128xf32>
      %get3A_1424 = arith.index_cast %get3A_1415 : i32 to index
      %get3A_1425 = arith.constant 0 : index
      %get3A_1426 = vector.load %arg4[%get3A_1424, %get3A_1425] : memref<4104x128xf32, #tpu.memory_space<vmem>>, vector<8x128xf32>
      %concatenate3A_1427 = tpu.concatenate %get3A_1423, %get3A_1426 in 0 : vector<8x128xf32>, vector<8x128xf32> -> vector<16x128xf32>
      %dot_general3A_1428 = arith.constant dense<0.000000e+00> : vector<16x128xf32>
      %dot_general3A_1429 = tpu.matmul %concatenate3A_1427, %get3A_1420, %dot_general3A_1428 {dimension_numbers = #tpu.dot_dimension_numbers<[1], [1], [0], [0], [0, 0, 1, 0], [], []>, transpose_lhs_hint = false} : vector<16x128xf32>, vector<128x128xf32>, vector<16x128xf32> -> vector<16x128xf32>
      %slice3A_1430 = vector.extract_strided_slice %dot_general3A_1429 {offsets = [0, 0], sizes = [8, 128], strides = [1, 1]} : vector<16x128xf32> to vector<8x128xf32>
      %swap3A_1431 = arith.index_cast %get3A_1415 : i32 to index
      %swap3A_1432 = arith.constant 0 : index
      %swap3A_1433 = vector.load %arg5[%swap3A_1431, %swap3A_1432] : memref<4104x128xf32, #tpu.memory_space<vmem>>, vector<8x128xf32>
      tpu.vector_store %arg5[%swap3A_1431, %swap3A_1432], %slice3A_1430 {strides = array<i32>} : memref<4104x128xf32, #tpu.memory_space<vmem>>, vector<8x128xf32>,
      %slice3A_1434 = vector.extract_strided_slice %dot_general3A_1429 {offsets = [8, 0], sizes = [8, 128], strides = [1, 1]} : vector<16x128xf32> to vector<8x128xf32>
      %swap3A_1435 = arith.index_cast %get3A_1415 : i32 to index
      %swap3A_1436 = arith.constant 0 : index
      %swap3A_1437 = vector.load %arg6[%swap3A_1435, %swap3A_1436] : memref<4104x128xf32, #tpu.memory_space<vmem>>, vector<8x128xf32>
      tpu.vector_store %arg6[%swap3A_1435, %swap3A_1436], %slice3A_1434 {strides = array<i32>} : memref<4104x128xf32, #tpu.memory_space<vmem>>, vector<8x128xf32>,
      %mul3A_1438 = arith.constant 52 : i32
      %mul3A_1439 = arith.muli %scan3A_4, %mul3A_1438 : i32
      %add3A_1440 = arith.constant 48 : i32
      %add3A_1441 = arith.addi %mul3A_1439, %add3A_1440 : i32
      %get3A_1442 = arith.index_cast %add3A_1441 : i32 to index
      %get3A_1443 = memref.load %arg0[%get3A_1442] : memref<832xi32, #tpu.memory_space<smem>>
      %get3A_1444 = arith.index_cast %add3A_1441 : i32 to index
      %get3A_1445 = memref.load %arg1[%get3A_1444] : memref<832xi32, #tpu.memory_space<smem>>
      %get3A_1446 = arith.index_cast %get3A_1443 : i32 to index
      %get3A_1447 = arith.constant 0 : index
      %get3A_1448 = arith.constant 0 : index
      %get3A_1449 = vector.load %arg2[%get3A_1446, %get3A_1447, %get3A_1448] : memref<365x128x128xf32, #tpu.memory_space<vmem>>, vector<1x128x128xf32>
      %get3A_1450 = vector.shape_cast %get3A_1449 : vector<1x128x128xf32> to vector<128x128xf32>
      %get3A_1451 = arith.index_cast %get3A_1445 : i32 to index
      %get3A_1452 = arith.constant 0 : index
      %get3A_1453 = vector.load %arg3[%get3A_1451, %get3A_1452] : memref<4104x128xf32, #tpu.memory_space<vmem>>, vector<8x128xf32>
      %get3A_1454 = arith.index_cast %get3A_1445 : i32 to index
      %get3A_1455 = arith.constant 0 : index
      %get3A_1456 = vector.load %arg4[%get3A_1454, %get3A_1455] : memref<4104x128xf32, #tpu.memory_space<vmem>>, vector<8x128xf32>
      %concatenate3A_1457 = tpu.concatenate %get3A_1453, %get3A_1456 in 0 : vector<8x128xf32>, vector<8x128xf32> -> vector<16x128xf32>
      %dot_general3A_1458 = arith.constant dense<0.000000e+00> : vector<16x128xf32>
      %dot_general3A_1459 = tpu.matmul %concatenate3A_1457, %get3A_1450, %dot_general3A_1458 {dimension_numbers = #tpu.dot_dimension_numbers<[1], [1], [0], [0], [0, 0, 1, 0], [], []>, transpose_lhs_hint = false} : vector<16x128xf32>, vector<128x128xf32>, vector<16x128xf32> -> vector<16x128xf32>
      %slice3A_1460 = vector.extract_strided_slice %dot_general3A_1459 {offsets = [0, 0], sizes = [8, 128], strides = [1, 1]} : vector<16x128xf32> to vector<8x128xf32>
      %swap3A_1461 = arith.index_cast %get3A_1445 : i32 to index
      %swap3A_1462 = arith.constant 0 : index
      %swap3A_1463 = vector.load %arg5[%swap3A_1461, %swap3A_1462] : memref<4104x128xf32, #tpu.memory_space<vmem>>, vector<8x128xf32>
      tpu.vector_store %arg5[%swap3A_1461, %swap3A_1462], %slice3A_1460 {strides = array<i32>} : memref<4104x128xf32, #tpu.memory_space<vmem>>, vector<8x128xf32>,
      %slice3A_1464 = vector.extract_strided_slice %dot_general3A_1459 {offsets = [8, 0], sizes = [8, 128], strides = [1, 1]} : vector<16x128xf32> to vector<8x128xf32>
      %swap3A_1465 = arith.index_cast %get3A_1445 : i32 to index
      %swap3A_1466 = arith.constant 0 : index
      %swap3A_1467 = vector.load %arg6[%swap3A_1465, %swap3A_1466] : memref<4104x128xf32, #tpu.memory_space<vmem>>, vector<8x128xf32>
      tpu.vector_store %arg6[%swap3A_1465, %swap3A_1466], %slice3A_1464 {strides = array<i32>} : memref<4104x128xf32, #tpu.memory_space<vmem>>, vector<8x128xf32>,
      %mul3A_1468 = arith.constant 52 : i32
      %mul3A_1469 = arith.muli %scan3A_4, %mul3A_1468 : i32
      %add3A_1470 = arith.constant 49 : i32
      %add3A_1471 = arith.addi %mul3A_1469, %add3A_1470 : i32
      %get3A_1472 = arith.index_cast %add3A_1471 : i32 to index
      %get3A_1473 = memref.load %arg0[%get3A_1472] : memref<832xi32, #tpu.memory_space<smem>>
      %get3A_1474 = arith.index_cast %add3A_1471 : i32 to index
      %get3A_1475 = memref.load %arg1[%get3A_1474] : memref<832xi32, #tpu.memory_space<smem>>
      %get3A_1476 = arith.index_cast %get3A_1473 : i32 to index
      %get3A_1477 = arith.constant 0 : index
      %get3A_1478 = arith.constant 0 : index
      %get3A_1479 = vector.load %arg2[%get3A_1476, %get3A_1477, %get3A_1478] : memref<365x128x128xf32, #tpu.memory_space<vmem>>, vector<1x128x128xf32>
      %get3A_1480 = vector.shape_cast %get3A_1479 : vector<1x128x128xf32> to vector<128x128xf32>
      %get3A_1481 = arith.index_cast %get3A_1475 : i32 to index
      %get3A_1482 = arith.constant 0 : index
      %get3A_1483 = vector.load %arg3[%get3A_1481, %get3A_1482] : memref<4104x128xf32, #tpu.memory_space<vmem>>, vector<8x128xf32>
      %get3A_1484 = arith.index_cast %get3A_1475 : i32 to index
      %get3A_1485 = arith.constant 0 : index
      %get3A_1486 = vector.load %arg4[%get3A_1484, %get3A_1485] : memref<4104x128xf32, #tpu.memory_space<vmem>>, vector<8x128xf32>
      %concatenate3A_1487 = tpu.concatenate %get3A_1483, %get3A_1486 in 0 : vector<8x128xf32>, vector<8x128xf32> -> vector<16x128xf32>
      %dot_general3A_1488 = arith.constant dense<0.000000e+00> : vector<16x128xf32>
      %dot_general3A_1489 = tpu.matmul %concatenate3A_1487, %get3A_1480, %dot_general3A_1488 {dimension_numbers = #tpu.dot_dimension_numbers<[1], [1], [0], [0], [0, 0, 1, 0], [], []>, transpose_lhs_hint = false} : vector<16x128xf32>, vector<128x128xf32>, vector<16x128xf32> -> vector<16x128xf32>
      %slice3A_1490 = vector.extract_strided_slice %dot_general3A_1489 {offsets = [0, 0], sizes = [8, 128], strides = [1, 1]} : vector<16x128xf32> to vector<8x128xf32>
      %swap3A_1491 = arith.index_cast %get3A_1475 : i32 to index
      %swap3A_1492 = arith.constant 0 : index
      %swap3A_1493 = vector.load %arg5[%swap3A_1491, %swap3A_1492] : memref<4104x128xf32, #tpu.memory_space<vmem>>, vector<8x128xf32>
      tpu.vector_store %arg5[%swap3A_1491, %swap3A_1492], %slice3A_1490 {strides = array<i32>} : memref<4104x128xf32, #tpu.memory_space<vmem>>, vector<8x128xf32>,
      %slice3A_1494 = vector.extract_strided_slice %dot_general3A_1489 {offsets = [8, 0], sizes = [8, 128], strides = [1, 1]} : vector<16x128xf32> to vector<8x128xf32>
      %swap3A_1495 = arith.index_cast %get3A_1475 : i32 to index
      %swap3A_1496 = arith.constant 0 : index
      %swap3A_1497 = vector.load %arg6[%swap3A_1495, %swap3A_1496] : memref<4104x128xf32, #tpu.memory_space<vmem>>, vector<8x128xf32>
      tpu.vector_store %arg6[%swap3A_1495, %swap3A_1496], %slice3A_1494 {strides = array<i32>} : memref<4104x128xf32, #tpu.memory_space<vmem>>, vector<8x128xf32>,
      %mul3A_1498 = arith.constant 52 : i32
      %mul3A_1499 = arith.muli %scan3A_4, %mul3A_1498 : i32
      %add3A_1500 = arith.constant 50 : i32
      %add3A_1501 = arith.addi %mul3A_1499, %add3A_1500 : i32
      %get3A_1502 = arith.index_cast %add3A_1501 : i32 to index
      %get3A_1503 = memref.load %arg0[%get3A_1502] : memref<832xi32, #tpu.memory_space<smem>>
      %get3A_1504 = arith.index_cast %add3A_1501 : i32 to index
      %get3A_1505 = memref.load %arg1[%get3A_1504] : memref<832xi32, #tpu.memory_space<smem>>
      %get3A_1506 = arith.index_cast %get3A_1503 : i32 to index
      %get3A_1507 = arith.constant 0 : index
      %get3A_1508 = arith.constant 0 : index
      %get3A_1509 = vector.load %arg2[%get3A_1506, %get3A_1507, %get3A_1508] : memref<365x128x128xf32, #tpu.memory_space<vmem>>, vector<1x128x128xf32>
      %get3A_1510 = vector.shape_cast %get3A_1509 : vector<1x128x128xf32> to vector<128x128xf32>
      %get3A_1511 = arith.index_cast %get3A_1505 : i32 to index
      %get3A_1512 = arith.constant 0 : index
      %get3A_1513 = vector.load %arg3[%get3A_1511, %get3A_1512] : memref<4104x128xf32, #tpu.memory_space<vmem>>, vector<8x128xf32>
      %get3A_1514 = arith.index_cast %get3A_1505 : i32 to index
      %get3A_1515 = arith.constant 0 : index
      %get3A_1516 = vector.load %arg4[%get3A_1514, %get3A_1515] : memref<4104x128xf32, #tpu.memory_space<vmem>>, vector<8x128xf32>
      %concatenate3A_1517 = tpu.concatenate %get3A_1513, %get3A_1516 in 0 : vector<8x128xf32>, vector<8x128xf32> -> vector<16x128xf32>
      %dot_general3A_1518 = arith.constant dense<0.000000e+00> : vector<16x128xf32>
      %dot_general3A_1519 = tpu.matmul %concatenate3A_1517, %get3A_1510, %dot_general3A_1518 {dimension_numbers = #tpu.dot_dimension_numbers<[1], [1], [0], [0], [0, 0, 1, 0], [], []>, transpose_lhs_hint = false} : vector<16x128xf32>, vector<128x128xf32>, vector<16x128xf32> -> vector<16x128xf32>
      %slice3A_1520 = vector.extract_strided_slice %dot_general3A_1519 {offsets = [0, 0], sizes = [8, 128], strides = [1, 1]} : vector<16x128xf32> to vector<8x128xf32>
      %swap3A_1521 = arith.index_cast %get3A_1505 : i32 to index
      %swap3A_1522 = arith.constant 0 : index
      %swap3A_1523 = vector.load %arg5[%swap3A_1521, %swap3A_1522] : memref<4104x128xf32, #tpu.memory_space<vmem>>, vector<8x128xf32>
      tpu.vector_store %arg5[%swap3A_1521, %swap3A_1522], %slice3A_1520 {strides = array<i32>} : memref<4104x128xf32, #tpu.memory_space<vmem>>, vector<8x128xf32>,
      %slice3A_1524 = vector.extract_strided_slice %dot_general3A_1519 {offsets = [8, 0], sizes = [8, 128], strides = [1, 1]} : vector<16x128xf32> to vector<8x128xf32>
      %swap3A_1525 = arith.index_cast %get3A_1505 : i32 to index
      %swap3A_1526 = arith.constant 0 : index
      %swap3A_1527 = vector.load %arg6[%swap3A_1525, %swap3A_1526] : memref<4104x128xf32, #tpu.memory_space<vmem>>, vector<8x128xf32>
      tpu.vector_store %arg6[%swap3A_1525, %swap3A_1526], %slice3A_1524 {strides = array<i32>} : memref<4104x128xf32, #tpu.memory_space<vmem>>, vector<8x128xf32>,
      %mul3A_1528 = arith.constant 52 : i32
      %mul3A_1529 = arith.muli %scan3A_4, %mul3A_1528 : i32
      %add3A_1530 = arith.constant 51 : i32
      %add3A_1531 = arith.addi %mul3A_1529, %add3A_1530 : i32
      %get3A_1532 = arith.index_cast %add3A_1531 : i32 to index
      %get3A_1533 = memref.load %arg0[%get3A_1532] : memref<832xi32, #tpu.memory_space<smem>>
      %get3A_1534 = arith.index_cast %add3A_1531 : i32 to index
      %get3A_1535 = memref.load %arg1[%get3A_1534] : memref<832xi32, #tpu.memory_space<smem>>
      %get3A_1536 = arith.index_cast %get3A_1533 : i32 to index
      %get3A_1537 = arith.constant 0 : index
      %get3A_1538 = arith.constant 0 : index
      %get3A_1539 = vector.load %arg2[%get3A_1536, %get3A_1537, %get3A_1538] : memref<365x128x128xf32, #tpu.memory_space<vmem>>, vector<1x128x128xf32>
      %get3A_1540 = vector.shape_cast %get3A_1539 : vector<1x128x128xf32> to vector<128x128xf32>
      %get3A_1541 = arith.index_cast %get3A_1535 : i32 to index
      %get3A_1542 = arith.constant 0 : index
      %get3A_1543 = vector.load %arg3[%get3A_1541, %get3A_1542] : memref<4104x128xf32, #tpu.memory_space<vmem>>, vector<8x128xf32>
      %get3A_1544 = arith.index_cast %get3A_1535 : i32 to index
      %get3A_1545 = arith.constant 0 : index
      %get3A_1546 = vector.load %arg4[%get3A_1544, %get3A_1545] : memref<4104x128xf32, #tpu.memory_space<vmem>>, vector<8x128xf32>
      %concatenate3A_1547 = tpu.concatenate %get3A_1543, %get3A_1546 in 0 : vector<8x128xf32>, vector<8x128xf32> -> vector<16x128xf32>
      %dot_general3A_1548 = arith.constant dense<0.000000e+00> : vector<16x128xf32>
      %dot_general3A_1549 = tpu.matmul %concatenate3A_1547, %get3A_1540, %dot_general3A_1548 {dimension_numbers = #tpu.dot_dimension_numbers<[1], [1], [0], [0], [0, 0, 1, 0], [], []>, transpose_lhs_hint = false} : vector<16x128xf32>, vector<128x128xf32>, vector<16x128xf32> -> vector<16x128xf32>
      %slice3A_1550 = vector.extract_strided_slice %dot_general3A_1549 {offsets = [0, 0], sizes = [8, 128], strides = [1, 1]} : vector<16x128xf32> to vector<8x128xf32>
      %swap3A_1551 = arith.index_cast %get3A_1535 : i32 to index
      %swap3A_1552 = arith.constant 0 : index
      %swap3A_1553 = vector.load %arg5[%swap3A_1551, %swap3A_1552] : memref<4104x128xf32, #tpu.memory_space<vmem>>, vector<8x128xf32>
      tpu.vector_store %arg5[%swap3A_1551, %swap3A_1552], %slice3A_1550 {strides = array<i32>} : memref<4104x128xf32, #tpu.memory_space<vmem>>, vector<8x128xf32>,
      %slice3A_1554 = vector.extract_strided_slice %dot_general3A_1549 {offsets = [8, 0], sizes = [8, 128], strides = [1, 1]} : vector<16x128xf32> to vector<8x128xf32>
      %swap3A_1555 = arith.index_cast %get3A_1535 : i32 to index
      %swap3A_1556 = arith.constant 0 : index
      %swap3A_1557 = vector.load %arg6[%swap3A_1555, %swap3A_1556] : memref<4104x128xf32, #tpu.memory_space<vmem>>, vector<8x128xf32>
      tpu.vector_store %arg6[%swap3A_1555, %swap3A_1556], %slice3A_1554 {strides = array<i32>} : memref<4104x128xf32, #tpu.memory_space<vmem>>, vector<8x128xf32>,
    }
    %scan3A_3 = arith.constant 16 : i32
    return
  }
}

module attributes {stable_mosaic.version = 14 : i64} {
  func.func @_fuse_body(%arg0: memref<4104x128xf32, #tpu.memory_space<vmem>>, %arg1: memref<4104x128xf32, #tpu.memory_space<vmem>>, %arg2: memref<4096x128xf32, #tpu.memory_space<vmem>>, %arg3: memref<4096x128xf32, #tpu.memory_space<vmem>>, %arg4: memref<4096x128xf32, #tpu.memory_space<vmem>>, %arg5: memref<4096x128xf32, #tpu.memory_space<vmem>>, %arg6: memref<4096x128xf32, #tpu.memory_space<vmem>>, %arg7: memref<4096x128xf32, #tpu.memory_space<vmem>>, %arg8: memref<4096x128xf32, #tpu.memory_space<vmem>>, %arg9: memref<4096x128xf32, #tpu.memory_space<vmem>>, %arg10: memref<4096x128xf32, #tpu.memory_space<vmem>>, %arg11: memref<128xf32, #tpu.memory_space<vmem>>, %arg12: memref<128xf32, #tpu.memory_space<vmem>>, %arg13: memref<4096xf32, #tpu.memory_space<vmem>>, %arg14: memref<4096xf32, #tpu.memory_space<vmem>>, %arg15: memref<4096xf32, #tpu.memory_space<vmem>>, %arg16: memref<4096xf32, #tpu.memory_space<vmem>>) attributes {dimension_semantics = [], scalar_prefetch = 0 : i64, scratch_operands = 0 : i64, tpu.core_type = #tpu.core_type<tc>} {
    %get3A = arith.constant 0 : index
    %get3A_0 = vector.load %arg11[%get3A] : memref<128xf32, #tpu.memory_space<vmem>>, vector<128xf32>
    %get3A_1 = arith.constant 0 : index
    %get3A_2 = vector.load %arg12[%get3A_1] : memref<128xf32, #tpu.memory_space<vmem>>, vector<128xf32>
    %get3A_3 = arith.constant 0 : index
    %get3A_4 = arith.constant 0 : index
    %get3A_5 = vector.load %arg0[%get3A_3, %get3A_4] : memref<4104x128xf32, #tpu.memory_space<vmem>>, vector<4096x128xf32>
    %reduce_sum3A = arith.constant dense<0.000000e+00> : vector<128xf32>
    %reduce_sum3A_6 = vector.multi_reduction <add>, %get3A_5, %reduce_sum3A [0] : vector<4096x128xf32> to vector<128xf32>
    %broadcast_in_dim3A = vector.shape_cast %reduce_sum3A_6 : vector<128xf32> to vector<1x128xf32>
    %div3A = arith.constant 4.096000e+03 : f32
    %div3A_7 = vector.broadcast %div3A : f32 to vector<1x128xf32>
    %div3A_8 = arith.divf %broadcast_in_dim3A, %div3A_7 : vector<1x128xf32>
    %sub3A = vector.broadcast %div3A_8 : vector<1x128xf32> to vector<4096x128xf32>
    %sub3A_9 = arith.subf %get3A_5, %sub3A : vector<4096x128xf32>
    %integer_pow3A = arith.mulf %sub3A_9, %sub3A_9 : vector<4096x128xf32>
    %reduce_sum3A_10 = arith.constant dense<0.000000e+00> : vector<128xf32>
    %reduce_sum3A_11 = vector.multi_reduction <add>, %integer_pow3A, %reduce_sum3A_10 [0] : vector<4096x128xf32> to vector<128xf32>
    %broadcast_in_dim3A_12 = vector.shape_cast %reduce_sum3A_11 : vector<128xf32> to vector<1x128xf32>
    %div3A_13 = arith.constant 4.096000e+03 : f32
    %div3A_14 = vector.broadcast %div3A_13 : f32 to vector<1x128xf32>
    %div3A_15 = arith.divf %broadcast_in_dim3A_12, %div3A_14 : vector<1x128xf32>
    %sub3A_16 = vector.broadcast %div3A_8 : vector<1x128xf32> to vector<4096x128xf32>
    %sub3A_17 = arith.subf %get3A_5, %sub3A_16 : vector<4096x128xf32>
    %add3A = arith.constant 9.99999974E-6 : f32
    %add3A_18 = vector.broadcast %add3A : f32 to vector<1x128xf32>
    %add3A_19 = arith.addf %div3A_15, %add3A_18 : vector<1x128xf32>
    %sqrt3A = math.sqrt %add3A_19 : vector<1x128xf32>
    %div3A_20 = vector.broadcast %sqrt3A : vector<1x128xf32> to vector<4096x128xf32>
    %div3A_21 = arith.divf %sub3A_17, %div3A_20 : vector<4096x128xf32>
    %broadcast_in_dim3A_22 = vector.shape_cast %get3A_0 : vector<128xf32> to vector<1x128xf32>
    %mul3A = vector.broadcast %broadcast_in_dim3A_22 : vector<1x128xf32> to vector<4096x128xf32>
    %mul3A_23 = arith.mulf %div3A_21, %mul3A : vector<4096x128xf32>
    %broadcast_in_dim3A_24 = vector.shape_cast %get3A_2 : vector<128xf32> to vector<1x128xf32>
    %add3A_25 = vector.broadcast %broadcast_in_dim3A_24 : vector<1x128xf32> to vector<4096x128xf32>
    %add3A_26 = arith.addf %mul3A_23, %add3A_25 : vector<4096x128xf32>
    %get3A_27 = arith.constant 0 : index
    %get3A_28 = arith.constant 0 : index
    %get3A_29 = vector.load %arg2[%get3A_27, %get3A_28] : memref<4096x128xf32, #tpu.memory_space<vmem>>, vector<4096x128xf32>
    %reduce_sum3A_30 = arith.constant dense<0.000000e+00> : vector<128xf32>
    %reduce_sum3A_31 = vector.multi_reduction <add>, %get3A_29, %reduce_sum3A_30 [0] : vector<4096x128xf32> to vector<128xf32>
    %broadcast_in_dim3A_32 = vector.shape_cast %reduce_sum3A_31 : vector<128xf32> to vector<1x128xf32>
    %div3A_33 = arith.constant 4.096000e+03 : f32
    %div3A_34 = vector.broadcast %div3A_33 : f32 to vector<1x128xf32>
    %div3A_35 = arith.divf %broadcast_in_dim3A_32, %div3A_34 : vector<1x128xf32>
    %sub3A_36 = vector.broadcast %div3A_35 : vector<1x128xf32> to vector<4096x128xf32>
    %sub3A_37 = arith.subf %get3A_29, %sub3A_36 : vector<4096x128xf32>
    %integer_pow3A_38 = arith.mulf %sub3A_37, %sub3A_37 : vector<4096x128xf32>
    %reduce_sum3A_39 = arith.constant dense<0.000000e+00> : vector<128xf32>
    %reduce_sum3A_40 = vector.multi_reduction <add>, %integer_pow3A_38, %reduce_sum3A_39 [0] : vector<4096x128xf32> to vector<128xf32>
    %broadcast_in_dim3A_41 = vector.shape_cast %reduce_sum3A_40 : vector<128xf32> to vector<1x128xf32>
    %div3A_42 = arith.constant 4.096000e+03 : f32
    %div3A_43 = vector.broadcast %div3A_42 : f32 to vector<1x128xf32>
    %div3A_44 = arith.divf %broadcast_in_dim3A_41, %div3A_43 : vector<1x128xf32>
    %sub3A_45 = vector.broadcast %div3A_35 : vector<1x128xf32> to vector<4096x128xf32>
    %sub3A_46 = arith.subf %get3A_29, %sub3A_45 : vector<4096x128xf32>
    %add3A_47 = arith.constant 9.99999974E-6 : f32
    %add3A_48 = vector.broadcast %add3A_47 : f32 to vector<1x128xf32>
    %add3A_49 = arith.addf %div3A_44, %add3A_48 : vector<1x128xf32>
    %sqrt3A_50 = math.sqrt %add3A_49 : vector<1x128xf32>
    %div3A_51 = vector.broadcast %sqrt3A_50 : vector<1x128xf32> to vector<4096x128xf32>
    %div3A_52 = arith.divf %sub3A_46, %div3A_51 : vector<4096x128xf32>
    %broadcast_in_dim3A_53 = vector.shape_cast %get3A_0 : vector<128xf32> to vector<1x128xf32>
    %mul3A_54 = vector.broadcast %broadcast_in_dim3A_53 : vector<1x128xf32> to vector<4096x128xf32>
    %mul3A_55 = arith.mulf %div3A_52, %mul3A_54 : vector<4096x128xf32>
    %broadcast_in_dim3A_56 = vector.shape_cast %get3A_2 : vector<128xf32> to vector<1x128xf32>
    %add3A_57 = vector.broadcast %broadcast_in_dim3A_56 : vector<1x128xf32> to vector<4096x128xf32>
    %add3A_58 = arith.addf %mul3A_55, %add3A_57 : vector<4096x128xf32>
    %get3A_59 = arith.constant 0 : index
    %get3A_60 = arith.constant 0 : index
    %get3A_61 = vector.load %arg3[%get3A_59, %get3A_60] : memref<4096x128xf32, #tpu.memory_space<vmem>>, vector<4096x128xf32>
    %reduce_sum3A_62 = arith.constant dense<0.000000e+00> : vector<128xf32>
    %reduce_sum3A_63 = vector.multi_reduction <add>, %get3A_61, %reduce_sum3A_62 [0] : vector<4096x128xf32> to vector<128xf32>
    %broadcast_in_dim3A_64 = vector.shape_cast %reduce_sum3A_63 : vector<128xf32> to vector<1x128xf32>
    %div3A_65 = arith.constant 4.096000e+03 : f32
    %div3A_66 = vector.broadcast %div3A_65 : f32 to vector<1x128xf32>
    %div3A_67 = arith.divf %broadcast_in_dim3A_64, %div3A_66 : vector<1x128xf32>
    %sub3A_68 = vector.broadcast %div3A_67 : vector<1x128xf32> to vector<4096x128xf32>
    %sub3A_69 = arith.subf %get3A_61, %sub3A_68 : vector<4096x128xf32>
    %integer_pow3A_70 = arith.mulf %sub3A_69, %sub3A_69 : vector<4096x128xf32>
    %reduce_sum3A_71 = arith.constant dense<0.000000e+00> : vector<128xf32>
    %reduce_sum3A_72 = vector.multi_reduction <add>, %integer_pow3A_70, %reduce_sum3A_71 [0] : vector<4096x128xf32> to vector<128xf32>
    %broadcast_in_dim3A_73 = vector.shape_cast %reduce_sum3A_72 : vector<128xf32> to vector<1x128xf32>
    %div3A_74 = arith.constant 4.096000e+03 : f32
    %div3A_75 = vector.broadcast %div3A_74 : f32 to vector<1x128xf32>
    %div3A_76 = arith.divf %broadcast_in_dim3A_73, %div3A_75 : vector<1x128xf32>
    %sub3A_77 = vector.broadcast %div3A_67 : vector<1x128xf32> to vector<4096x128xf32>
    %sub3A_78 = arith.subf %get3A_61, %sub3A_77 : vector<4096x128xf32>
    %add3A_79 = arith.constant 9.99999974E-6 : f32
    %add3A_80 = vector.broadcast %add3A_79 : f32 to vector<1x128xf32>
    %add3A_81 = arith.addf %div3A_76, %add3A_80 : vector<1x128xf32>
    %sqrt3A_82 = math.sqrt %add3A_81 : vector<1x128xf32>
    %div3A_83 = vector.broadcast %sqrt3A_82 : vector<1x128xf32> to vector<4096x128xf32>
    %div3A_84 = arith.divf %sub3A_78, %div3A_83 : vector<4096x128xf32>
    %broadcast_in_dim3A_85 = vector.shape_cast %get3A_0 : vector<128xf32> to vector<1x128xf32>
    %mul3A_86 = vector.broadcast %broadcast_in_dim3A_85 : vector<1x128xf32> to vector<4096x128xf32>
    %mul3A_87 = arith.mulf %div3A_84, %mul3A_86 : vector<4096x128xf32>
    %broadcast_in_dim3A_88 = vector.shape_cast %get3A_2 : vector<128xf32> to vector<1x128xf32>
    %add3A_89 = vector.broadcast %broadcast_in_dim3A_88 : vector<1x128xf32> to vector<4096x128xf32>
    %add3A_90 = arith.addf %mul3A_87, %add3A_89 : vector<4096x128xf32>
    %get3A_91 = arith.constant 0 : index
    %get3A_92 = arith.constant 0 : index
    %get3A_93 = vector.load %arg4[%get3A_91, %get3A_92] : memref<4096x128xf32, #tpu.memory_space<vmem>>, vector<4096x128xf32>
    %reduce_sum3A_94 = arith.constant dense<0.000000e+00> : vector<128xf32>
    %reduce_sum3A_95 = vector.multi_reduction <add>, %get3A_93, %reduce_sum3A_94 [0] : vector<4096x128xf32> to vector<128xf32>
    %broadcast_in_dim3A_96 = vector.shape_cast %reduce_sum3A_95 : vector<128xf32> to vector<1x128xf32>
    %div3A_97 = arith.constant 4.096000e+03 : f32
    %div3A_98 = vector.broadcast %div3A_97 : f32 to vector<1x128xf32>
    %div3A_99 = arith.divf %broadcast_in_dim3A_96, %div3A_98 : vector<1x128xf32>
    %sub3A_100 = vector.broadcast %div3A_99 : vector<1x128xf32> to vector<4096x128xf32>
    %sub3A_101 = arith.subf %get3A_93, %sub3A_100 : vector<4096x128xf32>
    %integer_pow3A_102 = arith.mulf %sub3A_101, %sub3A_101 : vector<4096x128xf32>
    %reduce_sum3A_103 = arith.constant dense<0.000000e+00> : vector<128xf32>
    %reduce_sum3A_104 = vector.multi_reduction <add>, %integer_pow3A_102, %reduce_sum3A_103 [0] : vector<4096x128xf32> to vector<128xf32>
    %broadcast_in_dim3A_105 = vector.shape_cast %reduce_sum3A_104 : vector<128xf32> to vector<1x128xf32>
    %div3A_106 = arith.constant 4.096000e+03 : f32
    %div3A_107 = vector.broadcast %div3A_106 : f32 to vector<1x128xf32>
    %div3A_108 = arith.divf %broadcast_in_dim3A_105, %div3A_107 : vector<1x128xf32>
    %sub3A_109 = vector.broadcast %div3A_99 : vector<1x128xf32> to vector<4096x128xf32>
    %sub3A_110 = arith.subf %get3A_93, %sub3A_109 : vector<4096x128xf32>
    %add3A_111 = arith.constant 9.99999974E-6 : f32
    %add3A_112 = vector.broadcast %add3A_111 : f32 to vector<1x128xf32>
    %add3A_113 = arith.addf %div3A_108, %add3A_112 : vector<1x128xf32>
    %sqrt3A_114 = math.sqrt %add3A_113 : vector<1x128xf32>
    %div3A_115 = vector.broadcast %sqrt3A_114 : vector<1x128xf32> to vector<4096x128xf32>
    %div3A_116 = arith.divf %sub3A_110, %div3A_115 : vector<4096x128xf32>
    %broadcast_in_dim3A_117 = vector.shape_cast %get3A_0 : vector<128xf32> to vector<1x128xf32>
    %mul3A_118 = vector.broadcast %broadcast_in_dim3A_117 : vector<1x128xf32> to vector<4096x128xf32>
    %mul3A_119 = arith.mulf %div3A_116, %mul3A_118 : vector<4096x128xf32>
    %broadcast_in_dim3A_120 = vector.shape_cast %get3A_2 : vector<128xf32> to vector<1x128xf32>
    %add3A_121 = vector.broadcast %broadcast_in_dim3A_120 : vector<1x128xf32> to vector<4096x128xf32>
    %add3A_122 = arith.addf %mul3A_119, %add3A_121 : vector<4096x128xf32>
    %get3A_123 = arith.constant 0 : index
    %get3A_124 = arith.constant 0 : index
    %get3A_125 = vector.load %arg8[%get3A_123, %get3A_124] : memref<4096x128xf32, #tpu.memory_space<vmem>>, vector<4096x128xf32>
    %get3A_126 = arith.constant 0 : index
    %get3A_127 = arith.constant 0 : index
    %get3A_128 = vector.load %arg9[%get3A_126, %get3A_127] : memref<4096x128xf32, #tpu.memory_space<vmem>>, vector<4096x128xf32>
    %get3A_129 = arith.constant 0 : index
    %get3A_130 = arith.constant 0 : index
    %get3A_131 = vector.load %arg10[%get3A_129, %get3A_130] : memref<4096x128xf32, #tpu.memory_space<vmem>>, vector<4096x128xf32>
    %mul3A_132 = arith.mulf %get3A_125, %get3A_125 : vector<4096x128xf32>
    %mul3A_133 = arith.mulf %get3A_128, %get3A_128 : vector<4096x128xf32>
    %add3A_134 = arith.addf %mul3A_132, %mul3A_133 : vector<4096x128xf32>
    %mul3A_135 = arith.mulf %get3A_131, %get3A_131 : vector<4096x128xf32>
    %add3A_136 = arith.addf %add3A_134, %mul3A_135 : vector<4096x128xf32>
    %sqrt3A_137 = math.sqrt %add3A_136 : vector<4096x128xf32>
    %logistic3A = arith.negf %sqrt3A_137 : vector<4096x128xf32>
    %logistic3A_138 = math.exp %logistic3A : vector<4096x128xf32>
    %logistic3A_139 = arith.constant 1.000000e+00 : f32
    %logistic3A_140 = vector.broadcast %logistic3A_139 : f32 to vector<4096x128xf32>
    %logistic3A_141 = arith.addf %logistic3A_140, %logistic3A_138 : vector<4096x128xf32>
    %logistic3A_142 = arith.divf %logistic3A_140, %logistic3A_141 : vector<4096x128xf32>
    %div3A_143 = arith.constant 1.000000e+00 : f32
    %div3A_144 = vector.broadcast %div3A_143 : f32 to vector<4096x128xf32>
    %div3A_145 = arith.divf %div3A_144, %sqrt3A_137 : vector<4096x128xf32>
    %mul3A_146 = arith.mulf %get3A_125, %div3A_145 : vector<4096x128xf32>
    %mul3A_147 = arith.mulf %get3A_128, %div3A_145 : vector<4096x128xf32>
    %mul3A_148 = arith.mulf %get3A_131, %div3A_145 : vector<4096x128xf32>
    %mul3A_149 = arith.mulf %logistic3A_142, %logistic3A_142 : vector<4096x128xf32>
    %sub3A_150 = arith.constant 1.000000e+00 : f32
    %sub3A_151 = vector.broadcast %sub3A_150 : f32 to vector<4096x128xf32>
    %sub3A_152 = arith.subf %sub3A_151, %mul3A_149 : vector<4096x128xf32>
    %sqrt3A_153 = math.sqrt %sub3A_152 : vector<4096x128xf32>
    %div3A_154 = arith.constant 1.000000e+00 : f32
    %div3A_155 = vector.broadcast %div3A_154 : f32 to vector<4096x128xf32>
    %div3A_156 = arith.divf %div3A_155, %sqrt3A_153 : vector<4096x128xf32>
    %sub3A_157 = arith.constant 1.000000e+00 : f32
    %sub3A_158 = vector.broadcast %sub3A_157 : f32 to vector<4096x128xf32>
    %sub3A_159 = arith.subf %div3A_156, %sub3A_158 : vector<4096x128xf32>
    %mul3A_160 = arith.mulf %div3A_156, %logistic3A_142 : vector<4096x128xf32>
    %mul3A_161 = arith.mulf %div3A_156, %add3A_26 : vector<4096x128xf32>
    %mul3A_162 = arith.mulf %mul3A_146, %add3A_58 : vector<4096x128xf32>
    %mul3A_163 = arith.mulf %mul3A_147, %add3A_90 : vector<4096x128xf32>
    %add3A_164 = arith.addf %mul3A_162, %mul3A_163 : vector<4096x128xf32>
    %mul3A_165 = arith.mulf %mul3A_148, %add3A_122 : vector<4096x128xf32>
    %add3A_166 = arith.addf %add3A_164, %mul3A_165 : vector<4096x128xf32>
    %mul3A_167 = arith.mulf %mul3A_160, %add3A_166 : vector<4096x128xf32>
    %add3A_168 = arith.addf %mul3A_161, %mul3A_167 : vector<4096x128xf32>
    %mul3A_169 = arith.mulf %mul3A_146, %mul3A_160 : vector<4096x128xf32>
    %mul3A_170 = arith.mulf %mul3A_169, %add3A_26 : vector<4096x128xf32>
    %mul3A_171 = arith.mulf %mul3A_146, %mul3A_146 : vector<4096x128xf32>
    %mul3A_172 = arith.mulf %mul3A_171, %sub3A_159 : vector<4096x128xf32>
    %add3A_173 = arith.constant 1.000000e+00 : f32
    %add3A_174 = vector.broadcast %add3A_173 : f32 to vector<4096x128xf32>
    %add3A_175 = arith.addf %add3A_174, %mul3A_172 : vector<4096x128xf32>
    %mul3A_176 = arith.mulf %add3A_175, %add3A_58 : vector<4096x128xf32>
    %add3A_177 = arith.addf %mul3A_170, %mul3A_176 : vector<4096x128xf32>
    %mul3A_178 = arith.mulf %mul3A_146, %mul3A_147 : vector<4096x128xf32>
    %mul3A_179 = arith.mulf %mul3A_178, %sub3A_159 : vector<4096x128xf32>
    %mul3A_180 = arith.mulf %mul3A_179, %add3A_90 : vector<4096x128xf32>
    %add3A_181 = arith.addf %add3A_177, %mul3A_180 : vector<4096x128xf32>
    %mul3A_182 = arith.mulf %mul3A_146, %mul3A_148 : vector<4096x128xf32>
    %mul3A_183 = arith.mulf %mul3A_182, %sub3A_159 : vector<4096x128xf32>
    %mul3A_184 = arith.mulf %mul3A_183, %add3A_122 : vector<4096x128xf32>
    %add3A_185 = arith.addf %add3A_181, %mul3A_184 : vector<4096x128xf32>
    %mul3A_186 = arith.mulf %mul3A_147, %mul3A_160 : vector<4096x128xf32>
    %mul3A_187 = arith.mulf %mul3A_186, %add3A_26 : vector<4096x128xf32>
    %mul3A_188 = arith.mulf %mul3A_146, %mul3A_147 : vector<4096x128xf32>
    %mul3A_189 = arith.mulf %mul3A_188, %sub3A_159 : vector<4096x128xf32>
    %mul3A_190 = arith.mulf %mul3A_189, %add3A_58 : vector<4096x128xf32>
    %add3A_191 = arith.addf %mul3A_187, %mul3A_190 : vector<4096x128xf32>
    %mul3A_192 = arith.mulf %mul3A_147, %mul3A_147 : vector<4096x128xf32>
    %mul3A_193 = arith.mulf %mul3A_192, %sub3A_159 : vector<4096x128xf32>
    %add3A_194 = arith.constant 1.000000e+00 : f32
    %add3A_195 = vector.broadcast %add3A_194 : f32 to vector<4096x128xf32>
    %add3A_196 = arith.addf %add3A_195, %mul3A_193 : vector<4096x128xf32>
    %mul3A_197 = arith.mulf %add3A_196, %add3A_90 : vector<4096x128xf32>
    %add3A_198 = arith.addf %add3A_191, %mul3A_197 : vector<4096x128xf32>
    %mul3A_199 = arith.mulf %mul3A_148, %mul3A_147 : vector<4096x128xf32>
    %mul3A_200 = arith.mulf %mul3A_199, %sub3A_159 : vector<4096x128xf32>
    %mul3A_201 = arith.mulf %mul3A_200, %add3A_122 : vector<4096x128xf32>
    %add3A_202 = arith.addf %add3A_198, %mul3A_201 : vector<4096x128xf32>
    %mul3A_203 = arith.mulf %mul3A_148, %mul3A_160 : vector<4096x128xf32>
    %mul3A_204 = arith.mulf %mul3A_203, %add3A_26 : vector<4096x128xf32>
    %mul3A_205 = arith.mulf %mul3A_146, %mul3A_148 : vector<4096x128xf32>
    %mul3A_206 = arith.mulf %mul3A_205, %sub3A_159 : vector<4096x128xf32>
    %mul3A_207 = arith.mulf %mul3A_206, %add3A_58 : vector<4096x128xf32>
    %add3A_208 = arith.addf %mul3A_204, %mul3A_207 : vector<4096x128xf32>
    %mul3A_209 = arith.mulf %mul3A_147, %mul3A_148 : vector<4096x128xf32>
    %mul3A_210 = arith.mulf %mul3A_209, %sub3A_159 : vector<4096x128xf32>
    %mul3A_211 = arith.mulf %mul3A_210, %add3A_90 : vector<4096x128xf32>
    %add3A_212 = arith.addf %add3A_208, %mul3A_211 : vector<4096x128xf32>
    %mul3A_213 = arith.mulf %mul3A_148, %mul3A_148 : vector<4096x128xf32>
    %mul3A_214 = arith.mulf %mul3A_213, %sub3A_159 : vector<4096x128xf32>
    %add3A_215 = arith.constant 1.000000e+00 : f32
    %add3A_216 = vector.broadcast %add3A_215 : f32 to vector<4096x128xf32>
    %add3A_217 = arith.addf %add3A_216, %mul3A_214 : vector<4096x128xf32>
    %mul3A_218 = arith.mulf %add3A_217, %add3A_122 : vector<4096x128xf32>
    %add3A_219 = arith.addf %add3A_212, %mul3A_218 : vector<4096x128xf32>
    %get3A_220 = arith.constant 0 : index
    %get3A_221 = arith.constant 0 : index
    %get3A_222 = vector.load %arg5[%get3A_220, %get3A_221] : memref<4096x128xf32, #tpu.memory_space<vmem>>, vector<4096x128xf32>
    %mul3A_223 = arith.mulf %add3A_185, %get3A_222 : vector<4096x128xf32>
    %reduce_sum3A_224 = arith.constant dense<0.000000e+00> : vector<4096xf32>
    %reduce_sum3A_225 = vector.multi_reduction <add>, %mul3A_223, %reduce_sum3A_224 [1] : vector<4096x128xf32> to vector<4096xf32>
    %swap3A = arith.constant 0 : index
    %swap3A_226 = vector.load %arg13[%swap3A] : memref<4096xf32, #tpu.memory_space<vmem>>, vector<4096xf32>
    tpu.vector_store %arg13[%swap3A], %reduce_sum3A_225 {strides = array<i32>} : memref<4096xf32, #tpu.memory_space<vmem>>, vector<4096xf32>,
    %get3A_227 = arith.constant 0 : index
    %get3A_228 = arith.constant 0 : index
    %get3A_229 = vector.load %arg6[%get3A_227, %get3A_228] : memref<4096x128xf32, #tpu.memory_space<vmem>>, vector<4096x128xf32>
    %mul3A_230 = arith.mulf %add3A_202, %get3A_229 : vector<4096x128xf32>
    %reduce_sum3A_231 = arith.constant dense<0.000000e+00> : vector<4096xf32>
    %reduce_sum3A_232 = vector.multi_reduction <add>, %mul3A_230, %reduce_sum3A_231 [1] : vector<4096x128xf32> to vector<4096xf32>
    %swap3A_233 = arith.constant 0 : index
    %swap3A_234 = vector.load %arg14[%swap3A_233] : memref<4096xf32, #tpu.memory_space<vmem>>, vector<4096xf32>
    tpu.vector_store %arg14[%swap3A_233], %reduce_sum3A_232 {strides = array<i32>} : memref<4096xf32, #tpu.memory_space<vmem>>, vector<4096xf32>,
    %get3A_235 = arith.constant 0 : index
    %get3A_236 = arith.constant 0 : index
    %get3A_237 = vector.load %arg7[%get3A_235, %get3A_236] : memref<4096x128xf32, #tpu.memory_space<vmem>>, vector<4096x128xf32>
    %mul3A_238 = arith.mulf %add3A_219, %get3A_237 : vector<4096x128xf32>
    %reduce_sum3A_239 = arith.constant dense<0.000000e+00> : vector<4096xf32>
    %reduce_sum3A_240 = vector.multi_reduction <add>, %mul3A_238, %reduce_sum3A_239 [1] : vector<4096x128xf32> to vector<4096xf32>
    %swap3A_241 = arith.constant 0 : index
    %swap3A_242 = vector.load %arg15[%swap3A_241] : memref<4096xf32, #tpu.memory_space<vmem>>, vector<4096xf32>
    tpu.vector_store %arg15[%swap3A_241], %reduce_sum3A_240 {strides = array<i32>} : memref<4096xf32, #tpu.memory_space<vmem>>, vector<4096xf32>,
    %get3A_243 = arith.constant 0 : index
    %get3A_244 = arith.constant 0 : index
    %get3A_245 = vector.load %arg1[%get3A_243, %get3A_244] : memref<4104x128xf32, #tpu.memory_space<vmem>>, vector<4096x128xf32>
    %mul3A_246 = arith.mulf %add3A_168, %get3A_245 : vector<4096x128xf32>
    %reduce_sum3A_247 = arith.constant dense<0.000000e+00> : vector<4096xf32>
    %reduce_sum3A_248 = vector.multi_reduction <add>, %mul3A_246, %reduce_sum3A_247 [1] : vector<4096x128xf32> to vector<4096xf32>
    %swap3A_249 = arith.constant 0 : index
    %swap3A_250 = vector.load %arg16[%swap3A_249] : memref<4096xf32, #tpu.memory_space<vmem>>, vector<4096xf32>
    tpu.vector_store %arg16[%swap3A_249], %reduce_sum3A_248 {strides = array<i32>} : memref<4096xf32, #tpu.memory_space<vmem>>, vector<4096xf32>,
    return
  }
}

</mosaic_0001>

<sc_bundles>
// kernel: gather_offload_async_start
scs
__scs_entry_jumppad:
0x0: {  	(pc) =	sbr.rel $0x88, $3  }
0x1: {  	(tag) =	ssettag $0x0;
	lr =	simm.s32 $0x1  }
0x2: {  	[smem:$0x3F93] =	sst lr;
	_ =	strace $0xD0000000  }
0x3: {  	_ = 	snop  }
0x4: {  	_ = 	snop  }
0x5: {  	_ = 	snop  }
0x6: {  	_ = 	snop  }
0x7: {  	_ = 	snop  }
__scs_overlays_trampoline_lowered:
0x8: {  	[smem:$0x3FA2] =	sst s0  }
0x9: {  	[smem:$0x3FA3] =	sst s1  }
0xa: {  	[smem:$0x3FA4] =	sst s2  }
0xb: {  	[smem:$0x3FA5] =	sst s3  }
0xc: {  	[smem:$0x3FA6] =	sst s4  }
0xd: {  	[smem:$0x3FA7] =	sst s5  }
0xe: {  	[smem:$0x3FA8] =	sst s6  }
0xf: {  	[smem:$0x3FA9] =	sst s7  }
0x10: {  	[smem:$0x3FAA] =	sst s8  }
0x11: {  	[smem:$0x3FAB] =	sst s9;
	s0 =	simm.s32 @!p0 $0x0  }
0x12: {  	s1 =	sld [smem:$0x3F91];
	s0 =	simm.s32 @p0 $0x1  }
0x13: {  	[smem:$0x3FAC] =	sst s0;
	s0 =	simm.s32 @!p1 $0x0  }
0x14: {  	s2 =	sld [smem:$0x3F90];
	s0 =	simm.s32 @p1 $0x1  }
0x15: {  	[smem:$0x3FAD] =	sst s0;
	s0 =	simm.s32 @!p2 $0x0  }
0x16: {  	s3 =	sld [smem:$0x3FDB];
	s0 =	simm.s32 @p2 $0x1  }
0x17: {  	s4 =	simm.s32 $0x1BF5;
	[smem:$0x3FAF] =	sst s0  }
0x18: {  	s0 =	sld [smem:$0x3F92];
	_ =	swait.ge [sflag:s4], $0x0  }
0x19: {  	s7 =	sld [smem:$0x3F93]  }
0x1a: {  	s8 =	sadd.s32 $0xFFFFE003, lr  }
0x1b: {  	s9 =	sadd.s32 $0xFFFFFEF7, lr;
	s5 =	simm.s32 $0xFFFFFFFF;
	p2 =	slt.u32 s8, $0xFFFFF086  }
0x1c: {  	p1 =	slt.u32 s9, $0xF7A;
	s5 =	simm.s32 @!p2 $0x0  }
0x1d: {  	s5 =	simm.s32 @p1 $0x1;
	p0 =	seq.s32 s7, s2  }
0x1e: {  	s7 =	smul.u32 @!p0 $0xF7A, s2;
	p2 =	seq.s32 @!p0 s5, $0x0  }
0x1f: {  	s9 =	smul.u32 $0xF7A, s1;
	s8 =	simm.s32 @!p0 $0x1BF5;
	p2 =	por !p2, p0  }
0x20: {  	[sflag:s8] =	ssyncset.s32 @!p0 $0xFFFFF086;
	s6 =	sadd.s32 @!p0 s3, s7;
	s7 =	simm.s32 @!p0 $0x108  }
0x21: {  	s3 =	sadd.s32 s3, s9;
	s6 =	sadd.s32 @!p0 $0x88, s6;
	s7 =	simm.s32 @p2 $0x1082  }
0x22: {  	[simem:s7], [sflag:s8] =	dma.local @!p0 [hbm:s6], $0xF7A  }
0x23: {  	s9 =	sor.u32 $0xD0000000, s2;
	s6 =	simm.s32 $0x108;
	_ =	swait.ge @!p0 [sflag:s8], $0x0  }
0x24: {  	s3 =	sadd.s32 $0x88, s3;
	s6 =	simm.s32 @!p1 $0x1082;
	[sflag:s4] =	ssyncset.s32 $0xFFFFF086  }
0x25: {  	[simem:s6], [sflag:s4] =	dma.local [hbm:s3], $0xF7A  }
0x26: {  	[smem:$0x3F93] =	sst s1;
	(tag) =	ssettag s2;
	_ =	strace s9  }
0x27: {  	s1 =	sld [smem:$0x3FA3]  }
0x28: {  	s2 =	sld [smem:$0x3FA4]  }
0x29: {  	s4 =	sld [smem:$0x3FA6]  }
0x2a: {  	p0 =	seq.s32 s5, $0x0;
	s5 =	sld [smem:$0x3FA7]  }
0x2b: {  	s6 =	sld [smem:$0x3FA8]  }
0x2c: {  	s7 =	sld [smem:$0x3FA9]  }
0x2d: {  	s3 =	simm.s32 $0x108;
	s8 =	sld [smem:$0x3FAA]  }
0x2e: {  	s3 =	simm.s32 @!p0 $0x1082;
	s9 =	sld [smem:$0x3FAB]  }
0x2f: {  	lr =	sadd.s32 s0, s3;
	s0 =	sld [smem:$0x3FA2]  }
0x30: {  	s3 =	sld [smem:$0x3FA5]  }
0x31: {  	[smem:$0x3FAE] =	sst s10  }
0x32: {  	s10 =	sld [smem:$0x3FAC];
	_ =	sdelay $0x3  }
0x33: {  	p0 =	seq.s32 s10, $0x1;
	s10 =	sld [smem:$0x3FAE];
	_ =	sdelay $0x3  }
0x34: {  	[smem:$0x3FAE] =	sst s10  }
0x35: {  	s10 =	sld [smem:$0x3FAD];
	_ =	sdelay $0x3  }
0x36: {  	p1 =	seq.s32 s10, $0x1;
	s10 =	sld [smem:$0x3FAE];
	_ =	sdelay $0x3  }
0x37: {  	[smem:$0x3FAE] =	sst s10  }
0x38: {  	s10 =	sld [smem:$0x3FAF]  }
0x39: {  	_ = 	snop;
	(pc) =	sbr.ind lr, $3  }
0x3a: {  	_ = 	snop  }
0x3b: {  	_ = 	snop  }
0x3c: {  	p2 =	seq.s32 s10, $0x1;
	s10 =	sld [smem:$0x3FAE]  }
0x3d: {  	_ =	shalt  }
0x3e: {  	_ =	shalt  }
0x3f: {  	_ =	shalt  }
0x40: {  	_ =	shalt  }
0x41: {  	_ =	shalt  }
0x42: {  	_ =	shalt  }
0x43: {  	_ =	shalt  }
0x44: {  	_ =	shalt  }
0x45: {  	_ =	shalt  }
0x46: {  	_ =	shalt  }
0x47: {  	_ =	shalt  }
0x48: {  	_ =	shalt  }
0x49: {  	_ =	shalt  }
0x4a: {  	_ =	shalt  }
0x4b: {  	_ =	shalt  }
0x4c: {  	_ =	shalt  }
0x4d: {  	_ =	shalt  }
0x4e: {  	_ =	shalt  }
0x4f: {  	_ =	shalt  }
0x50: {  	_ =	shalt  }
0x51: {  	_ =	shalt  }
0x52: {  	_ =	shalt  }
0x53: {  	_ =	shalt  }
0x54: {  	_ =	shalt  }
0x55: {  	_ =	shalt  }
0x56: {  	_ =	shalt  }
0x57: {  	_ =	shalt  }
0x58: {  	_ =	shalt  }
0x59: {  	_ =	shalt  }
0x5a: {  	_ =	shalt  }
0x5b: {  	_ =	shalt  }
0x5c: {  	_ =	shalt  }
0x5d: {  	_ =	shalt  }
0x5e: {  	_ =	shalt  }
0x5f: {  	_ =	shalt  }
0x60: {  	_ =	shalt  }
0x61: {  	_ =	shalt  }
0x62: {  	_ =	shalt  }
0x63: {  	_ =	shalt  }
0x64: {  	_ =	shalt  }
0x65: {  	_ =	shalt  }
0x66: {  	_ =	shalt  }
0x67: {  	_ =	shalt  }
0x68: {  	_ =	shalt  }
0x69: {  	_ =	shalt  }
0x6a: {  	_ =	shalt  }
0x6b: {  	_ =	shalt  }
0x6c: {  	_ =	shalt  }
0x6d: {  	_ =	shalt  }
0x6e: {  	_ =	shalt  }
0x6f: {  	_ =	shalt  }
0x70: {  	_ =	shalt  }
0x71: {  	_ =	shalt  }
0x72: {  	_ =	shalt  }
0x73: {  	_ =	shalt  }
0x74: {  	_ =	shalt  }
0x75: {  	_ =	shalt  }
0x76: {  	_ =	shalt  }
0x77: {  	_ =	shalt  }
0x78: {  	_ =	shalt  }
0x79: {  	_ =	shalt  }
0x7a: {  	_ =	shalt  }
0x7b: {  	_ =	shalt  }
0x7c: {  	_ =	shalt  }
0x7d: {  	_ =	shalt  }
0x7e: {  	_ =	shalt  }
0x7f: {  	_ =	shalt  }
0x80: {  	_ =	shalt  }
0x81: {  	_ =	shalt  }
0x82: {  	_ =	shalt  }
0x83: {  	_ =	shalt  }
0x84: {  	_ =	shalt  }
0x85: {  	_ =	shalt  }
0x86: {  	_ =	shalt  }
0x87: {  	_ =	shalt  }
.Lfunc_end0:
.L_simem_size_0:
called_computation_lowered:
.L_overlay_start_0:
0x88: {  	s2 =	sld [smem:$0x3FD9]  }
0x89: {  	s3 =	sld [smem:$0x3FFE];
	_ =	sdelay $0x1  }
0x8a: {  	s1 =	srdreg.scid  }
0x8b: {  	s0 =	sand.u32 $0x1, s1  }
0x8c: {  	s14 =	sshll.u32 s0, $0xA;
	s2 =	sadd.s32 s3, s2  }
0x8d: {  	s2 =	sadd.s32 s2, s14  }
0x8e: {  	[smem:$0x3FBA] =	sst s2  }
0x8f: {  	_ = 	snop  }
0x90: {  	s2 =	sld [smem:$0x3FD0];
	_ =	sdelay $0x2  }
0x91: {  	s15 =	simm.s32 $0xA;
	s4 =	simm.s32 $0x10  }
0x92: {  	[smem:s4], [sflag:s15] =	dma.local [hbm:s2], $0x1  }
0x93: {  	_ =	swait.eq [sflag:s15], $0x1  }
0x94: {  	[sflag:s15] =	ssyncset.done $0x0  }
0x95: {  	[sflag:s15] =	ssyncadd.s32 $0xFFFFFFFF  }
0x96: {  	s16 =	sld [smem:$0x10];
	(tm) =	ssettm $0x1  }
0x97: {  	s17 =	sld [smem:$0x3FFB];
	_ =	sdelay $0x3  }
0x98: {  	_ =	strace s17  }
0x99: {  	s3 =	sld [smem:$0x3FFC];
	_ =	sdelay $0x3  }
0x9a: {  	_ =	strace s3  }
0x9b: {  	s3 =	sld [smem:$0x3FFD];
	_ =	sdelay $0x3  }
0x9c: {  	_ =	strace s3  }
0x9d: {  	_ =	strace $0x8FFFFFFF  }
0x9e: {  	s18 =	sld [smem:$0x3FDB];
	_ =	sdelay $0x1  }
0x9f: {  	s19 =	simm.s32 $_scs_section_size  }
0xa0: {  	s5 =	simm.s32 $_size__tile_overlayer_lowered;
	s6 =	simm.s32 $_tile_overlayer_lowered  }
0xa1: {  	s22 =	simm.s32 $0x1BFF;
	s21 =	sshll.u32 s6, $0x1;
	s3 =	sadd.s32 s19, s18  }
0xa2: {  	s7 =	simm.s32 $0x0;
	s20 =	sshll.u32 s5, $0x1;
	s5 =	sadd.s32 s21, s3  }
0xa3: {  	[timem:s7], [sflag:s22] =	dma.local [hbm:s5], s20  }
0xa4: {  	_ =	swait.ge [sflag:s22], s20  }
0xa5: {  	s4 =	ssub.s32 $0x0, s20;
	[sflag:s22] =	ssyncset.done $0x0  }
0xa6: {  	[sflag:s22] =	ssyncadd.s32 s4;
	_ =	sdelay $0x1  }
0xa7: {  	s23 =	simm.s32 $0x1B8B  }
0xa8: {  	_ =	swait.ge [sflag:s23], $0x1  }
0xa9: {  	[sflag:s23] =	ssyncset.done $0x0  }
0xaa: {  	s25 =	simm.s32 $0x1B8E;
	s24 =	sld [smem:$0x3FFE];
	[sflag:s23] =	ssyncadd.s32 $0xFFFFFFFF  }
0xab: {  	s26 =	simm.s32 $execute0_lowered;
	[smem:$0x3FD2] =	sst s25  }
0xac: {  	s5 =	sshll.u32 s26, $0x1;
	_ =	strace $0x80000049;
	[dreg:$0x1] =	wrdreg $0xFFFFFFFF  }
0xad: {  	s28 =	simm.s32 $_size_execute0_lowered;
	s3 =	sadd.s32 s3, s5;
	[dreg:$0x0] =	wrdreg $0x0  }
0xae: {  	s5 =	sshll.u32 s28, $0x1;
	[dreg:$0x2] =	wrdreg s3  }
0xaf: {  	[dreg:$0x3] =	wrdreg s5  }
0xb0: {  	[dreg:$0x4] =	wrdreg $0xC0  }
0xb1: {  	_ =	task [dreg:s7], $0x5FFFF  }
0xb2: {  	[dreg:$0x1] =	wrdreg $0xFFFFFFFF  }
0xb3: {  	[dreg:$0x0] =	wrdreg $0x60  }
0xb4: {  	[dreg:$0x2] =	wrdreg s24  }
0xb5: {  	[dreg:$0x3] =	wrdreg s16  }
0xb6: {  	[dreg:$0x4] =	wrdreg $0x9  }
0xb7: {  	_ =	task.clear_ibuf [dreg:s7], $0x5FFFF;
	_ =	strace $0x90000049  }
0xb8: {  	s29 =	simm.s32 $0x9;
	_ =	strace $0x8000004B  }
0xb9: {  	_ =	swait.ge [sflag:s29], $0x1  }
0xba: {  	[sflag:s29] =	ssyncadd.s32 $0xFFFFFFFF  }
0xbb: {  	_ =	strace $0x9000004B  }
0xbc: {  	_ =	sfence  }
0xbd: {  	s30 =	sld [smem:$0x0];
	_ =	sdelay $0x2  }
0xbe: {  	s31 =	sshll.u32 s1, $0xD;
	s1 =	sshrl.u32 s1, $0x2  }
0xbf: {  	s3 =	sand.u32 $0x4000, s31;
	s1 =	sadd.s32 s1, s30  }
0xc0: {  	s0 =	sor.u32 s3, s0;
	s1 =	sshll.u32 s1, $0x11  }
0xc1: {  	s0 =	sor.u32 s1, s0  }
0xc2: {  	s0 =	sadd.s32 $0x8F2B, s0  }
0xc3: {  	[sflag:s0] =	ssyncadd.remote.s32 $0x1  }
0xc4: {  	_ =	sfence.sel $0xFFFF  }
0xc5: {  	[dreg:$0x0] =	wrdreg $0xFFFFFFFF;
	(pc) =	sbr.abs _section_cstart, $3  }
0xc6: {  	[dreg:$0x1] =	wrdreg $0xFFFFFFFF  }
0xc7: {  	_ =	task.clear_ibuf [dreg:s7], $0x2FFFF;
	_ =	strace $0x9FFFFFFF  }
0xc8: {  	(tm) =	ssettm $0x7FFFFFFF  }
0xc9: {  	_ =	shalt  }
tec
execute0_lowered:
.L_overlay_start_1:
0x0: {  	(tag) =	ssettag $0x1  }
0x1: {  	s2 =	rddreg [dreg:$0x0]  }
0x2: {  	s3 =	rddreg [dreg:$0x1]  }
0x3: {  	s0 =	rddreg [dreg:$0x2];
	s1 =	srdreg.scid;
	_ =	strace $0x8000004A  }
0x4: {  	s4 =	simm.s32 $0x1;
	s9 =	simm.s32 $0x3;
	s5 =	sshll.u32 s1, $0x4  }
.Ltmp0:
0x5: {  	s1 =	stileid.u32;
	s5 =	sand.u32 $0x10, s5;
	(pc) =	sbr.rel .LBB2_1-.Ltmp0, $4  }
0x6: {  	s12 =	simm.s32 $0x0;
	s10 =	simm.s32 $0x0;
	s6 =	sor.u32 s1, s5  }
0x7: {  	[sflag:s4] =	ssyncpa.u1 $0x0;
	s5 =	simm.s32 $0x2;
	s6 =	sshll.u32 s6, $0x7  }
0x8: {  	s7 =	sadd.s32 $0x10000, s2;
	[sflag:s5] =	ssyncpa.u1 $0x0;
	s8 =	sadd.s32 $0x80, s6  }
0x9: {  	vm0 =	vmmov $0xff;
	vm1 =	vcmask $0x3F20;
	[sflag:s9] =	ssyncpa.u1 $0x0;
	s9 =	simm.s32 $0x80;
	s11 =	smov.u32 s6  }
.LBB2_9:
0xa: {  	p0 =	seq.s32 s10, $0x2  }
.Ltmp1:
0xb: {  	_ = 	snop;
	(pc) =	sbr.rel @p0 .LBB2_11-.Ltmp1, $1  }
0xc: {  	_ =	sdelay $0x3  }
.LBB2_10:
0xd: {  	s12 =	sadd.s32 $0x80, s11  }
0xe: {  	s13 =	smov.u32 s6;
	p0 =	slt.s32 s12, s8  }
0xf: {  	s13 =	smov.u32 @p0 s12  }
0x10: {  	s10 =	sadd.s32 $0x1, s10;
	s12 =	smov.u32 s11;
	s11 =	smov.u32 s13  }
.LBB2_1:
0x11: {  	p0 =	sne.s32 s10, $0x0  }
.Ltmp2:
0x12: {  	_ = 	snop;
	(pc) =	sbr.rel @!p0 .LBB2_2-.Ltmp2, $1  }
0x13: {  	_ =	sdelay $0x3  }
0x14: {  	s13 =	sand.u32 $0x1, s10  }
0x15: {  	p0 =	seq.s32 s13, $0x0  }
.Ltmp3:
0x16: {  	_ = 	snop;
	(pc) =	sbr.rel @p0 .LBB2_9-.Ltmp3, $1  }
0x17: {  	_ =	sdelay $0x3  }
0x18: {  	_ =	swait.ge [sflag:s5], $0x80  }
0x19: {  	[sflag:s5] =	ssyncset.done $0x0  }
0x1a: {  	s13 =	simm.s32 $0x0;
	[sflag:s5] =	ssyncadd.s32 $0xFFFFFF80  }
0x1b: {  	v0 =	vld.msk [tilespmem:s13+$0x80 ss:$0x1], $0xffff;
	_ =	sdelay $0x4  }
0x1c: {  	vm2 =	vgt.s32 v0, $0x0  }
0x1d: {  	v0 =	vnsel vm2, $0x0, v0  }
0x1e: {  	v0 =	vmin.u32 v0, $0xFFF  }
0x1f: {  	v0 =	vshll.u32 v0, $0x4;
	_ =	sdelay $0x3  }
0x20: {  	s13 =	simm.s32 $0x4100  }
0x21: {  	[tilespmem:s13], [sflag:$0x1] =	stream.indirect_vreg.gather [hbm:s2], $0x80, v0, vm0, $0x38;
	[tilespmem:$0x8100] =	vst v63  }
0x22: {  	s14 =	simm.s32 $0x4500;
	s31 =	simm.s32 $0x10  }
0x23: {  	[tilespmem:s14], [sflag:$0x1] =	stream.indirect_vreg.gather [hbm:s2], $0x80, v0, vm1, $0x38;
	[tilespmem:$0x8100] =	vst v63  }
0x24: {  	s14 =	simm.s32 $0x80;
	v0 =	vld.msk [tilespmem:s31+$0x80 ss:$0x1], $0xffff  }
.LBB2_5:
0x25: {  	p0 =	sne.s32 s14, $0x1C0;
	_ =	sdelay $0x4  }
0x26: {  	vm2 =	vgt.s32 v0, $0x0  }
0x27: {  	v0 =	vnsel vm2, $0x0, v0  }
0x28: {  	v0 =	vmin.u32 v0, $0xFFF  }
0x29: {  	v0 =	vshll.u32 v0, $0x4;
	_ =	sdelay $0x3  }
.Ltmp4:
0x2a: {  	s13 =	sadd.s32 $0x800, s13;
	(pc) =	sbr.rel @p0 .LBB2_5-.Ltmp4, $4  }
0x2b: {  	[tilespmem:s13], [sflag:$0x1] =	stream.indirect_vreg.gather [hbm:s2], $0x80, v0, vm0, $0x38;
	[tilespmem:$0x8100] =	vst v63  }
0x2c: {  	s15 =	sshra.s32 s14, $0x2;
	s16 =	sadd.s32 $0x400, s13  }
0x2d: {  	[tilespmem:s16], [sflag:$0x1] =	stream.indirect_vreg.gather [hbm:s2], $0x80, v0, vm1, $0x38;
	[tilespmem:$0x8100] =	vst v63  }
0x2e: {  	s14 =	sadd.s32 $0x40, s14;
	v0 =	vld.msk [tilespmem:s15+$0x80 ss:$0x1], $0xffff  }
0x2f: {  	_ =	sdelay $0x3  }
0x30: {  	vm2 =	vgt.s32 v0, $0x0  }
0x31: {  	v0 =	vnsel vm2, $0x0, v0  }
0x32: {  	v0 =	vmin.u32 v0, $0xFFF  }
0x33: {  	v0 =	vshll.u32 v0, $0x4;
	_ =	sdelay $0x3  }
0x34: {  	s13 =	sadd.s32 $0x800, s13  }
0x35: {  	[tilespmem:s13], [sflag:$0x1] =	stream.indirect_vreg.gather [hbm:s2], $0x80, v0, vm0, $0x38;
	[tilespmem:$0x8100] =	vst v63  }
0x36: {  	s13 =	sadd.s32 $0x400, s13  }
0x37: {  	[tilespmem:s13], [sflag:$0x1] =	stream.indirect_vreg.gather [hbm:s2], $0x80, v0, vm1, $0x38;
	[tilespmem:$0x8100] =	vst v63  }
0x38: {  	s12 =	sshll.u32 s12, $0x4;
	s14 =	simm.s32 $0x80;
	_ =	swait.ge [sflag:s4], $0x4000  }
0x39: {  	s15 =	simm.s32 $0x4500;
	s12 =	sadd.s32 s12, s7;
	[sflag:s4] =	ssyncset.done $0x0  }
0x3a: {  	s16 =	sadd.s32 $0x0, s12;
	s13 =	simm.s32 $0x4100;
	[sflag:s4] =	ssyncadd.s32 $0xFFFFC000  }
.LBB2_7:
0x3b: {  	[hbm:s16] =	stream.linear.scatter [tilespmem:s13], [sflag:$0x3], $0x400, $0x38;
	[tilespmem:$0x8100] =	vst v63  }
0x3c: {  	s16 =	smov.u32 s14;
	s13 =	smov.u32 s15;
	p0 =	sne.s32 s14, $0x780  }
.Ltmp5:
0x3d: {  	s14 =	sadd.s32 $0x80, s14;
	(pc) =	sbr.rel @p0 .LBB2_7-.Ltmp5, $2  }
0x3e: {  	_ =	sdelay $0x2  }
0x3f: {  	s15 =	sadd.s32 $0x400, s15;
	s16 =	sadd.s32 s16, s12  }
.Ltmp6:
0x40: {  	(pc) =	sbr.rel .LBB2_9-.Ltmp6, $2  }
0x41: {  	_ =	sdelay $0x2  }
0x42: {  	[hbm:s16] =	stream.linear.scatter [tilespmem:s13], [sflag:$0x3], $0x400, $0x38;
	[tilespmem:$0x8100] =	vst v63  }
.LBB2_2:
.Ltmp7:
0x43: {  	(pc) =	sbr.rel .LBB2_10-.Ltmp7, $4  }
0x44: {  	_ = 	snop  }
0x45: {  	s12 =	sshrl.u32 s11, $0x3  }
0x46: {  	s13 =	sand.u32 $0x7, s11;
	s12 =	sadd.s32 s3, s12  }
0x47: {  	[tilespmem:s9], [sflag:$0x2] =	stream.linear.gather [hbm4b:s12+s13], $0x80, $0x38;
	[tilespmem:$0x8100] =	vst v63  }
.LBB2_11:
0x48: {  	s2 =	simm.s32 $0x3  }
0x49: {  	_ =	swait.ge [sflag:s2], $0x4000  }
0x4a: {  	[sflag:s2] =	ssyncset.done $0x0  }
0x4b: {  	[sflag:s2] =	ssyncadd.s32 $0xFFFFC000  }
0x4c: {  	_ =	sfence.sel $0x180000  }
0x4d: {  	s3 =	simm.s32 $0x2;
	[bflag:$0x0] =	sbarrier.arrive $0xFFFF  }
0x4e: {  	[sflag:s3] =	ssyncpa.u1 $0x1  }
0x4f: {  	s31 =	simm.s32 $0x1;
	[sflag:s2] =	ssyncpa.u1 $0x1  }
0x50: {  	[sflag:s31] =	ssyncpa.u1 $0x1  }
0x51: {  	p0 =	sne.s32 s1, $0x0;
	_ =	strace $0x9000004A  }
0x52: {  	s0 =	sadd.s32 @!p0 $0x100000, s0;
	[bflag:$0x2] =	sbarrier.arrive $0xFFFF  }
0x53: {  	[sflag:s0] =	ssyncadd.tile.s32 @!p0 $0x1;
	_ =	shalt  }
.Lfunc_end2:
_tile_overlayer_lowered:
.L_overlay_start_2:
0x54: {  	(tag) =	ssettag $0x2  }
0x55: {  	s0 =	rddreg [dreg:$0x0];
	s2 =	stileid.u32  }
0x56: {  	s1 =	rddreg [dreg:$0x1];
	p0 =	sne.s32 s2, $0x0  }
0x57: {  	s3 =	rddreg [dreg:$0x2];
	[bflag:$0x3] =	sbarrier.arrive $0xFFFF;
	s2 =	simm.s32 @!p0 $0x1C01  }
0x58: {  	[timem:s3], [sflag:s2] =	dma.local @!p0 [hbm:s0], s1  }
0x59: {  	s0 =	simm.s32 @!p0 $0x1  }
0x5a: {  	_ =	swait.ge @!p0 [sflag:s0], s1  }
0x5b: {  	s1 =	ssub.s32 @!p0 $0x0, s1;
	[sflag:s0] =	ssyncset.done @!p0 $0x0  }
0x5c: {  	[sflag:s0] =	ssyncadd.s32 @!p0 s1  }
0x5d: {  	[bflag:$0x3] =	sbarrier.arrive $0xFFFF  }
0x5e: {  	_ =	shalt  }

// kernel: kernel.5.cloned.1.call-start
scs
__scs_entry_jumppad:
0x0: {  	(pc) =	sbr.rel $0x88, $3  }
0x1: {  	(tag) =	ssettag $0x0;
	lr =	simm.s32 $0x1  }
0x2: {  	[smem:$0x3F93] =	sst lr;
	_ =	strace $0xD0000000  }
0x3: {  	_ = 	snop  }
0x4: {  	_ = 	snop  }
0x5: {  	_ = 	snop  }
0x6: {  	_ = 	snop  }
0x7: {  	_ = 	snop  }
__scs_overlays_trampoline_lowered:
0x8: {  	[smem:$0x3FA2] =	sst s0  }
0x9: {  	[smem:$0x3FA3] =	sst s1  }
0xa: {  	[smem:$0x3FA4] =	sst s2  }
0xb: {  	[smem:$0x3FA5] =	sst s3  }
0xc: {  	[smem:$0x3FA6] =	sst s4  }
0xd: {  	[smem:$0x3FA7] =	sst s5  }
0xe: {  	[smem:$0x3FA8] =	sst s6  }
0xf: {  	[smem:$0x3FA9] =	sst s7  }
0x10: {  	[smem:$0x3FAA] =	sst s8  }
0x11: {  	[smem:$0x3FAB] =	sst s9;
	s0 =	simm.s32 @!p0 $0x0  }
0x12: {  	s1 =	sld [smem:$0x3F91];
	s0 =	simm.s32 @p0 $0x1  }
0x13: {  	[smem:$0x3FAC] =	sst s0;
	s0 =	simm.s32 @!p1 $0x0  }
0x14: {  	s2 =	sld [smem:$0x3F90];
	s0 =	simm.s32 @p1 $0x1  }
0x15: {  	[smem:$0x3FAD] =	sst s0;
	s0 =	simm.s32 @!p2 $0x0  }
0x16: {  	s3 =	sld [smem:$0x3FDB];
	s0 =	simm.s32 @p2 $0x1  }
0x17: {  	s4 =	simm.s32 $0x1BF5;
	[smem:$0x3FAF] =	sst s0  }
0x18: {  	s0 =	sld [smem:$0x3F92];
	_ =	swait.ge [sflag:s4], $0x0  }
0x19: {  	s7 =	sld [smem:$0x3F93]  }
0x1a: {  	s8 =	sadd.s32 $0xFFFFE003, lr  }
0x1b: {  	s9 =	sadd.s32 $0xFFFFFEF7, lr;
	s5 =	simm.s32 $0xFFFFFFFF;
	p2 =	slt.u32 s8, $0xFFFFF086  }
0x1c: {  	p1 =	slt.u32 s9, $0xF7A;
	s5 =	simm.s32 @!p2 $0x0  }
0x1d: {  	s5 =	simm.s32 @p1 $0x1;
	p0 =	seq.s32 s7, s2  }
0x1e: {  	s7 =	smul.u32 @!p0 $0xF7A, s2;
	p2 =	seq.s32 @!p0 s5, $0x0  }
0x1f: {  	s9 =	smul.u32 $0xF7A, s1;
	s8 =	simm.s32 @!p0 $0x1BF5;
	p2 =	por !p2, p0  }
0x20: {  	[sflag:s8] =	ssyncset.s32 @!p0 $0xFFFFF086;
	s6 =	sadd.s32 @!p0 s3, s7;
	s7 =	simm.s32 @!p0 $0x108  }
0x21: {  	s3 =	sadd.s32 s3, s9;
	s6 =	sadd.s32 @!p0 $0x88, s6;
	s7 =	simm.s32 @p2 $0x1082  }
0x22: {  	[simem:s7], [sflag:s8] =	dma.local @!p0 [hbm:s6], $0xF7A  }
0x23: {  	s9 =	sor.u32 $0xD0000000, s2;
	s6 =	simm.s32 $0x108;
	_ =	swait.ge @!p0 [sflag:s8], $0x0  }
0x24: {  	s3 =	sadd.s32 $0x88, s3;
	s6 =	simm.s32 @!p1 $0x1082;
	[sflag:s4] =	ssyncset.s32 $0xFFFFF086  }
0x25: {  	[simem:s6], [sflag:s4] =	dma.local [hbm:s3], $0xF7A  }
0x26: {  	[smem:$0x3F93] =	sst s1;
	(tag) =	ssettag s2;
	_ =	strace s9  }
0x27: {  	s1 =	sld [smem:$0x3FA3]  }
0x28: {  	s2 =	sld [smem:$0x3FA4]  }
0x29: {  	s4 =	sld [smem:$0x3FA6]  }
0x2a: {  	p0 =	seq.s32 s5, $0x0;
	s5 =	sld [smem:$0x3FA7]  }
0x2b: {  	s6 =	sld [smem:$0x3FA8]  }
0x2c: {  	s7 =	sld [smem:$0x3FA9]  }
0x2d: {  	s3 =	simm.s32 $0x108;
	s8 =	sld [smem:$0x3FAA]  }
0x2e: {  	s3 =	simm.s32 @!p0 $0x1082;
	s9 =	sld [smem:$0x3FAB]  }
0x2f: {  	lr =	sadd.s32 s0, s3;
	s0 =	sld [smem:$0x3FA2]  }
0x30: {  	s3 =	sld [smem:$0x3FA5]  }
0x31: {  	[smem:$0x3FAE] =	sst s10  }
0x32: {  	s10 =	sld [smem:$0x3FAC];
	_ =	sdelay $0x3  }
0x33: {  	p0 =	seq.s32 s10, $0x1;
	s10 =	sld [smem:$0x3FAE];
	_ =	sdelay $0x3  }
0x34: {  	[smem:$0x3FAE] =	sst s10  }
0x35: {  	s10 =	sld [smem:$0x3FAD];
	_ =	sdelay $0x3  }
0x36: {  	p1 =	seq.s32 s10, $0x1;
	s10 =	sld [smem:$0x3FAE];
	_ =	sdelay $0x3  }
0x37: {  	[smem:$0x3FAE] =	sst s10  }
0x38: {  	s10 =	sld [smem:$0x3FAF]  }
0x39: {  	_ = 	snop;
	(pc) =	sbr.ind lr, $3  }
0x3a: {  	_ = 	snop  }
0x3b: {  	_ = 	snop  }
0x3c: {  	p2 =	seq.s32 s10, $0x1;
	s10 =	sld [smem:$0x3FAE]  }
0x3d: {  	_ =	shalt  }
0x3e: {  	_ =	shalt  }
0x3f: {  	_ =	shalt  }
0x40: {  	_ =	shalt  }
0x41: {  	_ =	shalt  }
0x42: {  	_ =	shalt  }
0x43: {  	_ =	shalt  }
0x44: {  	_ =	shalt  }
0x45: {  	_ =	shalt  }
0x46: {  	_ =	shalt  }
0x47: {  	_ =	shalt  }
0x48: {  	_ =	shalt  }
0x49: {  	_ =	shalt  }
0x4a: {  	_ =	shalt  }
0x4b: {  	_ =	shalt  }
0x4c: {  	_ =	shalt  }
0x4d: {  	_ =	shalt  }
0x4e: {  	_ =	shalt  }
0x4f: {  	_ =	shalt  }
0x50: {  	_ =	shalt  }
0x51: {  	_ =	shalt  }
0x52: {  	_ =	shalt  }
0x53: {  	_ =	shalt  }
0x54: {  	_ =	shalt  }
0x55: {  	_ =	shalt  }
0x56: {  	_ =	shalt  }
0x57: {  	_ =	shalt  }
0x58: {  	_ =	shalt  }
0x59: {  	_ =	shalt  }
0x5a: {  	_ =	shalt  }
0x5b: {  	_ =	shalt  }
0x5c: {  	_ =	shalt  }
0x5d: {  	_ =	shalt  }
0x5e: {  	_ =	shalt  }
0x5f: {  	_ =	shalt  }
0x60: {  	_ =	shalt  }
0x61: {  	_ =	shalt  }
0x62: {  	_ =	shalt  }
0x63: {  	_ =	shalt  }
0x64: {  	_ =	shalt  }
0x65: {  	_ =	shalt  }
0x66: {  	_ =	shalt  }
0x67: {  	_ =	shalt  }
0x68: {  	_ =	shalt  }
0x69: {  	_ =	shalt  }
0x6a: {  	_ =	shalt  }
0x6b: {  	_ =	shalt  }
0x6c: {  	_ =	shalt  }
0x6d: {  	_ =	shalt  }
0x6e: {  	_ =	shalt  }
0x6f: {  	_ =	shalt  }
0x70: {  	_ =	shalt  }
0x71: {  	_ =	shalt  }
0x72: {  	_ =	shalt  }
0x73: {  	_ =	shalt  }
0x74: {  	_ =	shalt  }
0x75: {  	_ =	shalt  }
0x76: {  	_ =	shalt  }
0x77: {  	_ =	shalt  }
0x78: {  	_ =	shalt  }
0x79: {  	_ =	shalt  }
0x7a: {  	_ =	shalt  }
0x7b: {  	_ =	shalt  }
0x7c: {  	_ =	shalt  }
0x7d: {  	_ =	shalt  }
0x7e: {  	_ =	shalt  }
0x7f: {  	_ =	shalt  }
0x80: {  	_ =	shalt  }
0x81: {  	_ =	shalt  }
0x82: {  	_ =	shalt  }
0x83: {  	_ =	shalt  }
0x84: {  	_ =	shalt  }
0x85: {  	_ =	shalt  }
0x86: {  	_ =	shalt  }
0x87: {  	_ =	shalt  }
.Lfunc_end0:
.L_simem_size_0:
called_computation.1_lowered:
.L_overlay_start_0:
0x88: {  	s2 =	sld [smem:$0x3FD9]  }
0x89: {  	s3 =	sld [smem:$0x3FFE];
	_ =	sdelay $0x1  }
0x8a: {  	s1 =	srdreg.scid  }
0x8b: {  	s0 =	sand.u32 $0x1, s1  }
0x8c: {  	s24 =	sshll.u32 s0, $0xA;
	s2 =	sadd.s32 s3, s2  }
0x8d: {  	s2 =	sadd.s32 s2, s24  }
0x8e: {  	[smem:$0x3FBA] =	sst s2  }
0x8f: {  	_ = 	snop  }
0x90: {  	s4 =	sld [smem:$0x3FC9]  }
0x91: {  	s3 =	sld [smem:$0x3FC8]  }
0x92: {  	s2 =	sld [smem:$0x3FC7]  }
0x93: {  	s5 =	sld [smem:$0x3FC6]  }
0x94: {  	s6 =	sld [smem:$0x3FC5]  }
0x95: {  	s7 =	sld [smem:$0x3FC4]  }
0x96: {  	s8 =	sld [smem:$0x3FC3]  }
0x97: {  	s9 =	sld [smem:$0x3FC2]  }
0x98: {  	s13 =	sld [smem:$0x3FD0]  }
0x99: {  	s10 =	sld [smem:$0x3FC1]  }
0x9a: {  	s11 =	sld [smem:$0x3FC0]  }
0x9b: {  	s14 =	simm.s32 $0xA;
	s15 =	simm.s32 $0x10;
	s12 =	sld [smem:$0x3FBF]  }
0x9c: {  	[smem:s15], [sflag:s14] =	dma.local [hbm:s13], $0x1  }
0x9d: {  	_ =	swait.eq [sflag:s14], $0x1  }
0x9e: {  	[sflag:s14] =	ssyncset.done $0x0  }
0x9f: {  	s13 =	sld [smem:$0x11];
	[sflag:s14] =	ssyncadd.s32 $0xFFFFFFFF  }
0xa0: {  	s14 =	sld [smem:$0x13];
	(tm) =	ssettm $0x1  }
0xa1: {  	s25 =	sld [smem:$0x3FFB];
	_ =	sdelay $0x3  }
0xa2: {  	_ =	strace s25  }
0xa3: {  	s15 =	sld [smem:$0x3FFC];
	_ =	sdelay $0x3  }
0xa4: {  	_ =	strace s15  }
0xa5: {  	s15 =	sld [smem:$0x3FFD];
	_ =	sdelay $0x3  }
0xa6: {  	_ =	strace s15  }
0xa7: {  	_ =	strace $0x8FFFFFFF  }
0xa8: {  	s26 =	sld [smem:$0x3FDB];
	_ =	sdelay $0x1  }
0xa9: {  	s16 =	simm.s32 $_scs_section_size  }
0xaa: {  	s17 =	simm.s32 $_size__tile_task_arg_handler_lowered;
	s18 =	simm.s32 $_tile_task_arg_handler_lowered  }
0xab: {  	s30 =	simm.s32 $0x1BFF;
	s29 =	sshll.u32 s18, $0x1;
	s16 =	sadd.s32 s16, s26  }
0xac: {  	s19 =	simm.s32 $0x60;
	s28 =	sshll.u32 s17, $0x1;
	s17 =	sadd.s32 s29, s16  }
0xad: {  	[timem:s19], [sflag:s30] =	dma.local [hbm:s17], s28  }
0xae: {  	_ =	swait.ge [sflag:s30], s28  }
0xaf: {  	s31 =	simm.s32 $_tile_overlayer_lowered;
	s15 =	ssub.s32 $0x0, s28;
	[sflag:s30] =	ssyncset.done $0x0  }
0xb0: {  	s19 =	simm.s32 $_size__tile_overlayer_lowered;
	s17 =	sshll.u32 s31, $0x1;
	[sflag:s30] =	ssyncadd.s32 s15  }
0xb1: {  	s21 =	simm.s32 $0x0;
	s20 =	sshll.u32 s19, $0x1;
	s17 =	sadd.s32 s17, s16  }
0xb2: {  	[timem:s21], [sflag:s30] =	dma.local [hbm:s17], s20  }
0xb3: {  	_ =	swait.ge [sflag:s30], s20  }
0xb4: {  	s22 =	ssub.s32 $0x0, s20;
	[sflag:s30] =	ssyncset.done $0x0  }
0xb5: {  	[sflag:s30] =	ssyncadd.s32 s22;
	_ =	sdelay $0x1  }
0xb6: {  	s23 =	simm.s32 $0x1B8B  }
0xb7: {  	_ =	swait.ge [sflag:s23], $0x1  }
0xb8: {  	[sflag:s23] =	ssyncset.done $0x0  }
0xb9: {  	s25 =	simm.s32 $0x1B8E;
	s24 =	sld [smem:$0x3FFE];
	[sflag:s23] =	ssyncadd.s32 $0xFFFFFFFF  }
0xba: {  	s26 =	simm.s32 $execute0_lowered;
	[smem:$0x3FD2] =	sst s25  }
0xbb: {  	s18 =	sshll.u32 s26, $0x1;
	_ =	strace $0x80000046;
	[dreg:$0x1] =	wrdreg $0xFFFFFFFF  }
0xbc: {  	s16 =	sadd.s32 s16, s18;
	s28 =	simm.s32 $_size_execute0_lowered;
	[dreg:$0x0] =	wrdreg $0x0  }
0xbd: {  	s18 =	sshll.u32 s28, $0x1;
	[dreg:$0x2] =	wrdreg s16  }
0xbe: {  	[dreg:$0x3] =	wrdreg s18  }
0xbf: {  	[dreg:$0x4] =	wrdreg $0xC0  }
0xc0: {  	_ =	task [dreg:s21], $0x5FFFF  }
0xc1: {  	[dreg:$0x1] =	wrdreg $0xFFFFFFFF  }
0xc2: {  	[dreg:$0x0] =	wrdreg $0x30  }
0xc3: {  	[dreg:$0x2] =	wrdreg $0x0  }
0xc4: {  	[dreg:$0x3] =	wrdreg $0x9  }
0xc5: {  	_ =	task [dreg:s21], $0x4FFFF  }
0xc6: {  	[dreg:$0x1] =	wrdreg $0xFFFFFFFF  }
0xc7: {  	[dreg:$0x0] =	wrdreg $0x60  }
0xc8: {  	[dreg:$0x2] =	wrdreg s6  }
0xc9: {  	[dreg:$0x3] =	wrdreg s7  }
0xca: {  	[dreg:$0x4] =	wrdreg s8  }
0xcb: {  	[dreg:$0x5] =	wrdreg s9  }
0xcc: {  	[dreg:$0x6] =	wrdreg s10  }
0xcd: {  	[dreg:$0x7] =	wrdreg s11  }
0xce: {  	[dreg:$0x8] =	wrdreg s12  }
0xcf: {  	[dreg:$0x9] =	wrdreg s4  }
0xd0: {  	[dreg:$0xa] =	wrdreg s5  }
0xd1: {  	[dreg:$0xb] =	wrdreg s3  }
0xd2: {  	[dreg:$0xc] =	wrdreg s14  }
0xd3: {  	[dreg:$0xd] =	wrdreg s13  }
0xd4: {  	[dreg:$0xe] =	wrdreg s2  }
0xd5: {  	[dreg:$0xf] =	wrdreg s24  }
0xd6: {  	_ =	task.clear_ibuf [dreg:s21], $0x10FFFF;
	_ =	strace $0x90000046  }
0xd7: {  	s29 =	simm.s32 $0x9;
	_ =	strace $0x80000048  }
0xd8: {  	_ =	swait.ge [sflag:s29], $0x1  }
0xd9: {  	[sflag:s29] =	ssyncadd.s32 $0xFFFFFFFF  }
0xda: {  	_ =	strace $0x90000048  }
0xdb: {  	_ =	sfence  }
0xdc: {  	s30 =	sld [smem:$0x0];
	_ =	sdelay $0x2  }
0xdd: {  	s31 =	sshll.u32 s1, $0xD;
	s1 =	sshrl.u32 s1, $0x2  }
0xde: {  	s3 =	sand.u32 $0x4000, s31;
	s1 =	sadd.s32 s1, s30  }
0xdf: {  	s0 =	sor.u32 s3, s0;
	s1 =	sshll.u32 s1, $0x11  }
0xe0: {  	s0 =	sor.u32 s1, s0  }
0xe1: {  	s0 =	sadd.s32 $0x8F2B, s0  }
0xe2: {  	[sflag:s0] =	ssyncadd.remote.s32 $0x1  }
0xe3: {  	_ =	sfence.sel $0xFFFF  }
0xe4: {  	[dreg:$0x0] =	wrdreg $0xFFFFFFFF;
	(pc) =	sbr.abs _section_cstart, $3  }
0xe5: {  	[dreg:$0x1] =	wrdreg $0xFFFFFFFF  }
0xe6: {  	_ =	task.clear_ibuf [dreg:s21], $0x2FFFF;
	_ =	strace $0x9FFFFFFF  }
0xe7: {  	(tm) =	ssettm $0x7FFFFFFF  }
tec
_tile_task_arg_handler_lowered:
.L_overlay_start_1:
0x0: {  	(tag) =	ssettag $0x1  }
0x1: {  	s0 =	rddreg [dreg:$0x0]  }
0x2: {  	s1 =	rddreg [dreg:$0x1]  }
0x3: {  	s2 =	rddreg [dreg:$0x2]  }
0x4: {  	s3 =	rddreg [dreg:$0x3]  }
0x5: {  	s4 =	rddreg [dreg:$0x4]  }
0x6: {  	s5 =	rddreg [dreg:$0x5]  }
0x7: {  	s6 =	rddreg [dreg:$0x6]  }
0x8: {  	s7 =	rddreg [dreg:$0x7]  }
0x9: {  	s8 =	rddreg [dreg:$0x8]  }
0xa: {  	s9 =	rddreg [dreg:$0x9]  }
0xb: {  	s10 =	rddreg [dreg:$0xa]  }
0xc: {  	s11 =	rddreg [dreg:$0xb]  }
0xd: {  	s12 =	rddreg [dreg:$0xc]  }
0xe: {  	s13 =	rddreg [dreg:$0xd]  }
0xf: {  	[smem:s0] =	sst s1  }
0x10: {  	[smem:s0+$0x1] =	sst s2  }
0x11: {  	[smem:s0+$0x2] =	sst s3  }
0x12: {  	[smem:s0+$0x3] =	sst s4  }
0x13: {  	[smem:s0+$0x4] =	sst s5  }
0x14: {  	[smem:s0+$0x5] =	sst s6  }
0x15: {  	[smem:s0+$0x6] =	sst s7  }
0x16: {  	[smem:s0+$0x7] =	sst s8  }
0x17: {  	[smem:s0+$0x8] =	sst s9  }
0x18: {  	[smem:s0+$0x9] =	sst s10  }
0x19: {  	[smem:s0+$0xA] =	sst s11  }
0x1a: {  	[smem:s0+$0xB] =	sst s12  }
0x1b: {  	[smem:s0+$0xC] =	sst s13;
	_ =	shalt  }
.Lfunc_end2:
execute0_lowered:
.L_overlay_start_2:
0x1c: {  	(tag) =	ssettag $0x2  }
0x1d: {  	s7 =	rddreg [dreg:$0x0]  }
0x1e: {  	s4 =	rddreg [dreg:$0x1]  }
0x1f: {  	s3 =	rddreg [dreg:$0x2]  }
0x20: {  	s21 =	rddreg [dreg:$0x3]  }
0x21: {  	s0 =	rddreg [dreg:$0x4]  }
0x22: {  	s12 =	rddreg [dreg:$0x5]  }
0x23: {  	s13 =	rddreg [dreg:$0x6]  }
0x24: {  	s14 =	rddreg [dreg:$0x7]  }
0x25: {  	s15 =	rddreg [dreg:$0x8]  }
0x26: {  	s16 =	rddreg [dreg:$0x9]  }
0x27: {  	s17 =	rddreg [dreg:$0xa]  }
0x28: {  	s18 =	rddreg [dreg:$0xb]  }
0x29: {  	s1 =	rddreg [dreg:$0xc]  }
0x2a: {  	s19 =	rddreg [dreg:$0xd]  }
0x2b: {  	[dreg:$0xe] =	wrdreg s0  }
0x2c: {  	[dreg:$0xf] =	wrdreg s12  }
0x2d: {  	[dreg:$0x10] =	wrdreg s13  }
0x2e: {  	[dreg:$0x11] =	wrdreg s14  }
0x2f: {  	[dreg:$0x12] =	wrdreg s15  }
0x30: {  	s5 =	srdreg.scid;
	[dreg:$0x13] =	wrdreg s16  }
0x31: {  	s2 =	simm.s32 $0x0;
	s29 =	stileid.u32;
	[dreg:$0x14] =	wrdreg s17  }
0x32: {  	s11 =	simm.s32 $0x5;
	p1 =	por $0x0, $0x0;
	[dreg:$0x15] =	wrdreg s1  }
0x33: {  	[smem:$0x7FF] =	sst s2;
	s5 =	sand.u32 $0x1, s5;
	s6 =	sshll.u32 s29, $0x1  }
0x34: {  	s20 =	sadd.s32 $0x20400, s19;
	s12 =	simm.s32 $0x80;
	s13 =	simm.s32 $0x180  }
0x35: {  	s14 =	simm.s32 $0x4900;
	s16 =	simm.s32 $0x6;
	s30 =	sld [smem:$0x0]  }
0x36: {  	_ =	strace $0x80000047;
	s9 =	sor.u32 s5, s6;
	[dreg:$0x16] =	wrdreg s20  }
0x37: {  	s23 =	ssub.s32 $0x2, s5;
	s20 =	simm.s32 $0x100;
	s8 =	sshll.u32 s9, $0x4  }
0x38: {  	s10 =	sshll.u32 s9, $0xB;
	s5 =	sshrl.u32 s23, $0x1;
	p0 =	sne.s32 s9, $0x0  }
0x39: {  	s9 =	simm.s32 $0x900;
	s0 =	sadd.s32 s18, s8;
	s1 =	ssub.s32 s23, s5  }
0x3a: {  	s28 =	sadd.s32 s19, s10;
	s5 =	simm.s32 $0x7;
	s26 =	smax.u32 s1, $0x1  }
0x3b: {  	s23 =	simm.s32 $0x3;
	[dreg:$0x17] =	wrdreg s0;
	s0 =	sadd.s32 $0xFFFFFFFF, s26  }
0x3c: {  	s22 =	sadd.s32 $0x10200, s28;
	s24 =	sadd.s32 $0x20600, s28;
	p2 =	sne.s32 s0, $0x0  }
.Ltmp0:
0x3d: {  	s25 =	sadd.s32 $0x30600, s28;
	s19 =	sadd.s32 $0x50600, s28;
	(pc) =	sbr.rel @!p2 .LBB3_1-.Ltmp0, $4  }
0x3e: {  	s18 =	sadd.s32 $0x60600, s28;
	s17 =	sadd.s32 $0x70600, s28;
	[dreg:$0x18] =	wrdreg s22  }
0x3f: {  	s15 =	sadd.s32 $0x80600, s28;
	s10 =	sadd.s32 $0x90600, s28;
	[dreg:$0x19] =	wrdreg s24  }
0x40: {  	s6 =	sadd.s32 $0xA0600, s28;
	[dreg:$0x1a] =	wrdreg s25;
	s22 =	sadd.s32 $0x40600, s28  }
0x41: {  	s25 =	simm.s32 $0x1;
	s24 =	simm.s32 $0x2;
	s31 =	rddreg [dreg:$0x17]  }
0x42: {  	[dreg:$0x1b] =	wrdreg s30  }
0x43: {  	[tilespmem:s2], [sflag:$0x7] =	stream.linear.gather [hbm4b:s31+s2], $0x80, $0x38;
	[tilespmem:$0x8900] =	vst v63  }
0x44: {  	_ =	swait.ge [sflag:s5], $0x80  }
0x45: {  	[sflag:s5] =	ssyncset.done $0x0  }
0x46: {  	s1 =	rddreg [dreg:$0x11];
	[sflag:s5] =	ssyncadd.s32 $0xFFFFFF80  }
0x47: {  	[tilespmem:s12], [sflag:$0x1] =	stream.indirect.gather [hbm4b:s1+s12], $0x1, s2, s12, $0xb8;
	[tilespmem:$0x8900] =	vst v63  }
0x48: {  	s26 =	rddreg [dreg:$0x12]  }
0x49: {  	[tilespmem:s20], [sflag:$0x2] =	stream.indirect.gather [hbm4b:s26+s12], $0x1, s2, s12, $0xb8;
	[tilespmem:$0x8900] =	vst v63  }
0x4a: {  	s29 =	rddreg [dreg:$0x13]  }
0x4b: {  	[tilespmem:s13], [sflag:$0x3] =	stream.indirect.gather [hbm4b:s29+s12], $0x1, s2, s12, $0xb8;
	[tilespmem:$0x8900] =	vst v63  }
0x4c: {  	_ =	swait.ge [sflag:s25], $0x80  }
0x4d: {  	[sflag:s25] =	ssyncset.done $0x0  }
0x4e: {  	[sflag:s25] =	ssyncadd.s32 $0xFFFFFF80  }
0x4f: {  	_ =	swait.ge [sflag:s24], $0x80  }
0x50: {  	[sflag:s24] =	ssyncset.done $0x0  }
0x51: {  	[sflag:s24] =	ssyncadd.s32 $0xFFFFFF80  }
0x52: {  	_ =	swait.ge [sflag:s23], $0x80  }
0x53: {  	[sflag:s23] =	ssyncset.done $0x0  }
0x54: {  	[sflag:s23] =	ssyncadd.s32 $0xFFFFFF80  }
0x55: {  	[tilespmem:s9], [sflag:$0x5] =	stream.indirect.gather [hbm4b:s21+s12], $0x80, s12, s12, $0xb8;
	[tilespmem:$0x8900] =	vst v63  }
0x56: {  	_ = 	snop  }
0x57: {  	[tilespmem:s14], [sflag:$0x6] =	stream.indirect.gather [hbm4b:s21+s12], $0x80, s20, s12, $0xb8;
	[tilespmem:$0x8900] =	vst v63  }
0x58: {  	_ =	swait.ge [sflag:s11], $0x4000  }
0x59: {  	[sflag:s11] =	ssyncset.done $0x0  }
0x5a: {  	[sflag:s11] =	ssyncadd.s32 $0xFFFFC000  }
0x5b: {  	[hbm4b:s28+s2] =	stream.linear.scatter [tilespmem:s9], [sflag:$0x7], $0x4000, $0x38;
	[tilespmem:$0x8900] =	vst v63  }
0x5c: {  	_ =	swait.ge [sflag:s5], $0x4000  }
0x5d: {  	[sflag:s5] =	ssyncset.done $0x0  }
0x5e: {  	[sflag:s5] =	ssyncadd.s32 $0xFFFFC000  }
0x5f: {  	[tilespmem:s9], [sflag:$0x5] =	stream.indirect.gather [hbm4b:s7+s12], $0x80, s12, s12, $0xb8;
	[tilespmem:$0x8900] =	vst v63  }
0x60: {  	_ =	swait.ge [sflag:s16], $0x4000  }
0x61: {  	[sflag:s16] =	ssyncset.done $0x0  }
0x62: {  	s8 =	rddreg [dreg:$0x18];
	[sflag:s16] =	ssyncadd.s32 $0xFFFFC000  }
0x63: {  	[hbm4b:s8+s2] =	stream.linear.scatter [tilespmem:s14], [sflag:$0x7], $0x4000, $0x38;
	[tilespmem:$0x8900] =	vst v63  }
0x64: {  	_ =	swait.ge [sflag:s5], $0x4000  }
0x65: {  	[sflag:s5] =	ssyncset.done $0x0  }
0x66: {  	[sflag:s5] =	ssyncadd.s32 $0xFFFFC000  }
0x67: {  	[tilespmem:s14], [sflag:$0x6] =	stream.indirect.gather [hbm4b:s4+s12], $0x80, s12, s12, $0xb8;
	[tilespmem:$0x8900] =	vst v63  }
0x68: {  	_ =	swait.ge [sflag:s11], $0x4000  }
0x69: {  	[sflag:s11] =	ssyncset.done $0x0  }
0x6a: {  	s26 =	rddreg [dreg:$0x19];
	[sflag:s11] =	ssyncadd.s32 $0xFFFFC000  }
0x6b: {  	[hbm4b:s26+s2] =	stream.linear.scatter [tilespmem:s9], [sflag:$0x7], $0x4000, $0x38;
	[tilespmem:$0x8900] =	vst v63  }
0x6c: {  	_ =	swait.ge [sflag:s5], $0x4000  }
0x6d: {  	[sflag:s5] =	ssyncset.done $0x0  }
0x6e: {  	[sflag:s5] =	ssyncadd.s32 $0xFFFFC000  }
0x6f: {  	[tilespmem:s9], [sflag:$0x5] =	stream.indirect.gather [hbm4b:s3+s12], $0x80, s12, s12, $0xb8;
	[tilespmem:$0x8900] =	vst v63  }
0x70: {  	_ =	swait.ge [sflag:s16], $0x4000  }
0x71: {  	[sflag:s16] =	ssyncset.done $0x0  }
0x72: {  	s29 =	rddreg [dreg:$0x1a];
	[sflag:s16] =	ssyncadd.s32 $0xFFFFC000  }
0x73: {  	[hbm4b:s29+s2] =	stream.linear.scatter [tilespmem:s14], [sflag:$0x7], $0x4000, $0x38;
	[tilespmem:$0x8900] =	vst v63  }
0x74: {  	_ =	swait.ge [sflag:s5], $0x4000  }
0x75: {  	[sflag:s5] =	ssyncset.done $0x0  }
0x76: {  	[sflag:s5] =	ssyncadd.s32 $0xFFFFC000  }
0x77: {  	[tilespmem:s14], [sflag:$0x6] =	stream.indirect.gather [hbm4b:s7+s12], $0x80, s20, s12, $0xb8;
	[tilespmem:$0x8900] =	vst v63  }
0x78: {  	_ =	swait.ge [sflag:s11], $0x4000  }
0x79: {  	[sflag:s11] =	ssyncset.done $0x0  }
0x7a: {  	[sflag:s11] =	ssyncadd.s32 $0xFFFFC000  }
0x7b: {  	[hbm4b:s22+s2] =	stream.linear.scatter [tilespmem:s9], [sflag:$0x7], $0x4000, $0x38;
	[tilespmem:$0x8900] =	vst v63  }
0x7c: {  	_ =	swait.ge [sflag:s5], $0x4000  }
0x7d: {  	[sflag:s5] =	ssyncset.done $0x0  }
0x7e: {  	[sflag:s5] =	ssyncadd.s32 $0xFFFFC000  }
0x7f: {  	[tilespmem:s9], [sflag:$0x5] =	stream.indirect.gather [hbm4b:s4+s12], $0x80, s20, s12, $0xb8;
	[tilespmem:$0x8900] =	vst v63  }
0x80: {  	_ =	swait.ge [sflag:s16], $0x4000  }
0x81: {  	[sflag:s16] =	ssyncset.done $0x0  }
0x82: {  	[sflag:s16] =	ssyncadd.s32 $0xFFFFC000  }
0x83: {  	[hbm4b:s19+s2] =	stream.linear.scatter [tilespmem:s14], [sflag:$0x7], $0x4000, $0x38;
	[tilespmem:$0x8900] =	vst v63  }
0x84: {  	_ =	swait.ge [sflag:s5], $0x4000  }
0x85: {  	[sflag:s5] =	ssyncset.done $0x0  }
0x86: {  	[sflag:s5] =	ssyncadd.s32 $0xFFFFC000  }
0x87: {  	[tilespmem:s14], [sflag:$0x6] =	stream.indirect.gather [hbm4b:s3+s12], $0x80, s20, s12, $0xb8;
	[tilespmem:$0x8900] =	vst v63  }
0x88: {  	_ =	swait.ge [sflag:s11], $0x4000  }
0x89: {  	[sflag:s11] =	ssyncset.done $0x0  }
0x8a: {  	[sflag:s11] =	ssyncadd.s32 $0xFFFFC000  }
0x8b: {  	[hbm4b:s18+s2] =	stream.linear.scatter [tilespmem:s9], [sflag:$0x7], $0x4000, $0x38;
	[tilespmem:$0x8900] =	vst v63  }
0x8c: {  	_ =	swait.ge [sflag:s5], $0x4000  }
0x8d: {  	[sflag:s5] =	ssyncset.done $0x0  }
0x8e: {  	s8 =	rddreg [dreg:$0xe];
	[sflag:s5] =	ssyncadd.s32 $0xFFFFC000  }
0x8f: {  	[tilespmem:s9], [sflag:$0x5] =	stream.indirect.gather [hbm4b:s8+s12], $0x80, s13, s12, $0xb8;
	[tilespmem:$0x8900] =	vst v63  }
0x90: {  	_ =	swait.ge [sflag:s16], $0x4000  }
0x91: {  	[sflag:s16] =	ssyncset.done $0x0  }
0x92: {  	[sflag:s16] =	ssyncadd.s32 $0xFFFFC000  }
0x93: {  	[hbm4b:s17+s2] =	stream.linear.scatter [tilespmem:s14], [sflag:$0x7], $0x4000, $0x38;
	[tilespmem:$0x8900] =	vst v63  }
0x94: {  	_ =	swait.ge [sflag:s5], $0x4000  }
0x95: {  	[sflag:s5] =	ssyncset.done $0x0  }
0x96: {  	s26 =	rddreg [dreg:$0xf];
	[sflag:s5] =	ssyncadd.s32 $0xFFFFC000  }
0x97: {  	[tilespmem:s14], [sflag:$0x6] =	stream.indirect.gather [hbm4b:s26+s12], $0x80, s13, s12, $0xb8;
	[tilespmem:$0x8900] =	vst v63  }
0x98: {  	_ =	swait.ge [sflag:s11], $0x4000  }
0x99: {  	[sflag:s11] =	ssyncset.done $0x0  }
0x9a: {  	[sflag:s11] =	ssyncadd.s32 $0xFFFFC000  }
0x9b: {  	[hbm4b:s15+s2] =	stream.linear.scatter [tilespmem:s9], [sflag:$0x7], $0x4000, $0x38;
	[tilespmem:$0x8900] =	vst v63  }
0x9c: {  	_ =	swait.ge [sflag:s5], $0x4000  }
0x9d: {  	[sflag:s5] =	ssyncset.done $0x0  }
0x9e: {  	s29 =	rddreg [dreg:$0x10];
	[sflag:s5] =	ssyncadd.s32 $0xFFFFC000  }
0x9f: {  	[tilespmem:s9], [sflag:$0x5] =	stream.indirect.gather [hbm4b:s29+s12], $0x80, s13, s12, $0xb8;
	[tilespmem:$0x8900] =	vst v63  }
0xa0: {  	_ =	swait.ge [sflag:s16], $0x4000  }
0xa1: {  	[sflag:s16] =	ssyncset.done $0x0  }
0xa2: {  	[sflag:s16] =	ssyncadd.s32 $0xFFFFC000  }
0xa3: {  	[hbm4b:s10+s2] =	stream.linear.scatter [tilespmem:s14], [sflag:$0x7], $0x4000, $0x38;
	[tilespmem:$0x8900] =	vst v63  }
0xa4: {  	_ =	swait.ge [sflag:s5], $0x4000  }
0xa5: {  	[sflag:s5] =	ssyncset.done $0x0  }
0xa6: {  	[sflag:s5] =	ssyncadd.s32 $0xFFFFC000  }
0xa7: {  	_ =	swait.ge [sflag:s11], $0x4000  }
0xa8: {  	[sflag:s11] =	ssyncset.done $0x0  }
0xa9: {  	[sflag:s11] =	ssyncadd.s32 $0xFFFFC000  }
0xaa: {  	[hbm4b:s6+s2] =	stream.linear.scatter [tilespmem:s9], [sflag:$0x7], $0x4000, $0x38;
	[tilespmem:$0x8900] =	vst v63  }
0xab: {  	_ =	swait.ge [sflag:s5], $0x4000  }
0xac: {  	s3 =	simm.s32 @!p0 $0x200;
	s8 =	simm.s32 @!p0 $0x0;
	[sflag:s5] =	ssyncset.done $0x0  }
0xad: {  	s26 =	simm.s32 @!p0 $0x7;
	s1 =	rddreg [dreg:$0x14];
	[sflag:s5] =	ssyncadd.s32 $0xFFFFC000  }
0xae: {  	[tilespmem:s3], [sflag:$0x7] =	stream.linear.gather @!p0 [hbm4b:s1+s8], $0x380, $0x38;
	[tilespmem:$0x8900] =	vst v63  }
0xaf: {  	_ =	swait.ge @!p0 [sflag:s26], $0x380  }
0xb0: {  	s30 =	simm.s32 @!p0 $0x4;
	s29 =	simm.s32 @!p0 $0x340;
	[sflag:s26] =	ssyncset.done @!p0 $0x0  }
0xb1: {  	s1 =	simm.s32 @!p0 $0x580;
	s31 =	rddreg [dreg:$0x15];
	[sflag:s26] =	ssyncadd.s32 @!p0 $0xFFFFFC80  }
0xb2: {  	[tilespmem:s1], [sflag:$0x4] =	stream.indirect.gather @!p0 [hbm4b:s31+s29], $0x1, s3, s29, $0xb8;
	[tilespmem:$0x8900] =	vst v63  }
0xb3: {  	s0 =	sadd.s32 $0xFFFFFFFF, s0;
	_ =	swait.ge @!p0 [sflag:s30], $0x340  }
0xb4: {  	p2 =	sne.s32 s0, $0x0;
	[sflag:s30] =	ssyncset.done @!p0 $0x0  }
.Ltmp1:
0xb5: {  	s31 =	rddreg [dreg:$0x16];
	[sflag:s30] =	ssyncadd.s32 @!p0 $0xFFFFFCC0;
	(pc) =	sbr.rel @!p2 .LBB3_3-.Ltmp1, $4  }
0xb6: {  	[hbm4b:s31+s8] =	stream.linear.scatter @!p0 [tilespmem:s1], [sflag:$0x7], $0x380, $0x38;
	[tilespmem:$0x8900] =	vst v63  }
0xb7: {  	_ =	swait.ge @!p0 [sflag:s26], $0x380  }
0xb8: {  	s31 =	rddreg [dreg:$0x17];
	[sflag:s26] =	ssyncset.done @!p0 $0x0  }
0xb9: {  	p1 =	por $0x1, $0x1;
	s8 =	smov.u32 s4;
	s4 =	rddreg [dreg:$0x2]  }
.LBB3_4:
0xba: {  	[sflag:s26] =	ssyncadd.s32 @!p0 $0xFFFFFC80  }
0xbb: {  	[tilespmem:s2], [sflag:$0x7] =	stream.linear.gather [hbm4b:s31+s2], $0x80, $0x38;
	[tilespmem:$0x8900] =	vst v63  }
0xbc: {  	_ =	swait.ge [sflag:s5], $0x80  }
0xbd: {  	[sflag:s5] =	ssyncset.done $0x0  }
0xbe: {  	s31 =	rddreg [dreg:$0x11];
	[sflag:s5] =	ssyncadd.s32 $0xFFFFFF80  }
0xbf: {  	[tilespmem:s12], [sflag:$0x1] =	stream.indirect.gather [hbm4b:s31+s12], $0x1, s2, s12, $0xb8;
	[tilespmem:$0x8900] =	vst v63  }
0xc0: {  	s3 =	rddreg [dreg:$0x12]  }
0xc1: {  	[tilespmem:s20], [sflag:$0x2] =	stream.indirect.gather [hbm4b:s3+s12], $0x1, s2, s12, $0xb8;
	[tilespmem:$0x8900] =	vst v63  }
0xc2: {  	s31 =	rddreg [dreg:$0x13]  }
0xc3: {  	[tilespmem:s13], [sflag:$0x3] =	stream.indirect.gather [hbm4b:s31+s12], $0x1, s2, s12, $0xb8;
	[tilespmem:$0x8900] =	vst v63  }
0xc4: {  	_ =	swait.ge [sflag:s25], $0x80  }
0xc5: {  	[sflag:s25] =	ssyncset.done $0x0  }
0xc6: {  	[sflag:s25] =	ssyncadd.s32 $0xFFFFFF80  }
0xc7: {  	_ =	swait.ge [sflag:s24], $0x80  }
0xc8: {  	[sflag:s24] =	ssyncset.done $0x0  }
0xc9: {  	[sflag:s24] =	ssyncadd.s32 $0xFFFFFF80  }
0xca: {  	_ =	swait.ge [sflag:s23], $0x80  }
0xcb: {  	[sflag:s23] =	ssyncset.done $0x0  }
0xcc: {  	[sflag:s23] =	ssyncadd.s32 $0xFFFFFF80  }
0xcd: {  	[tilespmem:s9], [sflag:$0x5] =	stream.indirect.gather [hbm4b:s21+s12], $0x80, s12, s12, $0xb8;
	[tilespmem:$0x8900] =	vst v63  }
0xce: {  	_ = 	snop  }
0xcf: {  	[tilespmem:s14], [sflag:$0x6] =	stream.indirect.gather [hbm4b:s21+s12], $0x80, s20, s12, $0xb8;
	[tilespmem:$0x8900] =	vst v63  }
0xd0: {  	_ =	swait.ge [sflag:s11], $0x4000  }
0xd1: {  	[sflag:s11] =	ssyncset.done $0x0  }
0xd2: {  	[sflag:s11] =	ssyncadd.s32 $0xFFFFC000  }
0xd3: {  	[hbm4b:s28+s2] =	stream.linear.scatter [tilespmem:s9], [sflag:$0x7], $0x4000, $0x38;
	[tilespmem:$0x8900] =	vst v63  }
0xd4: {  	_ =	swait.ge [sflag:s5], $0x4000  }
0xd5: {  	[sflag:s5] =	ssyncset.done $0x0  }
0xd6: {  	[sflag:s5] =	ssyncadd.s32 $0xFFFFC000  }
0xd7: {  	[tilespmem:s9], [sflag:$0x5] =	stream.indirect.gather [hbm4b:s7+s12], $0x80, s12, s12, $0xb8;
	[tilespmem:$0x8900] =	vst v63  }
0xd8: {  	_ =	swait.ge [sflag:s16], $0x4000  }
0xd9: {  	[sflag:s16] =	ssyncset.done $0x0  }
0xda: {  	s23 =	rddreg [dreg:$0x18];
	[sflag:s16] =	ssyncadd.s32 $0xFFFFC000  }
0xdb: {  	[hbm4b:s23+s2] =	stream.linear.scatter [tilespmem:s14], [sflag:$0x7], $0x4000, $0x38;
	[tilespmem:$0x8900] =	vst v63  }
0xdc: {  	_ =	swait.ge [sflag:s5], $0x4000  }
0xdd: {  	[sflag:s5] =	ssyncset.done $0x0  }
0xde: {  	[sflag:s5] =	ssyncadd.s32 $0xFFFFC000  }
0xdf: {  	[tilespmem:s14], [sflag:$0x6] =	stream.indirect.gather [hbm4b:s8+s12], $0x80, s12, s12, $0xb8;
	[tilespmem:$0x8900] =	vst v63  }
0xe0: {  	_ =	swait.ge [sflag:s11], $0x4000  }
0xe1: {  	[sflag:s11] =	ssyncset.done $0x0  }
0xe2: {  	s29 =	rddreg [dreg:$0x19];
	[sflag:s11] =	ssyncadd.s32 $0xFFFFC000  }
0xe3: {  	[hbm4b:s29+s2] =	stream.linear.scatter [tilespmem:s9], [sflag:$0x7], $0x4000, $0x38;
	[tilespmem:$0x8900] =	vst v63  }
0xe4: {  	_ =	swait.ge [sflag:s5], $0x4000  }
0xe5: {  	[sflag:s5] =	ssyncset.done $0x0  }
0xe6: {  	[sflag:s5] =	ssyncadd.s32 $0xFFFFC000  }
0xe7: {  	[tilespmem:s9], [sflag:$0x5] =	stream.indirect.gather [hbm4b:s4+s12], $0x80, s12, s12, $0xb8;
	[tilespmem:$0x8900] =	vst v63  }
0xe8: {  	_ =	swait.ge [sflag:s16], $0x4000  }
0xe9: {  	[sflag:s16] =	ssyncset.done $0x0  }
0xea: {  	s23 =	rddreg [dreg:$0x1a];
	[sflag:s16] =	ssyncadd.s32 $0xFFFFC000  }
0xeb: {  	[hbm4b:s23+s2] =	stream.linear.scatter [tilespmem:s14], [sflag:$0x7], $0x4000, $0x38;
	[tilespmem:$0x8900] =	vst v63  }
0xec: {  	_ =	swait.ge [sflag:s5], $0x4000  }
0xed: {  	[sflag:s5] =	ssyncset.done $0x0  }
0xee: {  	[sflag:s5] =	ssyncadd.s32 $0xFFFFC000  }
0xef: {  	[tilespmem:s14], [sflag:$0x6] =	stream.indirect.gather [hbm4b:s7+s12], $0x80, s20, s12, $0xb8;
	[tilespmem:$0x8900] =	vst v63  }
0xf0: {  	_ =	swait.ge [sflag:s11], $0x4000  }
0xf1: {  	[sflag:s11] =	ssyncset.done $0x0  }
0xf2: {  	[sflag:s11] =	ssyncadd.s32 $0xFFFFC000  }
0xf3: {  	[hbm4b:s22+s2] =	stream.linear.scatter [tilespmem:s9], [sflag:$0x7], $0x4000, $0x38;
	[tilespmem:$0x8900] =	vst v63  }
0xf4: {  	_ =	swait.ge [sflag:s5], $0x4000  }
0xf5: {  	[sflag:s5] =	ssyncset.done $0x0  }
0xf6: {  	[sflag:s5] =	ssyncadd.s32 $0xFFFFC000  }
0xf7: {  	[tilespmem:s9], [sflag:$0x5] =	stream.indirect.gather [hbm4b:s8+s12], $0x80, s20, s12, $0xb8;
	[tilespmem:$0x8900] =	vst v63  }
0xf8: {  	_ =	swait.ge [sflag:s16], $0x4000  }
0xf9: {  	[sflag:s16] =	ssyncset.done $0x0  }
0xfa: {  	[sflag:s16] =	ssyncadd.s32 $0xFFFFC000  }
0xfb: {  	[hbm4b:s19+s2] =	stream.linear.scatter [tilespmem:s14], [sflag:$0x7], $0x4000, $0x38;
	[tilespmem:$0x8900] =	vst v63  }
0xfc: {  	_ =	swait.ge [sflag:s5], $0x4000  }
0xfd: {  	[sflag:s5] =	ssyncset.done $0x0  }
0xfe: {  	[sflag:s5] =	ssyncadd.s32 $0xFFFFC000  }
0xff: {  	[tilespmem:s14], [sflag:$0x6] =	stream.indirect.gather [hbm4b:s4+s12], $0x80, s20, s12, $0xb8;
	[tilespmem:$0x8900] =	vst v63  }
0x100: {  	_ =	swait.ge [sflag:s11], $0x4000  }
0x101: {  	[sflag:s11] =	ssyncset.done $0x0  }
0x102: {  	[sflag:s11] =	ssyncadd.s32 $0xFFFFC000  }
0x103: {  	[hbm4b:s18+s2] =	stream.linear.scatter [tilespmem:s9], [sflag:$0x7], $0x4000, $0x38;
	[tilespmem:$0x8900] =	vst v63  }
0x104: {  	_ =	swait.ge [sflag:s5], $0x4000  }
0x105: {  	[sflag:s5] =	ssyncset.done $0x0  }
0x106: {  	s29 =	rddreg [dreg:$0xe];
	[sflag:s5] =	ssyncadd.s32 $0xFFFFC000  }
0x107: {  	[tilespmem:s9], [sflag:$0x5] =	stream.indirect.gather [hbm4b:s29+s12], $0x80, s13, s12, $0xb8;
	[tilespmem:$0x8900] =	vst v63  }
0x108: {  	_ =	swait.ge [sflag:s16], $0x4000  }
0x109: {  	[sflag:s16] =	ssyncset.done $0x0  }
0x10a: {  	[sflag:s16] =	ssyncadd.s32 $0xFFFFC000  }
0x10b: {  	[hbm4b:s17+s2] =	stream.linear.scatter [tilespmem:s14], [sflag:$0x7], $0x4000, $0x38;
	[tilespmem:$0x8900] =	vst v63  }
0x10c: {  	_ =	swait.ge [sflag:s5], $0x4000  }
0x10d: {  	[sflag:s5] =	ssyncset.done $0x0  }
0x10e: {  	s23 =	rddreg [dreg:$0xf];
	[sflag:s5] =	ssyncadd.s32 $0xFFFFC000  }
0x10f: {  	[tilespmem:s14], [sflag:$0x6] =	stream.indirect.gather [hbm4b:s23+s12], $0x80, s13, s12, $0xb8;
	[tilespmem:$0x8900] =	vst v63  }
0x110: {  	_ =	swait.ge [sflag:s11], $0x4000  }
0x111: {  	[sflag:s11] =	ssyncset.done $0x0  }
0x112: {  	[sflag:s11] =	ssyncadd.s32 $0xFFFFC000  }
0x113: {  	[hbm4b:s15+s2] =	stream.linear.scatter [tilespmem:s9], [sflag:$0x7], $0x4000, $0x38;
	[tilespmem:$0x8900] =	vst v63  }
0x114: {  	_ =	swait.ge [sflag:s5], $0x4000  }
0x115: {  	[sflag:s5] =	ssyncset.done $0x0  }
0x116: {  	s29 =	rddreg [dreg:$0x10];
	[sflag:s5] =	ssyncadd.s32 $0xFFFFC000  }
0x117: {  	[tilespmem:s9], [sflag:$0x5] =	stream.indirect.gather [hbm4b:s29+s12], $0x80, s13, s12, $0xb8;
	[tilespmem:$0x8900] =	vst v63  }
0x118: {  	_ =	swait.ge [sflag:s16], $0x4000  }
0x119: {  	[sflag:s16] =	ssyncset.done $0x0  }
0x11a: {  	[sflag:s16] =	ssyncadd.s32 $0xFFFFC000  }
0x11b: {  	[hbm4b:s10+s2] =	stream.linear.scatter [tilespmem:s14], [sflag:$0x7], $0x4000, $0x38;
	[tilespmem:$0x8900] =	vst v63  }
0x11c: {  	_ =	swait.ge [sflag:s5], $0x4000  }
0x11d: {  	[sflag:s5] =	ssyncset.done $0x0  }
0x11e: {  	[sflag:s5] =	ssyncadd.s32 $0xFFFFC000  }
0x11f: {  	_ =	swait.ge [sflag:s11], $0x4000  }
0x120: {  	[sflag:s11] =	ssyncset.done $0x0  }
0x121: {  	[sflag:s11] =	ssyncadd.s32 $0xFFFFC000  }
0x122: {  	[hbm4b:s6+s2] =	stream.linear.scatter [tilespmem:s9], [sflag:$0x7], $0x4000, $0x38;
	[tilespmem:$0x8900] =	vst v63  }
0x123: {  	_ =	swait.ge [sflag:s5], $0x4000  }
0x124: {  	s31 =	simm.s32 @!p0 $0x0;
	[sflag:s5] =	ssyncset.done $0x0  }
0x125: {  	s23 =	simm.s32 @!p0 $0x200;
	s3 =	rddreg [dreg:$0x14];
	[sflag:s5] =	ssyncadd.s32 $0xFFFFC000  }
0x126: {  	[tilespmem:s23], [sflag:$0x7] =	stream.linear.gather @!p0 [hbm4b:s3+s31], $0x380, $0x38;
	[tilespmem:$0x8900] =	vst v63  }
0x127: {  	_ =	swait.ge @!p0 [sflag:s26], $0x380  }
0x128: {  	s0 =	sadd.s32 $0xFFFFFFFF, s0;
	[sflag:s26] =	ssyncset.done @!p0 $0x0  }
0x129: {  	s29 =	simm.s32 @!p0 $0x340;
	s3 =	rddreg [dreg:$0x15];
	[sflag:s26] =	ssyncadd.s32 @!p0 $0xFFFFFC80  }
0x12a: {  	[tilespmem:s1], [sflag:$0x4] =	stream.indirect.gather @!p0 [hbm4b:s3+s29], $0x1, s23, s29, $0xb8;
	[tilespmem:$0x8900] =	vst v63  }
0x12b: {  	p2 =	sne.s32 s0, $0x0;
	_ =	swait.ge @!p0 [sflag:s30], $0x340  }
.Ltmp2:
0x12c: {  	[sflag:s30] =	ssyncset.done @!p0 $0x0;
	(pc) =	sbr.rel @p2 .LBB3_4-.Ltmp2, $4  }
0x12d: {  	s3 =	rddreg [dreg:$0x16];
	[sflag:s30] =	ssyncadd.s32 @!p0 $0xFFFFFCC0  }
0x12e: {  	[hbm4b:s3+s31] =	stream.linear.scatter @!p0 [tilespmem:s1], [sflag:$0x7], $0x380, $0x38;
	[tilespmem:$0x8900] =	vst v63  }
0x12f: {  	_ =	swait.ge @!p0 [sflag:s26], $0x380  }
0x130: {  	s23 =	simm.s32 $0x3;
	s31 =	rddreg [dreg:$0x17];
	[sflag:s26] =	ssyncset.done @!p0 $0x0  }
0x131: {  	s30 =	rddreg [dreg:$0x1b]  }
0x132: {  	s29 =	stileid.u32;
	s3 =	smov.u32 s4;
	s4 =	smov.u32 s8  }
.LBB3_6:
0x133: {  	p1 =	por p0, !p1  }
0x134: {  	[sflag:s26] =	ssyncadd.s32 @!p1 $0xFFFFFC80  }
0x135: {  	[tilespmem:s2], [sflag:$0x7] =	stream.linear.gather [hbm4b:s31+s2], $0x80, $0x38;
	[tilespmem:$0x8900] =	vst v63  }
0x136: {  	_ =	swait.ge [sflag:s5], $0x80  }
0x137: {  	[sflag:s5] =	ssyncset.done $0x0  }
0x138: {  	s0 =	rddreg [dreg:$0x11];
	[sflag:s5] =	ssyncadd.s32 $0xFFFFFF80  }
0x139: {  	[tilespmem:s12], [sflag:$0x1] =	stream.indirect.gather [hbm4b:s0+s12], $0x1, s2, s12, $0xb8;
	[tilespmem:$0x8900] =	vst v63  }
0x13a: {  	s1 =	rddreg [dreg:$0x12]  }
0x13b: {  	[tilespmem:s20], [sflag:$0x2] =	stream.indirect.gather [hbm4b:s1+s12], $0x1, s2, s12, $0xb8;
	[tilespmem:$0x8900] =	vst v63  }
0x13c: {  	s8 =	rddreg [dreg:$0x13]  }
0x13d: {  	[tilespmem:s13], [sflag:$0x3] =	stream.indirect.gather [hbm4b:s8+s12], $0x1, s2, s12, $0xb8;
	[tilespmem:$0x8900] =	vst v63  }
0x13e: {  	_ =	swait.ge [sflag:s25], $0x80  }
0x13f: {  	[sflag:s25] =	ssyncset.done $0x0  }
0x140: {  	[sflag:s25] =	ssyncadd.s32 $0xFFFFFF80  }
0x141: {  	_ =	swait.ge [sflag:s24], $0x80  }
0x142: {  	[sflag:s24] =	ssyncset.done $0x0  }
0x143: {  	[sflag:s24] =	ssyncadd.s32 $0xFFFFFF80  }
0x144: {  	_ =	swait.ge [sflag:s23], $0x80  }
0x145: {  	[sflag:s23] =	ssyncset.done $0x0  }
0x146: {  	[sflag:s23] =	ssyncadd.s32 $0xFFFFFF80  }
0x147: {  	[tilespmem:s9], [sflag:$0x5] =	stream.indirect.gather [hbm4b:s21+s12], $0x80, s12, s12, $0xb8;
	[tilespmem:$0x8900] =	vst v63  }
0x148: {  	_ = 	snop  }
0x149: {  	[tilespmem:s14], [sflag:$0x6] =	stream.indirect.gather [hbm4b:s21+s12], $0x80, s20, s12, $0xb8;
	[tilespmem:$0x8900] =	vst v63  }
0x14a: {  	_ =	swait.ge [sflag:s11], $0x4000  }
0x14b: {  	[sflag:s11] =	ssyncset.done $0x0  }
0x14c: {  	[sflag:s11] =	ssyncadd.s32 $0xFFFFC000  }
0x14d: {  	[hbm4b:s28+s2] =	stream.linear.scatter [tilespmem:s9], [sflag:$0x7], $0x4000, $0x38;
	[tilespmem:$0x8900] =	vst v63  }
0x14e: {  	_ =	swait.ge [sflag:s5], $0x4000  }
0x14f: {  	[sflag:s5] =	ssyncset.done $0x0  }
0x150: {  	[sflag:s5] =	ssyncadd.s32 $0xFFFFC000  }
0x151: {  	[tilespmem:s9], [sflag:$0x5] =	stream.indirect.gather [hbm4b:s7+s12], $0x80, s12, s12, $0xb8;
	[tilespmem:$0x8900] =	vst v63  }
0x152: {  	_ =	swait.ge [sflag:s16], $0x4000  }
0x153: {  	[sflag:s16] =	ssyncset.done $0x0  }
0x154: {  	s23 =	rddreg [dreg:$0x18];
	[sflag:s16] =	ssyncadd.s32 $0xFFFFC000  }
0x155: {  	[hbm4b:s23+s2] =	stream.linear.scatter [tilespmem:s14], [sflag:$0x7], $0x4000, $0x38;
	[tilespmem:$0x8900] =	vst v63  }
0x156: {  	_ =	swait.ge [sflag:s5], $0x4000  }
0x157: {  	[sflag:s5] =	ssyncset.done $0x0  }
0x158: {  	[sflag:s5] =	ssyncadd.s32 $0xFFFFC000  }
0x159: {  	[tilespmem:s14], [sflag:$0x6] =	stream.indirect.gather [hbm4b:s4+s12], $0x80, s12, s12, $0xb8;
	[tilespmem:$0x8900] =	vst v63  }
0x15a: {  	_ =	swait.ge [sflag:s11], $0x4000  }
0x15b: {  	[sflag:s11] =	ssyncset.done $0x0  }
0x15c: {  	s24 =	rddreg [dreg:$0x19];
	[sflag:s11] =	ssyncadd.s32 $0xFFFFC000  }
0x15d: {  	[hbm4b:s24+s2] =	stream.linear.scatter [tilespmem:s9], [sflag:$0x7], $0x4000, $0x38;
	[tilespmem:$0x8900] =	vst v63  }
0x15e: {  	_ =	swait.ge [sflag:s5], $0x4000  }
0x15f: {  	[sflag:s5] =	ssyncset.done $0x0  }
0x160: {  	[sflag:s5] =	ssyncadd.s32 $0xFFFFC000  }
0x161: {  	[tilespmem:s9], [sflag:$0x5] =	stream.indirect.gather [hbm4b:s3+s12], $0x80, s12, s12, $0xb8;
	[tilespmem:$0x8900] =	vst v63  }
0x162: {  	_ =	swait.ge [sflag:s16], $0x4000  }
0x163: {  	[sflag:s16] =	ssyncset.done $0x0  }
0x164: {  	s25 =	rddreg [dreg:$0x1a];
	[sflag:s16] =	ssyncadd.s32 $0xFFFFC000  }
0x165: {  	[hbm4b:s25+s2] =	stream.linear.scatter [tilespmem:s14], [sflag:$0x7], $0x4000, $0x38;
	[tilespmem:$0x8900] =	vst v63  }
0x166: {  	_ =	swait.ge [sflag:s5], $0x4000  }
0x167: {  	[sflag:s5] =	ssyncset.done $0x0  }
0x168: {  	[sflag:s5] =	ssyncadd.s32 $0xFFFFC000  }
0x169: {  	[tilespmem:s14], [sflag:$0x6] =	stream.indirect.gather [hbm4b:s7+s12], $0x80, s20, s12, $0xb8;
	[tilespmem:$0x8900] =	vst v63  }
0x16a: {  	_ =	swait.ge [sflag:s11], $0x4000  }
0x16b: {  	[sflag:s11] =	ssyncset.done $0x0  }
0x16c: {  	[sflag:s11] =	ssyncadd.s32 $0xFFFFC000  }
0x16d: {  	[hbm4b:s22+s2] =	stream.linear.scatter [tilespmem:s9], [sflag:$0x7], $0x4000, $0x38;
	[tilespmem:$0x8900] =	vst v63  }
0x16e: {  	_ =	swait.ge [sflag:s5], $0x4000  }
0x16f: {  	[sflag:s5] =	ssyncset.done $0x0  }
0x170: {  	[sflag:s5] =	ssyncadd.s32 $0xFFFFC000  }
0x171: {  	[tilespmem:s9], [sflag:$0x5] =	stream.indirect.gather [hbm4b:s4+s12], $0x80, s20, s12, $0xb8;
	[tilespmem:$0x8900] =	vst v63  }
0x172: {  	_ =	swait.ge [sflag:s16], $0x4000  }
0x173: {  	[sflag:s16] =	ssyncset.done $0x0  }
0x174: {  	[sflag:s16] =	ssyncadd.s32 $0xFFFFC000  }
0x175: {  	[hbm4b:s19+s2] =	stream.linear.scatter [tilespmem:s14], [sflag:$0x7], $0x4000, $0x38;
	[tilespmem:$0x8900] =	vst v63  }
0x176: {  	_ =	swait.ge [sflag:s5], $0x4000  }
0x177: {  	[sflag:s5] =	ssyncset.done $0x0  }
0x178: {  	[sflag:s5] =	ssyncadd.s32 $0xFFFFC000  }
0x179: {  	[tilespmem:s14], [sflag:$0x6] =	stream.indirect.gather [hbm4b:s3+s12], $0x80, s20, s12, $0xb8;
	[tilespmem:$0x8900] =	vst v63  }
0x17a: {  	_ =	swait.ge [sflag:s11], $0x4000  }
0x17b: {  	[sflag:s11] =	ssyncset.done $0x0  }
0x17c: {  	[sflag:s11] =	ssyncadd.s32 $0xFFFFC000  }
0x17d: {  	[hbm4b:s18+s2] =	stream.linear.scatter [tilespmem:s9], [sflag:$0x7], $0x4000, $0x38;
	[tilespmem:$0x8900] =	vst v63  }
0x17e: {  	_ =	swait.ge [sflag:s5], $0x4000  }
0x17f: {  	[sflag:s5] =	ssyncset.done $0x0  }
0x180: {  	s26 =	rddreg [dreg:$0xe];
	[sflag:s5] =	ssyncadd.s32 $0xFFFFC000  }
0x181: {  	[tilespmem:s9], [sflag:$0x5] =	stream.indirect.gather [hbm4b:s26+s12], $0x80, s13, s12, $0xb8;
	[tilespmem:$0x8900] =	vst v63  }
0x182: {  	_ =	swait.ge [sflag:s16], $0x4000  }
0x183: {  	[sflag:s16] =	ssyncset.done $0x0  }
0x184: {  	[sflag:s16] =	ssyncadd.s32 $0xFFFFC000  }
0x185: {  	[hbm4b:s17+s2] =	stream.linear.scatter [tilespmem:s14], [sflag:$0x7], $0x4000, $0x38;
	[tilespmem:$0x8900] =	vst v63  }
0x186: {  	_ =	swait.ge [sflag:s5], $0x4000  }
0x187: {  	[sflag:s5] =	ssyncset.done $0x0  }
0x188: {  	s28 =	rddreg [dreg:$0xf];
	[sflag:s5] =	ssyncadd.s32 $0xFFFFC000  }
0x189: {  	[tilespmem:s14], [sflag:$0x6] =	stream.indirect.gather [hbm4b:s28+s12], $0x80, s13, s12, $0xb8;
	[tilespmem:$0x8900] =	vst v63  }
0x18a: {  	_ =	swait.ge [sflag:s11], $0x4000  }
0x18b: {  	[sflag:s11] =	ssyncset.done $0x0  }
0x18c: {  	[sflag:s11] =	ssyncadd.s32 $0xFFFFC000  }
0x18d: {  	[hbm4b:s15+s2] =	stream.linear.scatter [tilespmem:s9], [sflag:$0x7], $0x4000, $0x38;
	[tilespmem:$0x8900] =	vst v63  }
0x18e: {  	_ =	swait.ge [sflag:s5], $0x4000  }
0x18f: {  	[sflag:s5] =	ssyncset.done $0x0  }
0x190: {  	s31 =	rddreg [dreg:$0x10];
	[sflag:s5] =	ssyncadd.s32 $0xFFFFC000  }
0x191: {  	[tilespmem:s9], [sflag:$0x5] =	stream.indirect.gather [hbm4b:s31+s12], $0x80, s13, s12, $0xb8;
	[tilespmem:$0x8900] =	vst v63  }
0x192: {  	_ =	swait.ge [sflag:s16], $0x4000  }
0x193: {  	[sflag:s16] =	ssyncset.done $0x0  }
0x194: {  	[sflag:s16] =	ssyncadd.s32 $0xFFFFC000  }
0x195: {  	[hbm4b:s10+s2] =	stream.linear.scatter [tilespmem:s14], [sflag:$0x7], $0x4000, $0x38;
	[tilespmem:$0x8900] =	vst v63  }
0x196: {  	_ =	swait.ge [sflag:s5], $0x4000  }
0x197: {  	[sflag:s5] =	ssyncset.done $0x0  }
0x198: {  	[sflag:s5] =	ssyncadd.s32 $0xFFFFC000  }
0x199: {  	_ =	swait.ge [sflag:s11], $0x4000  }
0x19a: {  	[sflag:s11] =	ssyncset.done $0x0  }
0x19b: {  	[sflag:s11] =	ssyncadd.s32 $0xFFFFC000  }
0x19c: {  	[hbm4b:s6+s2] =	stream.linear.scatter [tilespmem:s9], [sflag:$0x7], $0x4000, $0x38;
	[tilespmem:$0x8900] =	vst v63  }
0x19d: {  	_ =	swait.ge [sflag:s5], $0x4000  }
0x19e: {  	s1 =	simm.s32 @!p0 $0x7;
	s3 =	simm.s32 @!p0 $0x200;
	[sflag:s5] =	ssyncset.done $0x0  }
0x19f: {  	s2 =	simm.s32 @!p0 $0x0;
	s0 =	rddreg [dreg:$0x14];
	[sflag:s5] =	ssyncadd.s32 $0xFFFFC000  }
0x1a0: {  	[tilespmem:s3], [sflag:$0x7] =	stream.linear.gather @!p0 [hbm4b:s0+s2], $0x380, $0x38;
	[tilespmem:$0x8900] =	vst v63  }
0x1a1: {  	_ =	swait.ge @!p0 [sflag:s1], $0x380  }
0x1a2: {  	s4 =	simm.s32 @!p0 $0x340;
	[sflag:s1] =	ssyncset.done @!p0 $0x0  }
0x1a3: {  	s5 =	simm.s32 @!p0 $0x580;
	s0 =	rddreg [dreg:$0x15];
	[sflag:s1] =	ssyncadd.s32 @!p0 $0xFFFFFC80  }
0x1a4: {  	[tilespmem:s5], [sflag:$0x4] =	stream.indirect.gather @!p0 [hbm4b:s0+s4], $0x1, s3, s4, $0xb8;
	[tilespmem:$0x8900] =	vst v63  }
0x1a5: {  	s0 =	simm.s32 @!p0 $0x4  }
0x1a6: {  	_ =	swait.ge @!p0 [sflag:s0], $0x340  }
0x1a7: {  	[sflag:s0] =	ssyncset.done @!p0 $0x0  }
0x1a8: {  	s3 =	rddreg [dreg:$0x16];
	[sflag:s0] =	ssyncadd.s32 @!p0 $0xFFFFFCC0  }
0x1a9: {  	[hbm4b:s3+s2] =	stream.linear.scatter @!p0 [tilespmem:s5], [sflag:$0x7], $0x380, $0x38;
	[tilespmem:$0x8900] =	vst v63  }
0x1aa: {  	_ =	swait.ge @!p0 [sflag:s1], $0x380  }
0x1ab: {  	[sflag:s1] =	ssyncset.done @!p0 $0x0  }
0x1ac: {  	[sflag:s1] =	ssyncadd.s32 @!p0 $0xFFFFFC80  }
0x1ad: {  	_ =	sfence.sel $0x180000  }
0x1ae: {  	[bflag:$0x0] =	sbarrier.arrive $0xFFFF  }
0x1af: {  	p0 =	sne.s32 s29, $0x0;
	_ =	strace $0x90000047  }
0x1b0: {  	s0 =	sadd.s32 @!p0 $0x100000, s30;
	[bflag:$0x2] =	sbarrier.arrive $0xFFFF  }
0x1b1: {  	[sflag:s0] =	ssyncadd.tile.s32 @!p0 $0x1;
	_ =	shalt  }
.LBB3_1:
.Ltmp3:
0x1b2: {  	(pc) =	sbr.rel .LBB3_6-.Ltmp3, $2  }
0x1b3: {  	_ =	sdelay $0x2  }
0x1b4: {  	_ = 	snop  }
.LBB3_3:
.Ltmp4:
0x1b5: {  	(pc) =	sbr.rel .LBB3_6-.Ltmp4, $3  }
0x1b6: {  	_ =	sdelay $0x1  }
0x1b7: {  	s30 =	rddreg [dreg:$0x1b]  }
0x1b8: {  	s29 =	stileid.u32;
	s3 =	smov.u32 s4;
	s4 =	smov.u32 s8  }
.Lfunc_end3:
_tile_overlayer_lowered:
.L_overlay_start_3:
0x1b9: {  	(tag) =	ssettag $0x3  }
0x1ba: {  	s0 =	rddreg [dreg:$0x0];
	s2 =	stileid.u32  }
0x1bb: {  	s1 =	rddreg [dreg:$0x1];
	p0 =	sne.s32 s2, $0x0  }
0x1bc: {  	s3 =	rddreg [dreg:$0x2];
	[bflag:$0x3] =	sbarrier.arrive $0xFFFF;
	s2 =	simm.s32 @!p0 $0x1C07  }
0x1bd: {  	[timem:s3], [sflag:s2] =	dma.local @!p0 [hbm:s0], s1  }
0x1be: {  	s0 =	simm.s32 @!p0 $0x7  }
0x1bf: {  	_ =	swait.ge @!p0 [sflag:s0], s1  }
0x1c0: {  	s1 =	ssub.s32 @!p0 $0x0, s1;
	[sflag:s0] =	ssyncset.done @!p0 $0x0  }
0x1c1: {  	[sflag:s0] =	ssyncadd.s32 @!p0 s1  }
0x1c2: {  	[bflag:$0x3] =	sbarrier.arrive $0xFFFF  }
0x1c3: {  	_ =	shalt  }

</sc_bundles>
